<compile_context>
chip_gen: v7x
topology: tpu7x:2x2x1
jax: 0.10.2.dev20260603
libtpu: 0.0.44.dev20260713+nightly
codegen_flags: <defaults>
</compile_context>

<pallas_src>
import functools

import jax
import jax.numpy as jnp
from jax import lax
from jax.experimental import pallas as pl
from jax.experimental.pallas import tpu as pltpu
from jax.experimental.pallas import tpu_sc as plsc

_NUM_CLASSES = 100
_BATCH = 4096
_LAMBDA = 3.0
_NUM_WORKERS = 32
_F = 3584
_NTC = _BATCH - _F
_B_PER_W = _F // _NUM_WORKERS
_NSLAB = 8
_TC_GROUP = 8
_TC_STEPS = _NTC // _TC_GROUP


def _sc_gather(hist_t, idx):
    mesh = plsc.VectorSubcoreMesh(core_axis_name="c", subcore_axis_name="s")

    @functools.partial(
        pl.kernel,
        out_type=jax.ShapeDtypeStruct((_F, _NUM_CLASSES), jnp.float32),
        mesh=mesh,
        scratch_types=[
            pltpu.VMEM((_B_PER_W,), jnp.int32),
            [pltpu.VMEM((_NUM_CLASSES, 128), jnp.float32)] * _NSLAB,
            pltpu.VMEM((_B_PER_W, _NUM_CLASSES), jnp.float32),
            pltpu.SemaphoreType.DMA,
            pltpu.SemaphoreType.DMA,
        ],
        compiler_params=pltpu.CompilerParams(needs_layout_passes=False),
    )
    def gather_kernel(
        hist_hbm, idx_hbm, out_hbm, idx_v, slabs_v, compact_v, sem_a, sem_b
    ):
        wid = lax.axis_index("s") * 2 + lax.axis_index("c")
        base = wid * _B_PER_W
        pltpu.sync_copy(idx_hbm.at[pl.ds(base, _B_PER_W)], idx_v)

        iota16 = lax.iota(jnp.int32, 16)
        chunk_starts = [0, 16, 32, 48, 64, 80, 84]
        sems = [sem_a, sem_b]

        def issue(v, g, sem):
            ts = []
            for u in range(4):
                r = v[4 * g + u]
                t = lax.bitwise_and(r, 127)
                off = pl.multiple_of(lax.sub(r, t), 128)
                ts.append(t)
                pltpu.async_copy(
                    hist_hbm.at[:, pl.ds(off, 128)],
                    slabs_v[4 * (g % 2) + u],
                    sem,
                )
            return ts

        def extract(k, g, ts):
            for u in range(4):
                row = k * 16 + 4 * g + u
                tvec = iota16 * 0 + ts[u]
                for c0 in chunk_starts:
                    vals = plsc.load_gather(
                        slabs_v[4 * (g % 2) + u], [c0 + iota16, tvec]
                    )
                    compact_v[row, pl.ds(c0, 16)] = vals

        def drain(sem):
            for u in range(4):
                pltpu.make_async_copy(
                    hist_hbm.at[:, pl.ds(0, 128)], slabs_v[u], sem
                ).wait()

        def body(k, _):
            v = idx_v[pl.ds(k * 16, 16)]
            ts0 = issue(v, 0, sems[0])
            ts1 = issue(v, 1, sems[1])
            drain(sems[0])
            extract(k, 0, ts0)
            ts2 = issue(v, 2, sems[0])
            drain(sems[1])
            extract(k, 1, ts1)
            ts3 = issue(v, 3, sems[1])
            drain(sems[0])
            extract(k, 2, ts2)
            drain(sems[1])
            extract(k, 3, ts3)
            return 0

        lax.fori_loop(0, _B_PER_W // 16, body, 0)
        pltpu.sync_copy(compact_v, out_hbm.at[pl.ds(base, _B_PER_W)])

    return gather_kernel(hist_t, idx)


def _tc_gather_body(off_ref, t_ref, hist_ref, out_ref, slabs_ref, sems):
    g = pl.program_id(0)

    def issue(gg, b):
        for u in range(_TC_GROUP):
            r = off_ref[_F + gg * _TC_GROUP + u]
            off = pl.multiple_of(r - lax.bitwise_and(r, 127), 128)
            pltpu.make_async_copy(
                hist_ref.at[:, pl.ds(off, 128)],
                slabs_ref.at[b, :, pl.ds(128 * u, 128)],
                sems.at[b],
            ).start()

    @pl.when(g == 0)
    def _prologue():
        issue(0, 0)

    @pl.when(g + 1 < _TC_STEPS)
    def _next():
        issue(g + 1, (g + 1) % 2)

    b = g % 2
    pltpu.make_async_copy(
        hist_ref.at[:, pl.ds(0, 128 * _TC_GROUP)],
        slabs_ref.at[b],
        sems.at[b],
    ).wait()

    s = slabs_ref[b]
    s = jnp.where(jnp.isfinite(s), s, 0.0)
    tcol = jnp.reshape(
        jnp.bitwise_and(t_ref[0, 0, :], 127), (_TC_GROUP, 1)
    )
    li = lax.broadcasted_iota(jnp.int32, (_TC_GROUP, 128 * _TC_GROUP), 1)
    si = lax.broadcasted_iota(jnp.int32, (_TC_GROUP, 128 * _TC_GROUP), 0)
    p8 = jnp.where(
        (lax.shift_right_logical(li, 7) == si)
        & (lax.bitwise_and(li, 127) == tcol),
        1.0,
        0.0,
    ).astype(jnp.float32)
    e = lax.dot_general(
        s, p8, (((1,), (1,)), ((), ())), preferred_element_type=jnp.float32
    )
    m = g % 16
    ri = lax.broadcasted_iota(jnp.int32, (_TC_GROUP, 128), 0)
    rl = lax.broadcasted_iota(jnp.int32, (_TC_GROUP, 128), 1)
    rmat = jnp.where(rl == m * _TC_GROUP + ri, 1.0, 0.0).astype(jnp.float32)
    z = lax.dot_general(
        e, rmat, (((1,), (0,)), ((), ())), preferred_element_type=jnp.float32
    )

    @pl.when(m == 0)
    def _init():
        out_ref[...] = z

    @pl.when(m != 0)
    def _accum():
        out_ref[...] += z


def _tc_gather(hist_t, idx, idx3):
    grid_spec = pltpu.PrefetchScalarGridSpec(
        num_scalar_prefetch=0,
        grid=(_TC_STEPS,),
        in_specs=[
            pl.BlockSpec(memory_space=pltpu.SMEM),
            pl.BlockSpec(
                (1, 1, _TC_GROUP),
                lambda g: (g + _F // _TC_GROUP, 0, 0),
            ),
            pl.BlockSpec(memory_space=pl.ANY),
        ],
        out_specs=pl.BlockSpec(
            (_NUM_CLASSES, 128), lambda g: (0, g // 16)
        ),
        scratch_shapes=[
            pltpu.VMEM((2, _NUM_CLASSES, 128 * _TC_GROUP), jnp.float32),
            pltpu.SemaphoreType.DMA((2,)),
        ],
    )
    return pl.pallas_call(
        _tc_gather_body,
        grid_spec=grid_spec,
        out_shape=jax.ShapeDtypeStruct((_NUM_CLASSES, _NTC), jnp.float32),
    )(idx, idx3, hist_t)


def _tc_softmax_body(out_ref, tgt_ref, y_ref, ce_ref):
    x = out_ref[...]
    m = jnp.max(x, axis=0, keepdims=True)
    xm = x - m
    e = jnp.exp(xm)
    s = jnp.sum(e, axis=0, keepdims=True)
    y_ref[...] = jnp.clip(e / s, 0.0001, 1.0 - 0.0001)
    log_sm = xm - jnp.log(s)
    ce_ref[0, 0] = jnp.sum(-tgt_ref[...] * log_sm)


def _tc_softmax(out_t, tgt_t):
    return pl.pallas_call(
        _tc_softmax_body,
        out_shape=(
            jax.ShapeDtypeStruct((_NUM_CLASSES, _BATCH), jnp.float32),
            jax.ShapeDtypeStruct((1, 1), jnp.float32),
        ),
        in_specs=[
            pl.BlockSpec(memory_space=pltpu.VMEM),
            pl.BlockSpec(memory_space=pltpu.VMEM),
        ],
        out_specs=(
            pl.BlockSpec(memory_space=pltpu.VMEM),
            pl.BlockSpec(memory_space=pltpu.SMEM),
        ),
    )(out_t, tgt_t)


def _tc_final_body(hsc_ref, htc_ref, y_ref, ce_ref, loss_ref):
    ii = lax.broadcasted_iota(jnp.int32, (_NUM_CLASSES, _NUM_CLASSES), 0)
    jj = lax.broadcasted_iota(jnp.int32, (_NUM_CLASSES, _NUM_CLASSES), 1)
    eye = jnp.where(ii == jj, 1.0, 0.0).astype(jnp.float32)
    hsc_t = lax.dot_general(
        eye,
        hsc_ref[...],
        (((1,), (1,)), ((), ())),
        preferred_element_type=jnp.float32,
    )
    y = y_ref[...]
    dot_a = jnp.sum(hsc_t * y[:, : _F], axis=0, keepdims=True)
    dot_b = jnp.sum(htc_ref[...] * y[:, _F:], axis=0, keepdims=True)
    reg = jnp.sum(jnp.log(1.0 - dot_a)) + jnp.sum(jnp.log(1.0 - dot_b))
    loss_ref[0, 0] = (ce_ref[0, 0] + _LAMBDA * reg) / _BATCH


def _tc_final(hist_sc, hist_tc_t, y_t, ce):
    return pl.pallas_call(
        _tc_final_body,
        out_shape=jax.ShapeDtypeStruct((1, 1), jnp.float32),
        in_specs=[
            pl.BlockSpec(memory_space=pltpu.VMEM),
            pl.BlockSpec(memory_space=pltpu.VMEM),
            pl.BlockSpec(memory_space=pltpu.VMEM),
            pl.BlockSpec(memory_space=pltpu.SMEM),
        ],
        out_specs=pl.BlockSpec(memory_space=pltpu.SMEM),
    )(hist_sc, hist_tc_t, y_t, ce)


def kernel(index, output, target, history):
    idx = index.astype(jnp.int32)
    hist_t = history.T
    hist_sc = _sc_gather(hist_t, idx)
    hist_tc_t = _tc_gather(
        hist_t, idx, jnp.reshape(idx, (_BATCH // _TC_GROUP, 1, _TC_GROUP))
    )
    y_t, ce = _tc_softmax(output.T, target.T)
    loss = _tc_final(hist_sc, hist_tc_t, y_t, ce)
    return loss[0, 0]

# --- scband reference (transcript-rebuilt; emitter-appended) ---
"""Pipeline reference for scband-elrloss-50371376447941 (READ-ONLY COPY).

The authoritative reference and input builder live on the scoring server;
editing this copy changes nothing except your own understanding.
"""

import jax, jax.numpy as jnp
import numpy as np

NUM_CLASSES = 100
NUM_SAMPLES = 1000000
BATCH = 4096
BETA = 0.7
LAMBDA_ = 3.0


def setup_inputs(seed: int = 0) -> dict:
    key = jax.random.key(seed)
    k1, k2, k3, k4 = jax.random.split(key, 4)
    index = jax.random.randint(k1, (BATCH,), 0, NUM_SAMPLES)
    output = jax.random.normal(k2, (BATCH, NUM_CLASSES), dtype=jnp.float32)
    target = jax.random.uniform(k3, (BATCH, NUM_CLASSES), dtype=jnp.float32)
    # learned/stateful buffer: per-sample class-probability history (module inits to zeros;
    # use small positive values so the log-regularizer has nontrivial gradients)
    history = jax.random.uniform(k4, (NUM_SAMPLES, NUM_CLASSES), dtype=jnp.float32) * 0.001
    return {"index": index, "output": output, "target": target, "history": history}


def reference(index, output, target, history):
    y_pred = jax.nn.softmax(output, axis=1)
    y_pred = jnp.clip(y_pred, 0.0001, 1.0 - 0.0001)
    ce_loss = jnp.mean(jnp.sum(-target * jax.nn.log_softmax(output, axis=1), axis=1))
    hist_gathered = jnp.take(history, index, axis=0)
    reg = jnp.mean(jnp.log(1.0 - jnp.sum(hist_gathered * y_pred, axis=1)))
    final_loss = ce_loss + LAMBDA_ * reg
    return final_loss

if __name__ == "__main__":
    import jax
    _d = setup_inputs()
    print(jax.jit(kernel)(*tuple(_d.values())))

</pallas_src>

<mosaic_0001>
#map = affine_map<(d0, d1) -> (0, 0)>
#map1 = affine_map<(d0, d1) -> (0)>
module attributes {stable_mosaic.version = 14 : i64} {
  func.func @gather_kernel(%arg0: i32, %arg1: i32, %arg2: memref<100x1000000xf32, #tpu.memory_space<hbm>>, %arg3: memref<4096xi32, #tpu.memory_space<hbm>>, %arg4: memref<3584x100xf32, #tpu.memory_space<hbm>>, %arg5: memref<112xi32, #tpu.memory_space<vmem>>, %arg6: memref<100x128xf32, #tpu.memory_space<vmem>>, %arg7: memref<100x128xf32, #tpu.memory_space<vmem>>, %arg8: memref<100x128xf32, #tpu.memory_space<vmem>>, %arg9: memref<100x128xf32, #tpu.memory_space<vmem>>, %arg10: memref<100x128xf32, #tpu.memory_space<vmem>>, %arg11: memref<100x128xf32, #tpu.memory_space<vmem>>, %arg12: memref<100x128xf32, #tpu.memory_space<vmem>>, %arg13: memref<100x128xf32, #tpu.memory_space<vmem>>, %arg14: memref<112x100xf32, #tpu.memory_space<vmem>>, %arg15: memref<!tpu.dma_semaphore, #tpu.memory_space<semaphore_mem>>, %arg16: memref<!tpu.dma_semaphore, #tpu.memory_space<semaphore_mem>>) attributes {dimension_semantics = [#tpu.dimension_semantics<core_parallel>, #tpu.dimension_semantics<subcore_parallel>], iteration_bounds = array<i64: 2, 16>, scalar_prefetch = 0 : i64, scratch_operands = 12 : i64, tpu.core_type = #tpu.core_type<sc_vector_subcore>, window_params = [{transform_indices = #map}, {transform_indices = #map1}, {transform_indices = #map}]} {
    %mul3A = arith.constant 2 : i32
    %mul3A_0 = arith.muli %arg1, %mul3A : i32
    %add3A = arith.addi %mul3A_0, %arg0 : i32
    %mul3A_1 = arith.constant 112 : i32
    %mul3A_2 = arith.muli %add3A, %mul3A_1 : i32
    "tpu.region"() ({
      %run_scoped3A = tpu.sem_alloc : memref<!tpu.dma_semaphore, #tpu.memory_space<semaphore_mem>>
      %dma_start3A = tpu.memref_slice %arg3[%mul3A_2] : memref<4096xi32, #tpu.memory_space<hbm>> -> memref<112xi32, #tpu.memory_space<hbm>>
      %dma_start3A_9 = tpu.memref_slice %arg3[%mul3A_2] : memref<4096xi32, #tpu.memory_space<hbm>> -> memref<112xi32, #tpu.memory_space<hbm>>
      tpu.enqueue_dma source(%dma_start3A_9 : memref<112xi32, #tpu.memory_space<hbm>>) target(%arg5 : memref<112xi32, #tpu.memory_space<vmem>>) target_semaphore(%run_scoped3A : memref<!tpu.dma_semaphore, #tpu.memory_space<semaphore_mem>>)
      %dma_wait3A = tpu.memref_slice %arg3[%mul3A_2] : memref<4096xi32, #tpu.memory_space<hbm>> -> memref<112xi32, #tpu.memory_space<hbm>>
      %dma_wait3A_10 = tpu.memref_slice %arg3[%mul3A_2] : memref<4096xi32, #tpu.memory_space<hbm>> -> memref<112xi32, #tpu.memory_space<hbm>>
      tpu.wait_dma2 semaphore(%run_scoped3A : memref<!tpu.dma_semaphore, #tpu.memory_space<semaphore_mem>>) src(%dma_wait3A_10 : memref<112xi32, #tpu.memory_space<hbm>>) dst(%arg5 : memref<112xi32, #tpu.memory_space<vmem>>)
      tpu.yield
    }) : () -> ()
    %iota3A = tpu.iota {dimensions = array<i32: 0>} : vector<16xi32>
    %scan3A = arith.constant 0 : i32
    %scan3A_3 = arith.constant 0 : i32
    %scan3A_4 = arith.constant 7 : i32
    %scan3A_5 = arith.addi %scan3A_3, %scan3A_4 : i32
    %scan3A_6 = arith.constant 1 : i32
    %scan3A_7 = scf.for %scan3A_9 = %scan3A_3 to %scan3A_5 step %scan3A_6 iter_args(%scan3A_10 = %scan3A) -> (i32)  : i32 {
      %mul3A_11 = arith.constant 16 : i32
      %mul3A_12 = arith.muli %scan3A_9, %mul3A_11 : i32
      %get3A = arith.index_cast %mul3A_12 : i32 to index
      %get3A_13 = tpu.vector_load %arg5[%get3A] {strides = array<i32>} : memref<112xi32, #tpu.memory_space<vmem>>, vector<16xi32>,
      %slice3A = vector.extract_strided_slice %get3A_13 {offsets = [0], sizes = [1], strides = [1]} : vector<16xi32> to vector<1xi32>
      %squeeze3A = vector.extract %slice3A[0] : i32 from vector<1xi32>
      %and3A = arith.constant 127 : i32
      %and3A_14 = arith.andi %squeeze3A, %and3A : i32
      %sub3A = arith.subi %squeeze3A, %and3A_14 : i32
      %multiple_of3A = tpu.assume_multiple %sub3A, 128 : i32
      %dma_start3A = arith.constant 0 : i32
      %dma_start3A_15 = tpu.memref_slice %arg2[%dma_start3A, %multiple_of3A] : memref<100x1000000xf32, #tpu.memory_space<hbm>> -> memref<100x128xf32, #tpu.memory_space<hbm>>
      %dma_start3A_16 = arith.constant 0 : i32
      %dma_start3A_17 = tpu.memref_slice %arg2[%dma_start3A_16, %multiple_of3A] : memref<100x1000000xf32, #tpu.memory_space<hbm>> -> memref<100x128xf32, #tpu.memory_space<hbm>>
      tpu.enqueue_dma source(%dma_start3A_17 : memref<100x128xf32, #tpu.memory_space<hbm>>) target(%arg6 : memref<100x128xf32, #tpu.memory_space<vmem>>) target_semaphore(%arg15 : memref<!tpu.dma_semaphore, #tpu.memory_space<semaphore_mem>>)
      %slice3A_18 = vector.extract_strided_slice %get3A_13 {offsets = [1], sizes = [1], strides = [1]} : vector<16xi32> to vector<1xi32>
      %squeeze3A_19 = vector.extract %slice3A_18[0] : i32 from vector<1xi32>
      %and3A_20 = arith.constant 127 : i32
      %and3A_21 = arith.andi %squeeze3A_19, %and3A_20 : i32
      %sub3A_22 = arith.subi %squeeze3A_19, %and3A_21 : i32
      %multiple_of3A_23 = tpu.assume_multiple %sub3A_22, 128 : i32
      %dma_start3A_24 = arith.constant 0 : i32
      %dma_start3A_25 = tpu.memref_slice %arg2[%dma_start3A_24, %multiple_of3A_23] : memref<100x1000000xf32, #tpu.memory_space<hbm>> -> memref<100x128xf32, #tpu.memory_space<hbm>>
      %dma_start3A_26 = arith.constant 0 : i32
      %dma_start3A_27 = tpu.memref_slice %arg2[%dma_start3A_26, %multiple_of3A_23] : memref<100x1000000xf32, #tpu.memory_space<hbm>> -> memref<100x128xf32, #tpu.memory_space<hbm>>
      tpu.enqueue_dma source(%dma_start3A_27 : memref<100x128xf32, #tpu.memory_space<hbm>>) target(%arg7 : memref<100x128xf32, #tpu.memory_space<vmem>>) target_semaphore(%arg15 : memref<!tpu.dma_semaphore, #tpu.memory_space<semaphore_mem>>)
      %slice3A_28 = vector.extract_strided_slice %get3A_13 {offsets = [2], sizes = [1], strides = [1]} : vector<16xi32> to vector<1xi32>
      %squeeze3A_29 = vector.extract %slice3A_28[0] : i32 from vector<1xi32>
      %and3A_30 = arith.constant 127 : i32
      %and3A_31 = arith.andi %squeeze3A_29, %and3A_30 : i32
      %sub3A_32 = arith.subi %squeeze3A_29, %and3A_31 : i32
      %multiple_of3A_33 = tpu.assume_multiple %sub3A_32, 128 : i32
      %dma_start3A_34 = arith.constant 0 : i32
      %dma_start3A_35 = tpu.memref_slice %arg2[%dma_start3A_34, %multiple_of3A_33] : memref<100x1000000xf32, #tpu.memory_space<hbm>> -> memref<100x128xf32, #tpu.memory_space<hbm>>
      %dma_start3A_36 = arith.constant 0 : i32
      %dma_start3A_37 = tpu.memref_slice %arg2[%dma_start3A_36, %multiple_of3A_33] : memref<100x1000000xf32, #tpu.memory_space<hbm>> -> memref<100x128xf32, #tpu.memory_space<hbm>>
      tpu.enqueue_dma source(%dma_start3A_37 : memref<100x128xf32, #tpu.memory_space<hbm>>) target(%arg8 : memref<100x128xf32, #tpu.memory_space<vmem>>) target_semaphore(%arg15 : memref<!tpu.dma_semaphore, #tpu.memory_space<semaphore_mem>>)
      %slice3A_38 = vector.extract_strided_slice %get3A_13 {offsets = [3], sizes = [1], strides = [1]} : vector<16xi32> to vector<1xi32>
      %squeeze3A_39 = vector.extract %slice3A_38[0] : i32 from vector<1xi32>
      %and3A_40 = arith.constant 127 : i32
      %and3A_41 = arith.andi %squeeze3A_39, %and3A_40 : i32
      %sub3A_42 = arith.subi %squeeze3A_39, %and3A_41 : i32
      %multiple_of3A_43 = tpu.assume_multiple %sub3A_42, 128 : i32
      %dma_start3A_44 = arith.constant 0 : i32
      %dma_start3A_45 = tpu.memref_slice %arg2[%dma_start3A_44, %multiple_of3A_43] : memref<100x1000000xf32, #tpu.memory_space<hbm>> -> memref<100x128xf32, #tpu.memory_space<hbm>>
      %dma_start3A_46 = arith.constant 0 : i32
      %dma_start3A_47 = tpu.memref_slice %arg2[%dma_start3A_46, %multiple_of3A_43] : memref<100x1000000xf32, #tpu.memory_space<hbm>> -> memref<100x128xf32, #tpu.memory_space<hbm>>
      tpu.enqueue_dma source(%dma_start3A_47 : memref<100x128xf32, #tpu.memory_space<hbm>>) target(%arg9 : memref<100x128xf32, #tpu.memory_space<vmem>>) target_semaphore(%arg15 : memref<!tpu.dma_semaphore, #tpu.memory_space<semaphore_mem>>)
      %slice3A_48 = vector.extract_strided_slice %get3A_13 {offsets = [4], sizes = [1], strides = [1]} : vector<16xi32> to vector<1xi32>
      %squeeze3A_49 = vector.extract %slice3A_48[0] : i32 from vector<1xi32>
      %and3A_50 = arith.constant 127 : i32
      %and3A_51 = arith.andi %squeeze3A_49, %and3A_50 : i32
      %sub3A_52 = arith.subi %squeeze3A_49, %and3A_51 : i32
      %multiple_of3A_53 = tpu.assume_multiple %sub3A_52, 128 : i32
      %dma_start3A_54 = arith.constant 0 : i32
      %dma_start3A_55 = tpu.memref_slice %arg2[%dma_start3A_54, %multiple_of3A_53] : memref<100x1000000xf32, #tpu.memory_space<hbm>> -> memref<100x128xf32, #tpu.memory_space<hbm>>
      %dma_start3A_56 = arith.constant 0 : i32
      %dma_start3A_57 = tpu.memref_slice %arg2[%dma_start3A_56, %multiple_of3A_53] : memref<100x1000000xf32, #tpu.memory_space<hbm>> -> memref<100x128xf32, #tpu.memory_space<hbm>>
      tpu.enqueue_dma source(%dma_start3A_57 : memref<100x128xf32, #tpu.memory_space<hbm>>) target(%arg10 : memref<100x128xf32, #tpu.memory_space<vmem>>) target_semaphore(%arg16 : memref<!tpu.dma_semaphore, #tpu.memory_space<semaphore_mem>>)
      %slice3A_58 = vector.extract_strided_slice %get3A_13 {offsets = [5], sizes = [1], strides = [1]} : vector<16xi32> to vector<1xi32>
      %squeeze3A_59 = vector.extract %slice3A_58[0] : i32 from vector<1xi32>
      %and3A_60 = arith.constant 127 : i32
      %and3A_61 = arith.andi %squeeze3A_59, %and3A_60 : i32
      %sub3A_62 = arith.subi %squeeze3A_59, %and3A_61 : i32
      %multiple_of3A_63 = tpu.assume_multiple %sub3A_62, 128 : i32
      %dma_start3A_64 = arith.constant 0 : i32
      %dma_start3A_65 = tpu.memref_slice %arg2[%dma_start3A_64, %multiple_of3A_63] : memref<100x1000000xf32, #tpu.memory_space<hbm>> -> memref<100x128xf32, #tpu.memory_space<hbm>>
      %dma_start3A_66 = arith.constant 0 : i32
      %dma_start3A_67 = tpu.memref_slice %arg2[%dma_start3A_66, %multiple_of3A_63] : memref<100x1000000xf32, #tpu.memory_space<hbm>> -> memref<100x128xf32, #tpu.memory_space<hbm>>
      tpu.enqueue_dma source(%dma_start3A_67 : memref<100x128xf32, #tpu.memory_space<hbm>>) target(%arg11 : memref<100x128xf32, #tpu.memory_space<vmem>>) target_semaphore(%arg16 : memref<!tpu.dma_semaphore, #tpu.memory_space<semaphore_mem>>)
      %slice3A_68 = vector.extract_strided_slice %get3A_13 {offsets = [6], sizes = [1], strides = [1]} : vector<16xi32> to vector<1xi32>
      %squeeze3A_69 = vector.extract %slice3A_68[0] : i32 from vector<1xi32>
      %and3A_70 = arith.constant 127 : i32
      %and3A_71 = arith.andi %squeeze3A_69, %and3A_70 : i32
      %sub3A_72 = arith.subi %squeeze3A_69, %and3A_71 : i32
      %multiple_of3A_73 = tpu.assume_multiple %sub3A_72, 128 : i32
      %dma_start3A_74 = arith.constant 0 : i32
      %dma_start3A_75 = tpu.memref_slice %arg2[%dma_start3A_74, %multiple_of3A_73] : memref<100x1000000xf32, #tpu.memory_space<hbm>> -> memref<100x128xf32, #tpu.memory_space<hbm>>
      %dma_start3A_76 = arith.constant 0 : i32
      %dma_start3A_77 = tpu.memref_slice %arg2[%dma_start3A_76, %multiple_of3A_73] : memref<100x1000000xf32, #tpu.memory_space<hbm>> -> memref<100x128xf32, #tpu.memory_space<hbm>>
      tpu.enqueue_dma source(%dma_start3A_77 : memref<100x128xf32, #tpu.memory_space<hbm>>) target(%arg12 : memref<100x128xf32, #tpu.memory_space<vmem>>) target_semaphore(%arg16 : memref<!tpu.dma_semaphore, #tpu.memory_space<semaphore_mem>>)
      %slice3A_78 = vector.extract_strided_slice %get3A_13 {offsets = [7], sizes = [1], strides = [1]} : vector<16xi32> to vector<1xi32>
      %squeeze3A_79 = vector.extract %slice3A_78[0] : i32 from vector<1xi32>
      %and3A_80 = arith.constant 127 : i32
      %and3A_81 = arith.andi %squeeze3A_79, %and3A_80 : i32
      %sub3A_82 = arith.subi %squeeze3A_79, %and3A_81 : i32
      %multiple_of3A_83 = tpu.assume_multiple %sub3A_82, 128 : i32
      %dma_start3A_84 = arith.constant 0 : i32
      %dma_start3A_85 = tpu.memref_slice %arg2[%dma_start3A_84, %multiple_of3A_83] : memref<100x1000000xf32, #tpu.memory_space<hbm>> -> memref<100x128xf32, #tpu.memory_space<hbm>>
      %dma_start3A_86 = arith.constant 0 : i32
      %dma_start3A_87 = tpu.memref_slice %arg2[%dma_start3A_86, %multiple_of3A_83] : memref<100x1000000xf32, #tpu.memory_space<hbm>> -> memref<100x128xf32, #tpu.memory_space<hbm>>
      tpu.enqueue_dma source(%dma_start3A_87 : memref<100x128xf32, #tpu.memory_space<hbm>>) target(%arg13 : memref<100x128xf32, #tpu.memory_space<vmem>>) target_semaphore(%arg16 : memref<!tpu.dma_semaphore, #tpu.memory_space<semaphore_mem>>)
      %dma_wait3A = arith.constant 0 : i32
      %dma_wait3A_88 = arith.constant 0 : i32
      %dma_wait3A_89 = tpu.memref_slice %arg2[%dma_wait3A, %dma_wait3A_88] : memref<100x1000000xf32, #tpu.memory_space<hbm>> -> memref<100x128xf32, #tpu.memory_space<hbm>>
      %dma_wait3A_90 = arith.constant 0 : i32
      %dma_wait3A_91 = arith.constant 0 : i32
      %dma_wait3A_92 = tpu.memref_slice %arg2[%dma_wait3A_90, %dma_wait3A_91] : memref<100x1000000xf32, #tpu.memory_space<hbm>> -> memref<100x128xf32, #tpu.memory_space<hbm>>
      tpu.wait_dma2 semaphore(%arg15 : memref<!tpu.dma_semaphore, #tpu.memory_space<semaphore_mem>>) src(%dma_wait3A_92 : memref<100x128xf32, #tpu.memory_space<hbm>>) dst(%arg6 : memref<100x128xf32, #tpu.memory_space<vmem>>)
      %dma_wait3A_93 = arith.constant 0 : i32
      %dma_wait3A_94 = arith.constant 0 : i32
      %dma_wait3A_95 = tpu.memref_slice %arg2[%dma_wait3A_93, %dma_wait3A_94] : memref<100x1000000xf32, #tpu.memory_space<hbm>> -> memref<100x128xf32, #tpu.memory_space<hbm>>
      %dma_wait3A_96 = arith.constant 0 : i32
      %dma_wait3A_97 = arith.constant 0 : i32
      %dma_wait3A_98 = tpu.memref_slice %arg2[%dma_wait3A_96, %dma_wait3A_97] : memref<100x1000000xf32, #tpu.memory_space<hbm>> -> memref<100x128xf32, #tpu.memory_space<hbm>>
      tpu.wait_dma2 semaphore(%arg15 : memref<!tpu.dma_semaphore, #tpu.memory_space<semaphore_mem>>) src(%dma_wait3A_98 : memref<100x128xf32, #tpu.memory_space<hbm>>) dst(%arg7 : memref<100x128xf32, #tpu.memory_space<vmem>>)
      %dma_wait3A_99 = arith.constant 0 : i32
      %dma_wait3A_100 = arith.constant 0 : i32
      %dma_wait3A_101 = tpu.memref_slice %arg2[%dma_wait3A_99, %dma_wait3A_100] : memref<100x1000000xf32, #tpu.memory_space<hbm>> -> memref<100x128xf32, #tpu.memory_space<hbm>>
      %dma_wait3A_102 = arith.constant 0 : i32
      %dma_wait3A_103 = arith.constant 0 : i32
      %dma_wait3A_104 = tpu.memref_slice %arg2[%dma_wait3A_102, %dma_wait3A_103] : memref<100x1000000xf32, #tpu.memory_space<hbm>> -> memref<100x128xf32, #tpu.memory_space<hbm>>
      tpu.wait_dma2 semaphore(%arg15 : memref<!tpu.dma_semaphore, #tpu.memory_space<semaphore_mem>>) src(%dma_wait3A_104 : memref<100x128xf32, #tpu.memory_space<hbm>>) dst(%arg8 : memref<100x128xf32, #tpu.memory_space<vmem>>)
      %dma_wait3A_105 = arith.constant 0 : i32
      %dma_wait3A_106 = arith.constant 0 : i32
      %dma_wait3A_107 = tpu.memref_slice %arg2[%dma_wait3A_105, %dma_wait3A_106] : memref<100x1000000xf32, #tpu.memory_space<hbm>> -> memref<100x128xf32, #tpu.memory_space<hbm>>
      %dma_wait3A_108 = arith.constant 0 : i32
      %dma_wait3A_109 = arith.constant 0 : i32
      %dma_wait3A_110 = tpu.memref_slice %arg2[%dma_wait3A_108, %dma_wait3A_109] : memref<100x1000000xf32, #tpu.memory_space<hbm>> -> memref<100x128xf32, #tpu.memory_space<hbm>>
      tpu.wait_dma2 semaphore(%arg15 : memref<!tpu.dma_semaphore, #tpu.memory_space<semaphore_mem>>) src(%dma_wait3A_110 : memref<100x128xf32, #tpu.memory_space<hbm>>) dst(%arg9 : memref<100x128xf32, #tpu.memory_space<vmem>>)
      %mul3A_111 = arith.constant 16 : i32
      %mul3A_112 = arith.muli %scan3A_9, %mul3A_111 : i32
      %add3A_113 = arith.constant 0 : i32
      %add3A_114 = arith.addi %mul3A_112, %add3A_113 : i32
      %add3A_115 = arith.constant 0 : i32
      %add3A_116 = arith.addi %add3A_114, %add3A_115 : i32
      %mul3A_117 = arith.constant 0 : i32
      %mul3A_118 = vector.broadcast %mul3A_117 : i32 to vector<16xi32>
      %mul3A_119 = arith.muli %iota3A, %mul3A_118 : vector<16xi32>
      %add3A_120 = vector.broadcast %and3A_14 : i32 to vector<16xi32>
      %add3A_121 = arith.addi %mul3A_119, %add3A_120 : vector<16xi32>
      %add3A_122 = arith.constant 0 : i32
      %add3A_123 = vector.broadcast %add3A_122 : i32 to vector<16xi32>
      %add3A_124 = arith.addi %add3A_123, %iota3A : vector<16xi32>
      %gather3A = tpu.vector_load_idx %arg6[%add3A_124, %add3A_121] : memref<100x128xf32, #tpu.memory_space<vmem>>[vector<16xi32>, vector<16xi32>], vector<16xf32>,
      %swap3A = arith.index_cast %add3A_116 : i32 to index
      %swap3A_125 = arith.constant 0 : index
      %swap3A_126 = tpu.vector_load %arg14[%swap3A, %swap3A_125] {strides = array<i32>} : memref<112x100xf32, #tpu.memory_space<vmem>>, vector<16xf32>,
      tpu.vector_store %arg14[%swap3A, %swap3A_125], %gather3A {strides = array<i32>} : memref<112x100xf32, #tpu.memory_space<vmem>>, vector<16xf32>,
      %add3A_127 = arith.constant 16 : i32
      %add3A_128 = vector.broadcast %add3A_127 : i32 to vector<16xi32>
      %add3A_129 = arith.addi %add3A_128, %iota3A : vector<16xi32>
      %gather3A_130 = tpu.vector_load_idx %arg6[%add3A_129, %add3A_121] : memref<100x128xf32, #tpu.memory_space<vmem>>[vector<16xi32>, vector<16xi32>], vector<16xf32>,
      %swap3A_131 = arith.index_cast %add3A_116 : i32 to index
      %swap3A_132 = arith.constant 16 : index
      %swap3A_133 = tpu.vector_load %arg14[%swap3A_131, %swap3A_132] {strides = array<i32>} : memref<112x100xf32, #tpu.memory_space<vmem>>, vector<16xf32>,
      tpu.vector_store %arg14[%swap3A_131, %swap3A_132], %gather3A_130 {strides = array<i32>} : memref<112x100xf32, #tpu.memory_space<vmem>>, vector<16xf32>,
      %add3A_134 = arith.constant 32 : i32
      %add3A_135 = vector.broadcast %add3A_134 : i32 to vector<16xi32>
      %add3A_136 = arith.addi %add3A_135, %iota3A : vector<16xi32>
      %gather3A_137 = tpu.vector_load_idx %arg6[%add3A_136, %add3A_121] : memref<100x128xf32, #tpu.memory_space<vmem>>[vector<16xi32>, vector<16xi32>], vector<16xf32>,
      %swap3A_138 = arith.index_cast %add3A_116 : i32 to index
      %swap3A_139 = arith.constant 32 : index
      %swap3A_140 = tpu.vector_load %arg14[%swap3A_138, %swap3A_139] {strides = array<i32>} : memref<112x100xf32, #tpu.memory_space<vmem>>, vector<16xf32>,
      tpu.vector_store %arg14[%swap3A_138, %swap3A_139], %gather3A_137 {strides = array<i32>} : memref<112x100xf32, #tpu.memory_space<vmem>>, vector<16xf32>,
      %add3A_141 = arith.constant 48 : i32
      %add3A_142 = vector.broadcast %add3A_141 : i32 to vector<16xi32>
      %add3A_143 = arith.addi %add3A_142, %iota3A : vector<16xi32>
      %gather3A_144 = tpu.vector_load_idx %arg6[%add3A_143, %add3A_121] : memref<100x128xf32, #tpu.memory_space<vmem>>[vector<16xi32>, vector<16xi32>], vector<16xf32>,
      %swap3A_145 = arith.index_cast %add3A_116 : i32 to index
      %swap3A_146 = arith.constant 48 : index
      %swap3A_147 = tpu.vector_load %arg14[%swap3A_145, %swap3A_146] {strides = array<i32>} : memref<112x100xf32, #tpu.memory_space<vmem>>, vector<16xf32>,
      tpu.vector_store %arg14[%swap3A_145, %swap3A_146], %gather3A_144 {strides = array<i32>} : memref<112x100xf32, #tpu.memory_space<vmem>>, vector<16xf32>,
      %add3A_148 = arith.constant 64 : i32
      %add3A_149 = vector.broadcast %add3A_148 : i32 to vector<16xi32>
      %add3A_150 = arith.addi %add3A_149, %iota3A : vector<16xi32>
      %gather3A_151 = tpu.vector_load_idx %arg6[%add3A_150, %add3A_121] : memref<100x128xf32, #tpu.memory_space<vmem>>[vector<16xi32>, vector<16xi32>], vector<16xf32>,
      %swap3A_152 = arith.index_cast %add3A_116 : i32 to index
      %swap3A_153 = arith.constant 64 : index
      %swap3A_154 = tpu.vector_load %arg14[%swap3A_152, %swap3A_153] {strides = array<i32>} : memref<112x100xf32, #tpu.memory_space<vmem>>, vector<16xf32>,
      tpu.vector_store %arg14[%swap3A_152, %swap3A_153], %gather3A_151 {strides = array<i32>} : memref<112x100xf32, #tpu.memory_space<vmem>>, vector<16xf32>,
      %add3A_155 = arith.constant 80 : i32
      %add3A_156 = vector.broadcast %add3A_155 : i32 to vector<16xi32>
      %add3A_157 = arith.addi %add3A_156, %iota3A : vector<16xi32>
      %gather3A_158 = tpu.vector_load_idx %arg6[%add3A_157, %add3A_121] : memref<100x128xf32, #tpu.memory_space<vmem>>[vector<16xi32>, vector<16xi32>], vector<16xf32>,
      %swap3A_159 = arith.index_cast %add3A_116 : i32 to index
      %swap3A_160 = arith.constant 80 : index
      %swap3A_161 = tpu.vector_load %arg14[%swap3A_159, %swap3A_160] {strides = array<i32>} : memref<112x100xf32, #tpu.memory_space<vmem>>, vector<16xf32>,
      tpu.vector_store %arg14[%swap3A_159, %swap3A_160], %gather3A_158 {strides = array<i32>} : memref<112x100xf32, #tpu.memory_space<vmem>>, vector<16xf32>,
      %add3A_162 = arith.constant 84 : i32
      %add3A_163 = vector.broadcast %add3A_162 : i32 to vector<16xi32>
      %add3A_164 = arith.addi %add3A_163, %iota3A : vector<16xi32>
      %gather3A_165 = tpu.vector_load_idx %arg6[%add3A_164, %add3A_121] : memref<100x128xf32, #tpu.memory_space<vmem>>[vector<16xi32>, vector<16xi32>], vector<16xf32>,
      %swap3A_166 = arith.index_cast %add3A_116 : i32 to index
      %swap3A_167 = arith.constant 84 : index
      %swap3A_168 = tpu.vector_load %arg14[%swap3A_166, %swap3A_167] {strides = array<i32>} : memref<112x100xf32, #tpu.memory_space<vmem>>, vector<16xf32>,
      tpu.vector_store %arg14[%swap3A_166, %swap3A_167], %gather3A_165 {strides = array<i32>} : memref<112x100xf32, #tpu.memory_space<vmem>>, vector<16xf32>,
      %mul3A_169 = arith.constant 16 : i32
      %mul3A_170 = arith.muli %scan3A_9, %mul3A_169 : i32
      %add3A_171 = arith.constant 0 : i32
      %add3A_172 = arith.addi %mul3A_170, %add3A_171 : i32
      %add3A_173 = arith.constant 1 : i32
      %add3A_174 = arith.addi %add3A_172, %add3A_173 : i32
      %mul3A_175 = arith.constant 0 : i32
      %mul3A_176 = vector.broadcast %mul3A_175 : i32 to vector<16xi32>
      %mul3A_177 = arith.muli %iota3A, %mul3A_176 : vector<16xi32>
      %add3A_178 = vector.broadcast %and3A_21 : i32 to vector<16xi32>
      %add3A_179 = arith.addi %mul3A_177, %add3A_178 : vector<16xi32>
      %add3A_180 = arith.constant 0 : i32
      %add3A_181 = vector.broadcast %add3A_180 : i32 to vector<16xi32>
      %add3A_182 = arith.addi %add3A_181, %iota3A : vector<16xi32>
      %gather3A_183 = tpu.vector_load_idx %arg7[%add3A_182, %add3A_179] : memref<100x128xf32, #tpu.memory_space<vmem>>[vector<16xi32>, vector<16xi32>], vector<16xf32>,
      %swap3A_184 = arith.index_cast %add3A_174 : i32 to index
      %swap3A_185 = arith.constant 0 : index
      %swap3A_186 = tpu.vector_load %arg14[%swap3A_184, %swap3A_185] {strides = array<i32>} : memref<112x100xf32, #tpu.memory_space<vmem>>, vector<16xf32>,
      tpu.vector_store %arg14[%swap3A_184, %swap3A_185], %gather3A_183 {strides = array<i32>} : memref<112x100xf32, #tpu.memory_space<vmem>>, vector<16xf32>,
      %add3A_187 = arith.constant 16 : i32
      %add3A_188 = vector.broadcast %add3A_187 : i32 to vector<16xi32>
      %add3A_189 = arith.addi %add3A_188, %iota3A : vector<16xi32>
      %gather3A_190 = tpu.vector_load_idx %arg7[%add3A_189, %add3A_179] : memref<100x128xf32, #tpu.memory_space<vmem>>[vector<16xi32>, vector<16xi32>], vector<16xf32>,
      %swap3A_191 = arith.index_cast %add3A_174 : i32 to index
      %swap3A_192 = arith.constant 16 : index
      %swap3A_193 = tpu.vector_load %arg14[%swap3A_191, %swap3A_192] {strides = array<i32>} : memref<112x100xf32, #tpu.memory_space<vmem>>, vector<16xf32>,
      tpu.vector_store %arg14[%swap3A_191, %swap3A_192], %gather3A_190 {strides = array<i32>} : memref<112x100xf32, #tpu.memory_space<vmem>>, vector<16xf32>,
      %add3A_194 = arith.constant 32 : i32
      %add3A_195 = vector.broadcast %add3A_194 : i32 to vector<16xi32>
      %add3A_196 = arith.addi %add3A_195, %iota3A : vector<16xi32>
      %gather3A_197 = tpu.vector_load_idx %arg7[%add3A_196, %add3A_179] : memref<100x128xf32, #tpu.memory_space<vmem>>[vector<16xi32>, vector<16xi32>], vector<16xf32>,
      %swap3A_198 = arith.index_cast %add3A_174 : i32 to index
      %swap3A_199 = arith.constant 32 : index
      %swap3A_200 = tpu.vector_load %arg14[%swap3A_198, %swap3A_199] {strides = array<i32>} : memref<112x100xf32, #tpu.memory_space<vmem>>, vector<16xf32>,
      tpu.vector_store %arg14[%swap3A_198, %swap3A_199], %gather3A_197 {strides = array<i32>} : memref<112x100xf32, #tpu.memory_space<vmem>>, vector<16xf32>,
      %add3A_201 = arith.constant 48 : i32
      %add3A_202 = vector.broadcast %add3A_201 : i32 to vector<16xi32>
      %add3A_203 = arith.addi %add3A_202, %iota3A : vector<16xi32>
      %gather3A_204 = tpu.vector_load_idx %arg7[%add3A_203, %add3A_179] : memref<100x128xf32, #tpu.memory_space<vmem>>[vector<16xi32>, vector<16xi32>], vector<16xf32>,
      %swap3A_205 = arith.index_cast %add3A_174 : i32 to index
      %swap3A_206 = arith.constant 48 : index
      %swap3A_207 = tpu.vector_load %arg14[%swap3A_205, %swap3A_206] {strides = array<i32>} : memref<112x100xf32, #tpu.memory_space<vmem>>, vector<16xf32>,
      tpu.vector_store %arg14[%swap3A_205, %swap3A_206], %gather3A_204 {strides = array<i32>} : memref<112x100xf32, #tpu.memory_space<vmem>>, vector<16xf32>,
      %add3A_208 = arith.constant 64 : i32
      %add3A_209 = vector.broadcast %add3A_208 : i32 to vector<16xi32>
      %add3A_210 = arith.addi %add3A_209, %iota3A : vector<16xi32>
      %gather3A_211 = tpu.vector_load_idx %arg7[%add3A_210, %add3A_179] : memref<100x128xf32, #tpu.memory_space<vmem>>[vector<16xi32>, vector<16xi32>], vector<16xf32>,
      %swap3A_212 = arith.index_cast %add3A_174 : i32 to index
      %swap3A_213 = arith.constant 64 : index
      %swap3A_214 = tpu.vector_load %arg14[%swap3A_212, %swap3A_213] {strides = array<i32>} : memref<112x100xf32, #tpu.memory_space<vmem>>, vector<16xf32>,
      tpu.vector_store %arg14[%swap3A_212, %swap3A_213], %gather3A_211 {strides = array<i32>} : memref<112x100xf32, #tpu.memory_space<vmem>>, vector<16xf32>,
      %add3A_215 = arith.constant 80 : i32
      %add3A_216 = vector.broadcast %add3A_215 : i32 to vector<16xi32>
      %add3A_217 = arith.addi %add3A_216, %iota3A : vector<16xi32>
      %gather3A_218 = tpu.vector_load_idx %arg7[%add3A_217, %add3A_179] : memref<100x128xf32, #tpu.memory_space<vmem>>[vector<16xi32>, vector<16xi32>], vector<16xf32>,
      %swap3A_219 = arith.index_cast %add3A_174 : i32 to index
      %swap3A_220 = arith.constant 80 : index
      %swap3A_221 = tpu.vector_load %arg14[%swap3A_219, %swap3A_220] {strides = array<i32>} : memref<112x100xf32, #tpu.memory_space<vmem>>, vector<16xf32>,
      tpu.vector_store %arg14[%swap3A_219, %swap3A_220], %gather3A_218 {strides = array<i32>} : memref<112x100xf32, #tpu.memory_space<vmem>>, vector<16xf32>,
      %add3A_222 = arith.constant 84 : i32
      %add3A_223 = vector.broadcast %add3A_222 : i32 to vector<16xi32>
      %add3A_224 = arith.addi %add3A_223, %iota3A : vector<16xi32>
      %gather3A_225 = tpu.vector_load_idx %arg7[%add3A_224, %add3A_179] : memref<100x128xf32, #tpu.memory_space<vmem>>[vector<16xi32>, vector<16xi32>], vector<16xf32>,
      %swap3A_226 = arith.index_cast %add3A_174 : i32 to index
      %swap3A_227 = arith.constant 84 : index
      %swap3A_228 = tpu.vector_load %arg14[%swap3A_226, %swap3A_227] {strides = array<i32>} : memref<112x100xf32, #tpu.memory_space<vmem>>, vector<16xf32>,
      tpu.vector_store %arg14[%swap3A_226, %swap3A_227], %gather3A_225 {strides = array<i32>} : memref<112x100xf32, #tpu.memory_space<vmem>>, vector<16xf32>,
      %mul3A_229 = arith.constant 16 : i32
      %mul3A_230 = arith.muli %scan3A_9, %mul3A_229 : i32
      %add3A_231 = arith.constant 0 : i32
      %add3A_232 = arith.addi %mul3A_230, %add3A_231 : i32
      %add3A_233 = arith.constant 2 : i32
      %add3A_234 = arith.addi %add3A_232, %add3A_233 : i32
      %mul3A_235 = arith.constant 0 : i32
      %mul3A_236 = vector.broadcast %mul3A_235 : i32 to vector<16xi32>
      %mul3A_237 = arith.muli %iota3A, %mul3A_236 : vector<16xi32>
      %add3A_238 = vector.broadcast %and3A_31 : i32 to vector<16xi32>
      %add3A_239 = arith.addi %mul3A_237, %add3A_238 : vector<16xi32>
      %add3A_240 = arith.constant 0 : i32
      %add3A_241 = vector.broadcast %add3A_240 : i32 to vector<16xi32>
      %add3A_242 = arith.addi %add3A_241, %iota3A : vector<16xi32>
      %gather3A_243 = tpu.vector_load_idx %arg8[%add3A_242, %add3A_239] : memref<100x128xf32, #tpu.memory_space<vmem>>[vector<16xi32>, vector<16xi32>], vector<16xf32>,
      %swap3A_244 = arith.index_cast %add3A_234 : i32 to index
      %swap3A_245 = arith.constant 0 : index
      %swap3A_246 = tpu.vector_load %arg14[%swap3A_244, %swap3A_245] {strides = array<i32>} : memref<112x100xf32, #tpu.memory_space<vmem>>, vector<16xf32>,
      tpu.vector_store %arg14[%swap3A_244, %swap3A_245], %gather3A_243 {strides = array<i32>} : memref<112x100xf32, #tpu.memory_space<vmem>>, vector<16xf32>,
      %add3A_247 = arith.constant 16 : i32
      %add3A_248 = vector.broadcast %add3A_247 : i32 to vector<16xi32>
      %add3A_249 = arith.addi %add3A_248, %iota3A : vector<16xi32>
      %gather3A_250 = tpu.vector_load_idx %arg8[%add3A_249, %add3A_239] : memref<100x128xf32, #tpu.memory_space<vmem>>[vector<16xi32>, vector<16xi32>], vector<16xf32>,
      %swap3A_251 = arith.index_cast %add3A_234 : i32 to index
      %swap3A_252 = arith.constant 16 : index
      %swap3A_253 = tpu.vector_load %arg14[%swap3A_251, %swap3A_252] {strides = array<i32>} : memref<112x100xf32, #tpu.memory_space<vmem>>, vector<16xf32>,
      tpu.vector_store %arg14[%swap3A_251, %swap3A_252], %gather3A_250 {strides = array<i32>} : memref<112x100xf32, #tpu.memory_space<vmem>>, vector<16xf32>,
      %add3A_254 = arith.constant 32 : i32
      %add3A_255 = vector.broadcast %add3A_254 : i32 to vector<16xi32>
      %add3A_256 = arith.addi %add3A_255, %iota3A : vector<16xi32>
      %gather3A_257 = tpu.vector_load_idx %arg8[%add3A_256, %add3A_239] : memref<100x128xf32, #tpu.memory_space<vmem>>[vector<16xi32>, vector<16xi32>], vector<16xf32>,
      %swap3A_258 = arith.index_cast %add3A_234 : i32 to index
      %swap3A_259 = arith.constant 32 : index
      %swap3A_260 = tpu.vector_load %arg14[%swap3A_258, %swap3A_259] {strides = array<i32>} : memref<112x100xf32, #tpu.memory_space<vmem>>, vector<16xf32>,
      tpu.vector_store %arg14[%swap3A_258, %swap3A_259], %gather3A_257 {strides = array<i32>} : memref<112x100xf32, #tpu.memory_space<vmem>>, vector<16xf32>,
      %add3A_261 = arith.constant 48 : i32
      %add3A_262 = vector.broadcast %add3A_261 : i32 to vector<16xi32>
      %add3A_263 = arith.addi %add3A_262, %iota3A : vector<16xi32>
      %gather3A_264 = tpu.vector_load_idx %arg8[%add3A_263, %add3A_239] : memref<100x128xf32, #tpu.memory_space<vmem>>[vector<16xi32>, vector<16xi32>], vector<16xf32>,
      %swap3A_265 = arith.index_cast %add3A_234 : i32 to index
      %swap3A_266 = arith.constant 48 : index
      %swap3A_267 = tpu.vector_load %arg14[%swap3A_265, %swap3A_266] {strides = array<i32>} : memref<112x100xf32, #tpu.memory_space<vmem>>, vector<16xf32>,
      tpu.vector_store %arg14[%swap3A_265, %swap3A_266], %gather3A_264 {strides = array<i32>} : memref<112x100xf32, #tpu.memory_space<vmem>>, vector<16xf32>,
      %add3A_268 = arith.constant 64 : i32
      %add3A_269 = vector.broadcast %add3A_268 : i32 to vector<16xi32>
      %add3A_270 = arith.addi %add3A_269, %iota3A : vector<16xi32>
      %gather3A_271 = tpu.vector_load_idx %arg8[%add3A_270, %add3A_239] : memref<100x128xf32, #tpu.memory_space<vmem>>[vector<16xi32>, vector<16xi32>], vector<16xf32>,
      %swap3A_272 = arith.index_cast %add3A_234 : i32 to index
      %swap3A_273 = arith.constant 64 : index
      %swap3A_274 = tpu.vector_load %arg14[%swap3A_272, %swap3A_273] {strides = array<i32>} : memref<112x100xf32, #tpu.memory_space<vmem>>, vector<16xf32>,
      tpu.vector_store %arg14[%swap3A_272, %swap3A_273], %gather3A_271 {strides = array<i32>} : memref<112x100xf32, #tpu.memory_space<vmem>>, vector<16xf32>,
      %add3A_275 = arith.constant 80 : i32
      %add3A_276 = vector.broadcast %add3A_275 : i32 to vector<16xi32>
      %add3A_277 = arith.addi %add3A_276, %iota3A : vector<16xi32>
      %gather3A_278 = tpu.vector_load_idx %arg8[%add3A_277, %add3A_239] : memref<100x128xf32, #tpu.memory_space<vmem>>[vector<16xi32>, vector<16xi32>], vector<16xf32>,
      %swap3A_279 = arith.index_cast %add3A_234 : i32 to index
      %swap3A_280 = arith.constant 80 : index
      %swap3A_281 = tpu.vector_load %arg14[%swap3A_279, %swap3A_280] {strides = array<i32>} : memref<112x100xf32, #tpu.memory_space<vmem>>, vector<16xf32>,
      tpu.vector_store %arg14[%swap3A_279, %swap3A_280], %gather3A_278 {strides = array<i32>} : memref<112x100xf32, #tpu.memory_space<vmem>>, vector<16xf32>,
      %add3A_282 = arith.constant 84 : i32
      %add3A_283 = vector.broadcast %add3A_282 : i32 to vector<16xi32>
      %add3A_284 = arith.addi %add3A_283, %iota3A : vector<16xi32>
      %gather3A_285 = tpu.vector_load_idx %arg8[%add3A_284, %add3A_239] : memref<100x128xf32, #tpu.memory_space<vmem>>[vector<16xi32>, vector<16xi32>], vector<16xf32>,
      %swap3A_286 = arith.index_cast %add3A_234 : i32 to index
      %swap3A_287 = arith.constant 84 : index
      %swap3A_288 = tpu.vector_load %arg14[%swap3A_286, %swap3A_287] {strides = array<i32>} : memref<112x100xf32, #tpu.memory_space<vmem>>, vector<16xf32>,
      tpu.vector_store %arg14[%swap3A_286, %swap3A_287], %gather3A_285 {strides = array<i32>} : memref<112x100xf32, #tpu.memory_space<vmem>>, vector<16xf32>,
      %mul3A_289 = arith.constant 16 : i32
      %mul3A_290 = arith.muli %scan3A_9, %mul3A_289 : i32
      %add3A_291 = arith.constant 0 : i32
      %add3A_292 = arith.addi %mul3A_290, %add3A_291 : i32
      %add3A_293 = arith.constant 3 : i32
      %add3A_294 = arith.addi %add3A_292, %add3A_293 : i32
      %mul3A_295 = arith.constant 0 : i32
      %mul3A_296 = vector.broadcast %mul3A_295 : i32 to vector<16xi32>
      %mul3A_297 = arith.muli %iota3A, %mul3A_296 : vector<16xi32>
      %add3A_298 = vector.broadcast %and3A_41 : i32 to vector<16xi32>
      %add3A_299 = arith.addi %mul3A_297, %add3A_298 : vector<16xi32>
      %add3A_300 = arith.constant 0 : i32
      %add3A_301 = vector.broadcast %add3A_300 : i32 to vector<16xi32>
      %add3A_302 = arith.addi %add3A_301, %iota3A : vector<16xi32>
      %gather3A_303 = tpu.vector_load_idx %arg9[%add3A_302, %add3A_299] : memref<100x128xf32, #tpu.memory_space<vmem>>[vector<16xi32>, vector<16xi32>], vector<16xf32>,
      %swap3A_304 = arith.index_cast %add3A_294 : i32 to index
      %swap3A_305 = arith.constant 0 : index
      %swap3A_306 = tpu.vector_load %arg14[%swap3A_304, %swap3A_305] {strides = array<i32>} : memref<112x100xf32, #tpu.memory_space<vmem>>, vector<16xf32>,
      tpu.vector_store %arg14[%swap3A_304, %swap3A_305], %gather3A_303 {strides = array<i32>} : memref<112x100xf32, #tpu.memory_space<vmem>>, vector<16xf32>,
      %add3A_307 = arith.constant 16 : i32
      %add3A_308 = vector.broadcast %add3A_307 : i32 to vector<16xi32>
      %add3A_309 = arith.addi %add3A_308, %iota3A : vector<16xi32>
      %gather3A_310 = tpu.vector_load_idx %arg9[%add3A_309, %add3A_299] : memref<100x128xf32, #tpu.memory_space<vmem>>[vector<16xi32>, vector<16xi32>], vector<16xf32>,
      %swap3A_311 = arith.index_cast %add3A_294 : i32 to index
      %swap3A_312 = arith.constant 16 : index
      %swap3A_313 = tpu.vector_load %arg14[%swap3A_311, %swap3A_312] {strides = array<i32>} : memref<112x100xf32, #tpu.memory_space<vmem>>, vector<16xf32>,
      tpu.vector_store %arg14[%swap3A_311, %swap3A_312], %gather3A_310 {strides = array<i32>} : memref<112x100xf32, #tpu.memory_space<vmem>>, vector<16xf32>,
      %add3A_314 = arith.constant 32 : i32
      %add3A_315 = vector.broadcast %add3A_314 : i32 to vector<16xi32>
      %add3A_316 = arith.addi %add3A_315, %iota3A : vector<16xi32>
      %gather3A_317 = tpu.vector_load_idx %arg9[%add3A_316, %add3A_299] : memref<100x128xf32, #tpu.memory_space<vmem>>[vector<16xi32>, vector<16xi32>], vector<16xf32>,
      %swap3A_318 = arith.index_cast %add3A_294 : i32 to index
      %swap3A_319 = arith.constant 32 : index
      %swap3A_320 = tpu.vector_load %arg14[%swap3A_318, %swap3A_319] {strides = array<i32>} : memref<112x100xf32, #tpu.memory_space<vmem>>, vector<16xf32>,
      tpu.vector_store %arg14[%swap3A_318, %swap3A_319], %gather3A_317 {strides = array<i32>} : memref<112x100xf32, #tpu.memory_space<vmem>>, vector<16xf32>,
      %add3A_321 = arith.constant 48 : i32
      %add3A_322 = vector.broadcast %add3A_321 : i32 to vector<16xi32>
      %add3A_323 = arith.addi %add3A_322, %iota3A : vector<16xi32>
      %gather3A_324 = tpu.vector_load_idx %arg9[%add3A_323, %add3A_299] : memref<100x128xf32, #tpu.memory_space<vmem>>[vector<16xi32>, vector<16xi32>], vector<16xf32>,
      %swap3A_325 = arith.index_cast %add3A_294 : i32 to index
      %swap3A_326 = arith.constant 48 : index
      %swap3A_327 = tpu.vector_load %arg14[%swap3A_325, %swap3A_326] {strides = array<i32>} : memref<112x100xf32, #tpu.memory_space<vmem>>, vector<16xf32>,
      tpu.vector_store %arg14[%swap3A_325, %swap3A_326], %gather3A_324 {strides = array<i32>} : memref<112x100xf32, #tpu.memory_space<vmem>>, vector<16xf32>,
      %add3A_328 = arith.constant 64 : i32
      %add3A_329 = vector.broadcast %add3A_328 : i32 to vector<16xi32>
      %add3A_330 = arith.addi %add3A_329, %iota3A : vector<16xi32>
      %gather3A_331 = tpu.vector_load_idx %arg9[%add3A_330, %add3A_299] : memref<100x128xf32, #tpu.memory_space<vmem>>[vector<16xi32>, vector<16xi32>], vector<16xf32>,
      %swap3A_332 = arith.index_cast %add3A_294 : i32 to index
      %swap3A_333 = arith.constant 64 : index
      %swap3A_334 = tpu.vector_load %arg14[%swap3A_332, %swap3A_333] {strides = array<i32>} : memref<112x100xf32, #tpu.memory_space<vmem>>, vector<16xf32>,
      tpu.vector_store %arg14[%swap3A_332, %swap3A_333], %gather3A_331 {strides = array<i32>} : memref<112x100xf32, #tpu.memory_space<vmem>>, vector<16xf32>,
      %add3A_335 = arith.constant 80 : i32
      %add3A_336 = vector.broadcast %add3A_335 : i32 to vector<16xi32>
      %add3A_337 = arith.addi %add3A_336, %iota3A : vector<16xi32>
      %gather3A_338 = tpu.vector_load_idx %arg9[%add3A_337, %add3A_299] : memref<100x128xf32, #tpu.memory_space<vmem>>[vector<16xi32>, vector<16xi32>], vector<16xf32>,
      %swap3A_339 = arith.index_cast %add3A_294 : i32 to index
      %swap3A_340 = arith.constant 80 : index
      %swap3A_341 = tpu.vector_load %arg14[%swap3A_339, %swap3A_340] {strides = array<i32>} : memref<112x100xf32, #tpu.memory_space<vmem>>, vector<16xf32>,
      tpu.vector_store %arg14[%swap3A_339, %swap3A_340], %gather3A_338 {strides = array<i32>} : memref<112x100xf32, #tpu.memory_space<vmem>>, vector<16xf32>,
      %add3A_342 = arith.constant 84 : i32
      %add3A_343 = vector.broadcast %add3A_342 : i32 to vector<16xi32>
      %add3A_344 = arith.addi %add3A_343, %iota3A : vector<16xi32>
      %gather3A_345 = tpu.vector_load_idx %arg9[%add3A_344, %add3A_299] : memref<100x128xf32, #tpu.memory_space<vmem>>[vector<16xi32>, vector<16xi32>], vector<16xf32>,
      %swap3A_346 = arith.index_cast %add3A_294 : i32 to index
      %swap3A_347 = arith.constant 84 : index
      %swap3A_348 = tpu.vector_load %arg14[%swap3A_346, %swap3A_347] {strides = array<i32>} : memref<112x100xf32, #tpu.memory_space<vmem>>, vector<16xf32>,
      tpu.vector_store %arg14[%swap3A_346, %swap3A_347], %gather3A_345 {strides = array<i32>} : memref<112x100xf32, #tpu.memory_space<vmem>>, vector<16xf32>,
      %slice3A_349 = vector.extract_strided_slice %get3A_13 {offsets = [8], sizes = [1], strides = [1]} : vector<16xi32> to vector<1xi32>
      %squeeze3A_350 = vector.extract %slice3A_349[0] : i32 from vector<1xi32>
      %and3A_351 = arith.constant 127 : i32
      %and3A_352 = arith.andi %squeeze3A_350, %and3A_351 : i32
      %sub3A_353 = arith.subi %squeeze3A_350, %and3A_352 : i32
      %multiple_of3A_354 = tpu.assume_multiple %sub3A_353, 128 : i32
      %dma_start3A_355 = arith.constant 0 : i32
      %dma_start3A_356 = tpu.memref_slice %arg2[%dma_start3A_355, %multiple_of3A_354] : memref<100x1000000xf32, #tpu.memory_space<hbm>> -> memref<100x128xf32, #tpu.memory_space<hbm>>
      %dma_start3A_357 = arith.constant 0 : i32
      %dma_start3A_358 = tpu.memref_slice %arg2[%dma_start3A_357, %multiple_of3A_354] : memref<100x1000000xf32, #tpu.memory_space<hbm>> -> memref<100x128xf32, #tpu.memory_space<hbm>>
      tpu.enqueue_dma source(%dma_start3A_358 : memref<100x128xf32, #tpu.memory_space<hbm>>) target(%arg6 : memref<100x128xf32, #tpu.memory_space<vmem>>) target_semaphore(%arg15 : memref<!tpu.dma_semaphore, #tpu.memory_space<semaphore_mem>>)
      %slice3A_359 = vector.extract_strided_slice %get3A_13 {offsets = [9], sizes = [1], strides = [1]} : vector<16xi32> to vector<1xi32>
      %squeeze3A_360 = vector.extract %slice3A_359[0] : i32 from vector<1xi32>
      %and3A_361 = arith.constant 127 : i32
      %and3A_362 = arith.andi %squeeze3A_360, %and3A_361 : i32
      %sub3A_363 = arith.subi %squeeze3A_360, %and3A_362 : i32
      %multiple_of3A_364 = tpu.assume_multiple %sub3A_363, 128 : i32
      %dma_start3A_365 = arith.constant 0 : i32
      %dma_start3A_366 = tpu.memref_slice %arg2[%dma_start3A_365, %multiple_of3A_364] : memref<100x1000000xf32, #tpu.memory_space<hbm>> -> memref<100x128xf32, #tpu.memory_space<hbm>>
      %dma_start3A_367 = arith.constant 0 : i32
      %dma_start3A_368 = tpu.memref_slice %arg2[%dma_start3A_367, %multiple_of3A_364] : memref<100x1000000xf32, #tpu.memory_space<hbm>> -> memref<100x128xf32, #tpu.memory_space<hbm>>
      tpu.enqueue_dma source(%dma_start3A_368 : memref<100x128xf32, #tpu.memory_space<hbm>>) target(%arg7 : memref<100x128xf32, #tpu.memory_space<vmem>>) target_semaphore(%arg15 : memref<!tpu.dma_semaphore, #tpu.memory_space<semaphore_mem>>)
      %slice3A_369 = vector.extract_strided_slice %get3A_13 {offsets = [10], sizes = [1], strides = [1]} : vector<16xi32> to vector<1xi32>
      %squeeze3A_370 = vector.extract %slice3A_369[0] : i32 from vector<1xi32>
      %and3A_371 = arith.constant 127 : i32
      %and3A_372 = arith.andi %squeeze3A_370, %and3A_371 : i32
      %sub3A_373 = arith.subi %squeeze3A_370, %and3A_372 : i32
      %multiple_of3A_374 = tpu.assume_multiple %sub3A_373, 128 : i32
      %dma_start3A_375 = arith.constant 0 : i32
      %dma_start3A_376 = tpu.memref_slice %arg2[%dma_start3A_375, %multiple_of3A_374] : memref<100x1000000xf32, #tpu.memory_space<hbm>> -> memref<100x128xf32, #tpu.memory_space<hbm>>
      %dma_start3A_377 = arith.constant 0 : i32
      %dma_start3A_378 = tpu.memref_slice %arg2[%dma_start3A_377, %multiple_of3A_374] : memref<100x1000000xf32, #tpu.memory_space<hbm>> -> memref<100x128xf32, #tpu.memory_space<hbm>>
      tpu.enqueue_dma source(%dma_start3A_378 : memref<100x128xf32, #tpu.memory_space<hbm>>) target(%arg8 : memref<100x128xf32, #tpu.memory_space<vmem>>) target_semaphore(%arg15 : memref<!tpu.dma_semaphore, #tpu.memory_space<semaphore_mem>>)
      %slice3A_379 = vector.extract_strided_slice %get3A_13 {offsets = [11], sizes = [1], strides = [1]} : vector<16xi32> to vector<1xi32>
      %squeeze3A_380 = vector.extract %slice3A_379[0] : i32 from vector<1xi32>
      %and3A_381 = arith.constant 127 : i32
      %and3A_382 = arith.andi %squeeze3A_380, %and3A_381 : i32
      %sub3A_383 = arith.subi %squeeze3A_380, %and3A_382 : i32
      %multiple_of3A_384 = tpu.assume_multiple %sub3A_383, 128 : i32
      %dma_start3A_385 = arith.constant 0 : i32
      %dma_start3A_386 = tpu.memref_slice %arg2[%dma_start3A_385, %multiple_of3A_384] : memref<100x1000000xf32, #tpu.memory_space<hbm>> -> memref<100x128xf32, #tpu.memory_space<hbm>>
      %dma_start3A_387 = arith.constant 0 : i32
      %dma_start3A_388 = tpu.memref_slice %arg2[%dma_start3A_387, %multiple_of3A_384] : memref<100x1000000xf32, #tpu.memory_space<hbm>> -> memref<100x128xf32, #tpu.memory_space<hbm>>
      tpu.enqueue_dma source(%dma_start3A_388 : memref<100x128xf32, #tpu.memory_space<hbm>>) target(%arg9 : memref<100x128xf32, #tpu.memory_space<vmem>>) target_semaphore(%arg15 : memref<!tpu.dma_semaphore, #tpu.memory_space<semaphore_mem>>)
      %dma_wait3A_389 = arith.constant 0 : i32
      %dma_wait3A_390 = arith.constant 0 : i32
      %dma_wait3A_391 = tpu.memref_slice %arg2[%dma_wait3A_389, %dma_wait3A_390] : memref<100x1000000xf32, #tpu.memory_space<hbm>> -> memref<100x128xf32, #tpu.memory_space<hbm>>
      %dma_wait3A_392 = arith.constant 0 : i32
      %dma_wait3A_393 = arith.constant 0 : i32
      %dma_wait3A_394 = tpu.memref_slice %arg2[%dma_wait3A_392, %dma_wait3A_393] : memref<100x1000000xf32, #tpu.memory_space<hbm>> -> memref<100x128xf32, #tpu.memory_space<hbm>>
      tpu.wait_dma2 semaphore(%arg16 : memref<!tpu.dma_semaphore, #tpu.memory_space<semaphore_mem>>) src(%dma_wait3A_394 : memref<100x128xf32, #tpu.memory_space<hbm>>) dst(%arg6 : memref<100x128xf32, #tpu.memory_space<vmem>>)
      %dma_wait3A_395 = arith.constant 0 : i32
      %dma_wait3A_396 = arith.constant 0 : i32
      %dma_wait3A_397 = tpu.memref_slice %arg2[%dma_wait3A_395, %dma_wait3A_396] : memref<100x1000000xf32, #tpu.memory_space<hbm>> -> memref<100x128xf32, #tpu.memory_space<hbm>>
      %dma_wait3A_398 = arith.constant 0 : i32
      %dma_wait3A_399 = arith.constant 0 : i32
      %dma_wait3A_400 = tpu.memref_slice %arg2[%dma_wait3A_398, %dma_wait3A_399] : memref<100x1000000xf32, #tpu.memory_space<hbm>> -> memref<100x128xf32, #tpu.memory_space<hbm>>
      tpu.wait_dma2 semaphore(%arg16 : memref<!tpu.dma_semaphore, #tpu.memory_space<semaphore_mem>>) src(%dma_wait3A_400 : memref<100x128xf32, #tpu.memory_space<hbm>>) dst(%arg7 : memref<100x128xf32, #tpu.memory_space<vmem>>)
      %dma_wait3A_401 = arith.constant 0 : i32
      %dma_wait3A_402 = arith.constant 0 : i32
      %dma_wait3A_403 = tpu.memref_slice %arg2[%dma_wait3A_401, %dma_wait3A_402] : memref<100x1000000xf32, #tpu.memory_space<hbm>> -> memref<100x128xf32, #tpu.memory_space<hbm>>
      %dma_wait3A_404 = arith.constant 0 : i32
      %dma_wait3A_405 = arith.constant 0 : i32
      %dma_wait3A_406 = tpu.memref_slice %arg2[%dma_wait3A_404, %dma_wait3A_405] : memref<100x1000000xf32, #tpu.memory_space<hbm>> -> memref<100x128xf32, #tpu.memory_space<hbm>>
      tpu.wait_dma2 semaphore(%arg16 : memref<!tpu.dma_semaphore, #tpu.memory_space<semaphore_mem>>) src(%dma_wait3A_406 : memref<100x128xf32, #tpu.memory_space<hbm>>) dst(%arg8 : memref<100x128xf32, #tpu.memory_space<vmem>>)
      %dma_wait3A_407 = arith.constant 0 : i32
      %dma_wait3A_408 = arith.constant 0 : i32
      %dma_wait3A_409 = tpu.memref_slice %arg2[%dma_wait3A_407, %dma_wait3A_408] : memref<100x1000000xf32, #tpu.memory_space<hbm>> -> memref<100x128xf32, #tpu.memory_space<hbm>>
      %dma_wait3A_410 = arith.constant 0 : i32
      %dma_wait3A_411 = arith.constant 0 : i32
      %dma_wait3A_412 = tpu.memref_slice %arg2[%dma_wait3A_410, %dma_wait3A_411] : memref<100x1000000xf32, #tpu.memory_space<hbm>> -> memref<100x128xf32, #tpu.memory_space<hbm>>
      tpu.wait_dma2 semaphore(%arg16 : memref<!tpu.dma_semaphore, #tpu.memory_space<semaphore_mem>>) src(%dma_wait3A_412 : memref<100x128xf32, #tpu.memory_space<hbm>>) dst(%arg9 : memref<100x128xf32, #tpu.memory_space<vmem>>)
      %mul3A_413 = arith.constant 16 : i32
      %mul3A_414 = arith.muli %scan3A_9, %mul3A_413 : i32
      %add3A_415 = arith.constant 4 : i32
      %add3A_416 = arith.addi %mul3A_414, %add3A_415 : i32
      %add3A_417 = arith.constant 0 : i32
      %add3A_418 = arith.addi %add3A_416, %add3A_417 : i32
      %mul3A_419 = arith.constant 0 : i32
      %mul3A_420 = vector.broadcast %mul3A_419 : i32 to vector<16xi32>
      %mul3A_421 = arith.muli %iota3A, %mul3A_420 : vector<16xi32>
      %add3A_422 = vector.broadcast %and3A_51 : i32 to vector<16xi32>
      %add3A_423 = arith.addi %mul3A_421, %add3A_422 : vector<16xi32>
      %add3A_424 = arith.constant 0 : i32
      %add3A_425 = vector.broadcast %add3A_424 : i32 to vector<16xi32>
      %add3A_426 = arith.addi %add3A_425, %iota3A : vector<16xi32>
      %gather3A_427 = tpu.vector_load_idx %arg10[%add3A_426, %add3A_423] : memref<100x128xf32, #tpu.memory_space<vmem>>[vector<16xi32>, vector<16xi32>], vector<16xf32>,
      %swap3A_428 = arith.index_cast %add3A_418 : i32 to index
      %swap3A_429 = arith.constant 0 : index
      %swap3A_430 = tpu.vector_load %arg14[%swap3A_428, %swap3A_429] {strides = array<i32>} : memref<112x100xf32, #tpu.memory_space<vmem>>, vector<16xf32>,
      tpu.vector_store %arg14[%swap3A_428, %swap3A_429], %gather3A_427 {strides = array<i32>} : memref<112x100xf32, #tpu.memory_space<vmem>>, vector<16xf32>,
      %add3A_431 = arith.constant 16 : i32
      %add3A_432 = vector.broadcast %add3A_431 : i32 to vector<16xi32>
      %add3A_433 = arith.addi %add3A_432, %iota3A : vector<16xi32>
      %gather3A_434 = tpu.vector_load_idx %arg10[%add3A_433, %add3A_423] : memref<100x128xf32, #tpu.memory_space<vmem>>[vector<16xi32>, vector<16xi32>], vector<16xf32>,
      %swap3A_435 = arith.index_cast %add3A_418 : i32 to index
      %swap3A_436 = arith.constant 16 : index
      %swap3A_437 = tpu.vector_load %arg14[%swap3A_435, %swap3A_436] {strides = array<i32>} : memref<112x100xf32, #tpu.memory_space<vmem>>, vector<16xf32>,
      tpu.vector_store %arg14[%swap3A_435, %swap3A_436], %gather3A_434 {strides = array<i32>} : memref<112x100xf32, #tpu.memory_space<vmem>>, vector<16xf32>,
      %add3A_438 = arith.constant 32 : i32
      %add3A_439 = vector.broadcast %add3A_438 : i32 to vector<16xi32>
      %add3A_440 = arith.addi %add3A_439, %iota3A : vector<16xi32>
      %gather3A_441 = tpu.vector_load_idx %arg10[%add3A_440, %add3A_423] : memref<100x128xf32, #tpu.memory_space<vmem>>[vector<16xi32>, vector<16xi32>], vector<16xf32>,
      %swap3A_442 = arith.index_cast %add3A_418 : i32 to index
      %swap3A_443 = arith.constant 32 : index
      %swap3A_444 = tpu.vector_load %arg14[%swap3A_442, %swap3A_443] {strides = array<i32>} : memref<112x100xf32, #tpu.memory_space<vmem>>, vector<16xf32>,
      tpu.vector_store %arg14[%swap3A_442, %swap3A_443], %gather3A_441 {strides = array<i32>} : memref<112x100xf32, #tpu.memory_space<vmem>>, vector<16xf32>,
      %add3A_445 = arith.constant 48 : i32
      %add3A_446 = vector.broadcast %add3A_445 : i32 to vector<16xi32>
      %add3A_447 = arith.addi %add3A_446, %iota3A : vector<16xi32>
      %gather3A_448 = tpu.vector_load_idx %arg10[%add3A_447, %add3A_423] : memref<100x128xf32, #tpu.memory_space<vmem>>[vector<16xi32>, vector<16xi32>], vector<16xf32>,
      %swap3A_449 = arith.index_cast %add3A_418 : i32 to index
      %swap3A_450 = arith.constant 48 : index
      %swap3A_451 = tpu.vector_load %arg14[%swap3A_449, %swap3A_450] {strides = array<i32>} : memref<112x100xf32, #tpu.memory_space<vmem>>, vector<16xf32>,
      tpu.vector_store %arg14[%swap3A_449, %swap3A_450], %gather3A_448 {strides = array<i32>} : memref<112x100xf32, #tpu.memory_space<vmem>>, vector<16xf32>,
      %add3A_452 = arith.constant 64 : i32
      %add3A_453 = vector.broadcast %add3A_452 : i32 to vector<16xi32>
      %add3A_454 = arith.addi %add3A_453, %iota3A : vector<16xi32>
      %gather3A_455 = tpu.vector_load_idx %arg10[%add3A_454, %add3A_423] : memref<100x128xf32, #tpu.memory_space<vmem>>[vector<16xi32>, vector<16xi32>], vector<16xf32>,
      %swap3A_456 = arith.index_cast %add3A_418 : i32 to index
      %swap3A_457 = arith.constant 64 : index
      %swap3A_458 = tpu.vector_load %arg14[%swap3A_456, %swap3A_457] {strides = array<i32>} : memref<112x100xf32, #tpu.memory_space<vmem>>, vector<16xf32>,
      tpu.vector_store %arg14[%swap3A_456, %swap3A_457], %gather3A_455 {strides = array<i32>} : memref<112x100xf32, #tpu.memory_space<vmem>>, vector<16xf32>,
      %add3A_459 = arith.constant 80 : i32
      %add3A_460 = vector.broadcast %add3A_459 : i32 to vector<16xi32>
      %add3A_461 = arith.addi %add3A_460, %iota3A : vector<16xi32>
      %gather3A_462 = tpu.vector_load_idx %arg10[%add3A_461, %add3A_423] : memref<100x128xf32, #tpu.memory_space<vmem>>[vector<16xi32>, vector<16xi32>], vector<16xf32>,
      %swap3A_463 = arith.index_cast %add3A_418 : i32 to index
      %swap3A_464 = arith.constant 80 : index
      %swap3A_465 = tpu.vector_load %arg14[%swap3A_463, %swap3A_464] {strides = array<i32>} : memref<112x100xf32, #tpu.memory_space<vmem>>, vector<16xf32>,
      tpu.vector_store %arg14[%swap3A_463, %swap3A_464], %gather3A_462 {strides = array<i32>} : memref<112x100xf32, #tpu.memory_space<vmem>>, vector<16xf32>,
      %add3A_466 = arith.constant 84 : i32
      %add3A_467 = vector.broadcast %add3A_466 : i32 to vector<16xi32>
      %add3A_468 = arith.addi %add3A_467, %iota3A : vector<16xi32>
      %gather3A_469 = tpu.vector_load_idx %arg10[%add3A_468, %add3A_423] : memref<100x128xf32, #tpu.memory_space<vmem>>[vector<16xi32>, vector<16xi32>], vector<16xf32>,
      %swap3A_470 = arith.index_cast %add3A_418 : i32 to index
      %swap3A_471 = arith.constant 84 : index
      %swap3A_472 = tpu.vector_load %arg14[%swap3A_470, %swap3A_471] {strides = array<i32>} : memref<112x100xf32, #tpu.memory_space<vmem>>, vector<16xf32>,
      tpu.vector_store %arg14[%swap3A_470, %swap3A_471], %gather3A_469 {strides = array<i32>} : memref<112x100xf32, #tpu.memory_space<vmem>>, vector<16xf32>,
      %mul3A_473 = arith.constant 16 : i32
      %mul3A_474 = arith.muli %scan3A_9, %mul3A_473 : i32
      %add3A_475 = arith.constant 4 : i32
      %add3A_476 = arith.addi %mul3A_474, %add3A_475 : i32
      %add3A_477 = arith.constant 1 : i32
      %add3A_478 = arith.addi %add3A_476, %add3A_477 : i32
      %mul3A_479 = arith.constant 0 : i32
      %mul3A_480 = vector.broadcast %mul3A_479 : i32 to vector<16xi32>
      %mul3A_481 = arith.muli %iota3A, %mul3A_480 : vector<16xi32>
      %add3A_482 = vector.broadcast %and3A_61 : i32 to vector<16xi32>
      %add3A_483 = arith.addi %mul3A_481, %add3A_482 : vector<16xi32>
      %add3A_484 = arith.constant 0 : i32
      %add3A_485 = vector.broadcast %add3A_484 : i32 to vector<16xi32>
      %add3A_486 = arith.addi %add3A_485, %iota3A : vector<16xi32>
      %gather3A_487 = tpu.vector_load_idx %arg11[%add3A_486, %add3A_483] : memref<100x128xf32, #tpu.memory_space<vmem>>[vector<16xi32>, vector<16xi32>], vector<16xf32>,
      %swap3A_488 = arith.index_cast %add3A_478 : i32 to index
      %swap3A_489 = arith.constant 0 : index
      %swap3A_490 = tpu.vector_load %arg14[%swap3A_488, %swap3A_489] {strides = array<i32>} : memref<112x100xf32, #tpu.memory_space<vmem>>, vector<16xf32>,
      tpu.vector_store %arg14[%swap3A_488, %swap3A_489], %gather3A_487 {strides = array<i32>} : memref<112x100xf32, #tpu.memory_space<vmem>>, vector<16xf32>,
      %add3A_491 = arith.constant 16 : i32
      %add3A_492 = vector.broadcast %add3A_491 : i32 to vector<16xi32>
      %add3A_493 = arith.addi %add3A_492, %iota3A : vector<16xi32>
      %gather3A_494 = tpu.vector_load_idx %arg11[%add3A_493, %add3A_483] : memref<100x128xf32, #tpu.memory_space<vmem>>[vector<16xi32>, vector<16xi32>], vector<16xf32>,
      %swap3A_495 = arith.index_cast %add3A_478 : i32 to index
      %swap3A_496 = arith.constant 16 : index
      %swap3A_497 = tpu.vector_load %arg14[%swap3A_495, %swap3A_496] {strides = array<i32>} : memref<112x100xf32, #tpu.memory_space<vmem>>, vector<16xf32>,
      tpu.vector_store %arg14[%swap3A_495, %swap3A_496], %gather3A_494 {strides = array<i32>} : memref<112x100xf32, #tpu.memory_space<vmem>>, vector<16xf32>,
      %add3A_498 = arith.constant 32 : i32
      %add3A_499 = vector.broadcast %add3A_498 : i32 to vector<16xi32>
      %add3A_500 = arith.addi %add3A_499, %iota3A : vector<16xi32>
      %gather3A_501 = tpu.vector_load_idx %arg11[%add3A_500, %add3A_483] : memref<100x128xf32, #tpu.memory_space<vmem>>[vector<16xi32>, vector<16xi32>], vector<16xf32>,
      %swap3A_502 = arith.index_cast %add3A_478 : i32 to index
      %swap3A_503 = arith.constant 32 : index
      %swap3A_504 = tpu.vector_load %arg14[%swap3A_502, %swap3A_503] {strides = array<i32>} : memref<112x100xf32, #tpu.memory_space<vmem>>, vector<16xf32>,
      tpu.vector_store %arg14[%swap3A_502, %swap3A_503], %gather3A_501 {strides = array<i32>} : memref<112x100xf32, #tpu.memory_space<vmem>>, vector<16xf32>,
      %add3A_505 = arith.constant 48 : i32
      %add3A_506 = vector.broadcast %add3A_505 : i32 to vector<16xi32>
      %add3A_507 = arith.addi %add3A_506, %iota3A : vector<16xi32>
      %gather3A_508 = tpu.vector_load_idx %arg11[%add3A_507, %add3A_483] : memref<100x128xf32, #tpu.memory_space<vmem>>[vector<16xi32>, vector<16xi32>], vector<16xf32>,
      %swap3A_509 = arith.index_cast %add3A_478 : i32 to index
      %swap3A_510 = arith.constant 48 : index
      %swap3A_511 = tpu.vector_load %arg14[%swap3A_509, %swap3A_510] {strides = array<i32>} : memref<112x100xf32, #tpu.memory_space<vmem>>, vector<16xf32>,
      tpu.vector_store %arg14[%swap3A_509, %swap3A_510], %gather3A_508 {strides = array<i32>} : memref<112x100xf32, #tpu.memory_space<vmem>>, vector<16xf32>,
      %add3A_512 = arith.constant 64 : i32
      %add3A_513 = vector.broadcast %add3A_512 : i32 to vector<16xi32>
      %add3A_514 = arith.addi %add3A_513, %iota3A : vector<16xi32>
      %gather3A_515 = tpu.vector_load_idx %arg11[%add3A_514, %add3A_483] : memref<100x128xf32, #tpu.memory_space<vmem>>[vector<16xi32>, vector<16xi32>], vector<16xf32>,
      %swap3A_516 = arith.index_cast %add3A_478 : i32 to index
      %swap3A_517 = arith.constant 64 : index
      %swap3A_518 = tpu.vector_load %arg14[%swap3A_516, %swap3A_517] {strides = array<i32>} : memref<112x100xf32, #tpu.memory_space<vmem>>, vector<16xf32>,
      tpu.vector_store %arg14[%swap3A_516, %swap3A_517], %gather3A_515 {strides = array<i32>} : memref<112x100xf32, #tpu.memory_space<vmem>>, vector<16xf32>,
      %add3A_519 = arith.constant 80 : i32
      %add3A_520 = vector.broadcast %add3A_519 : i32 to vector<16xi32>
      %add3A_521 = arith.addi %add3A_520, %iota3A : vector<16xi32>
      %gather3A_522 = tpu.vector_load_idx %arg11[%add3A_521, %add3A_483] : memref<100x128xf32, #tpu.memory_space<vmem>>[vector<16xi32>, vector<16xi32>], vector<16xf32>,
      %swap3A_523 = arith.index_cast %add3A_478 : i32 to index
      %swap3A_524 = arith.constant 80 : index
      %swap3A_525 = tpu.vector_load %arg14[%swap3A_523, %swap3A_524] {strides = array<i32>} : memref<112x100xf32, #tpu.memory_space<vmem>>, vector<16xf32>,
      tpu.vector_store %arg14[%swap3A_523, %swap3A_524], %gather3A_522 {strides = array<i32>} : memref<112x100xf32, #tpu.memory_space<vmem>>, vector<16xf32>,
      %add3A_526 = arith.constant 84 : i32
      %add3A_527 = vector.broadcast %add3A_526 : i32 to vector<16xi32>
      %add3A_528 = arith.addi %add3A_527, %iota3A : vector<16xi32>
      %gather3A_529 = tpu.vector_load_idx %arg11[%add3A_528, %add3A_483] : memref<100x128xf32, #tpu.memory_space<vmem>>[vector<16xi32>, vector<16xi32>], vector<16xf32>,
      %swap3A_530 = arith.index_cast %add3A_478 : i32 to index
      %swap3A_531 = arith.constant 84 : index
      %swap3A_532 = tpu.vector_load %arg14[%swap3A_530, %swap3A_531] {strides = array<i32>} : memref<112x100xf32, #tpu.memory_space<vmem>>, vector<16xf32>,
      tpu.vector_store %arg14[%swap3A_530, %swap3A_531], %gather3A_529 {strides = array<i32>} : memref<112x100xf32, #tpu.memory_space<vmem>>, vector<16xf32>,
      %mul3A_533 = arith.constant 16 : i32
      %mul3A_534 = arith.muli %scan3A_9, %mul3A_533 : i32
      %add3A_535 = arith.constant 4 : i32
      %add3A_536 = arith.addi %mul3A_534, %add3A_535 : i32
      %add3A_537 = arith.constant 2 : i32
      %add3A_538 = arith.addi %add3A_536, %add3A_537 : i32
      %mul3A_539 = arith.constant 0 : i32
      %mul3A_540 = vector.broadcast %mul3A_539 : i32 to vector<16xi32>
      %mul3A_541 = arith.muli %iota3A, %mul3A_540 : vector<16xi32>
      %add3A_542 = vector.broadcast %and3A_71 : i32 to vector<16xi32>
      %add3A_543 = arith.addi %mul3A_541, %add3A_542 : vector<16xi32>
      %add3A_544 = arith.constant 0 : i32
      %add3A_545 = vector.broadcast %add3A_544 : i32 to vector<16xi32>
      %add3A_546 = arith.addi %add3A_545, %iota3A : vector<16xi32>
      %gather3A_547 = tpu.vector_load_idx %arg12[%add3A_546, %add3A_543] : memref<100x128xf32, #tpu.memory_space<vmem>>[vector<16xi32>, vector<16xi32>], vector<16xf32>,
      %swap3A_548 = arith.index_cast %add3A_538 : i32 to index
      %swap3A_549 = arith.constant 0 : index
      %swap3A_550 = tpu.vector_load %arg14[%swap3A_548, %swap3A_549] {strides = array<i32>} : memref<112x100xf32, #tpu.memory_space<vmem>>, vector<16xf32>,
      tpu.vector_store %arg14[%swap3A_548, %swap3A_549], %gather3A_547 {strides = array<i32>} : memref<112x100xf32, #tpu.memory_space<vmem>>, vector<16xf32>,
      %add3A_551 = arith.constant 16 : i32
      %add3A_552 = vector.broadcast %add3A_551 : i32 to vector<16xi32>
      %add3A_553 = arith.addi %add3A_552, %iota3A : vector<16xi32>
      %gather3A_554 = tpu.vector_load_idx %arg12[%add3A_553, %add3A_543] : memref<100x128xf32, #tpu.memory_space<vmem>>[vector<16xi32>, vector<16xi32>], vector<16xf32>,
      %swap3A_555 = arith.index_cast %add3A_538 : i32 to index
      %swap3A_556 = arith.constant 16 : index
      %swap3A_557 = tpu.vector_load %arg14[%swap3A_555, %swap3A_556] {strides = array<i32>} : memref<112x100xf32, #tpu.memory_space<vmem>>, vector<16xf32>,
      tpu.vector_store %arg14[%swap3A_555, %swap3A_556], %gather3A_554 {strides = array<i32>} : memref<112x100xf32, #tpu.memory_space<vmem>>, vector<16xf32>,
      %add3A_558 = arith.constant 32 : i32
      %add3A_559 = vector.broadcast %add3A_558 : i32 to vector<16xi32>
      %add3A_560 = arith.addi %add3A_559, %iota3A : vector<16xi32>
      %gather3A_561 = tpu.vector_load_idx %arg12[%add3A_560, %add3A_543] : memref<100x128xf32, #tpu.memory_space<vmem>>[vector<16xi32>, vector<16xi32>], vector<16xf32>,
      %swap3A_562 = arith.index_cast %add3A_538 : i32 to index
      %swap3A_563 = arith.constant 32 : index
      %swap3A_564 = tpu.vector_load %arg14[%swap3A_562, %swap3A_563] {strides = array<i32>} : memref<112x100xf32, #tpu.memory_space<vmem>>, vector<16xf32>,
      tpu.vector_store %arg14[%swap3A_562, %swap3A_563], %gather3A_561 {strides = array<i32>} : memref<112x100xf32, #tpu.memory_space<vmem>>, vector<16xf32>,
      %add3A_565 = arith.constant 48 : i32
      %add3A_566 = vector.broadcast %add3A_565 : i32 to vector<16xi32>
      %add3A_567 = arith.addi %add3A_566, %iota3A : vector<16xi32>
      %gather3A_568 = tpu.vector_load_idx %arg12[%add3A_567, %add3A_543] : memref<100x128xf32, #tpu.memory_space<vmem>>[vector<16xi32>, vector<16xi32>], vector<16xf32>,
      %swap3A_569 = arith.index_cast %add3A_538 : i32 to index
      %swap3A_570 = arith.constant 48 : index
      %swap3A_571 = tpu.vector_load %arg14[%swap3A_569, %swap3A_570] {strides = array<i32>} : memref<112x100xf32, #tpu.memory_space<vmem>>, vector<16xf32>,
      tpu.vector_store %arg14[%swap3A_569, %swap3A_570], %gather3A_568 {strides = array<i32>} : memref<112x100xf32, #tpu.memory_space<vmem>>, vector<16xf32>,
      %add3A_572 = arith.constant 64 : i32
      %add3A_573 = vector.broadcast %add3A_572 : i32 to vector<16xi32>
      %add3A_574 = arith.addi %add3A_573, %iota3A : vector<16xi32>
      %gather3A_575 = tpu.vector_load_idx %arg12[%add3A_574, %add3A_543] : memref<100x128xf32, #tpu.memory_space<vmem>>[vector<16xi32>, vector<16xi32>], vector<16xf32>,
      %swap3A_576 = arith.index_cast %add3A_538 : i32 to index
      %swap3A_577 = arith.constant 64 : index
      %swap3A_578 = tpu.vector_load %arg14[%swap3A_576, %swap3A_577] {strides = array<i32>} : memref<112x100xf32, #tpu.memory_space<vmem>>, vector<16xf32>,
      tpu.vector_store %arg14[%swap3A_576, %swap3A_577], %gather3A_575 {strides = array<i32>} : memref<112x100xf32, #tpu.memory_space<vmem>>, vector<16xf32>,
      %add3A_579 = arith.constant 80 : i32
      %add3A_580 = vector.broadcast %add3A_579 : i32 to vector<16xi32>
      %add3A_581 = arith.addi %add3A_580, %iota3A : vector<16xi32>
      %gather3A_582 = tpu.vector_load_idx %arg12[%add3A_581, %add3A_543] : memref<100x128xf32, #tpu.memory_space<vmem>>[vector<16xi32>, vector<16xi32>], vector<16xf32>,
      %swap3A_583 = arith.index_cast %add3A_538 : i32 to index
      %swap3A_584 = arith.constant 80 : index
      %swap3A_585 = tpu.vector_load %arg14[%swap3A_583, %swap3A_584] {strides = array<i32>} : memref<112x100xf32, #tpu.memory_space<vmem>>, vector<16xf32>,
      tpu.vector_store %arg14[%swap3A_583, %swap3A_584], %gather3A_582 {strides = array<i32>} : memref<112x100xf32, #tpu.memory_space<vmem>>, vector<16xf32>,
      %add3A_586 = arith.constant 84 : i32
      %add3A_587 = vector.broadcast %add3A_586 : i32 to vector<16xi32>
      %add3A_588 = arith.addi %add3A_587, %iota3A : vector<16xi32>
      %gather3A_589 = tpu.vector_load_idx %arg12[%add3A_588, %add3A_543] : memref<100x128xf32, #tpu.memory_space<vmem>>[vector<16xi32>, vector<16xi32>], vector<16xf32>,
      %swap3A_590 = arith.index_cast %add3A_538 : i32 to index
      %swap3A_591 = arith.constant 84 : index
      %swap3A_592 = tpu.vector_load %arg14[%swap3A_590, %swap3A_591] {strides = array<i32>} : memref<112x100xf32, #tpu.memory_space<vmem>>, vector<16xf32>,
      tpu.vector_store %arg14[%swap3A_590, %swap3A_591], %gather3A_589 {strides = array<i32>} : memref<112x100xf32, #tpu.memory_space<vmem>>, vector<16xf32>,
      %mul3A_593 = arith.constant 16 : i32
      %mul3A_594 = arith.muli %scan3A_9, %mul3A_593 : i32
      %add3A_595 = arith.constant 4 : i32
      %add3A_596 = arith.addi %mul3A_594, %add3A_595 : i32
      %add3A_597 = arith.constant 3 : i32
      %add3A_598 = arith.addi %add3A_596, %add3A_597 : i32
      %mul3A_599 = arith.constant 0 : i32
      %mul3A_600 = vector.broadcast %mul3A_599 : i32 to vector<16xi32>
      %mul3A_601 = arith.muli %iota3A, %mul3A_600 : vector<16xi32>
      %add3A_602 = vector.broadcast %and3A_81 : i32 to vector<16xi32>
      %add3A_603 = arith.addi %mul3A_601, %add3A_602 : vector<16xi32>
      %add3A_604 = arith.constant 0 : i32
      %add3A_605 = vector.broadcast %add3A_604 : i32 to vector<16xi32>
      %add3A_606 = arith.addi %add3A_605, %iota3A : vector<16xi32>
      %gather3A_607 = tpu.vector_load_idx %arg13[%add3A_606, %add3A_603] : memref<100x128xf32, #tpu.memory_space<vmem>>[vector<16xi32>, vector<16xi32>], vector<16xf32>,
      %swap3A_608 = arith.index_cast %add3A_598 : i32 to index
      %swap3A_609 = arith.constant 0 : index
      %swap3A_610 = tpu.vector_load %arg14[%swap3A_608, %swap3A_609] {strides = array<i32>} : memref<112x100xf32, #tpu.memory_space<vmem>>, vector<16xf32>,
      tpu.vector_store %arg14[%swap3A_608, %swap3A_609], %gather3A_607 {strides = array<i32>} : memref<112x100xf32, #tpu.memory_space<vmem>>, vector<16xf32>,
      %add3A_611 = arith.constant 16 : i32
      %add3A_612 = vector.broadcast %add3A_611 : i32 to vector<16xi32>
      %add3A_613 = arith.addi %add3A_612, %iota3A : vector<16xi32>
      %gather3A_614 = tpu.vector_load_idx %arg13[%add3A_613, %add3A_603] : memref<100x128xf32, #tpu.memory_space<vmem>>[vector<16xi32>, vector<16xi32>], vector<16xf32>,
      %swap3A_615 = arith.index_cast %add3A_598 : i32 to index
      %swap3A_616 = arith.constant 16 : index
      %swap3A_617 = tpu.vector_load %arg14[%swap3A_615, %swap3A_616] {strides = array<i32>} : memref<112x100xf32, #tpu.memory_space<vmem>>, vector<16xf32>,
      tpu.vector_store %arg14[%swap3A_615, %swap3A_616], %gather3A_614 {strides = array<i32>} : memref<112x100xf32, #tpu.memory_space<vmem>>, vector<16xf32>,
      %add3A_618 = arith.constant 32 : i32
      %add3A_619 = vector.broadcast %add3A_618 : i32 to vector<16xi32>
      %add3A_620 = arith.addi %add3A_619, %iota3A : vector<16xi32>
      %gather3A_621 = tpu.vector_load_idx %arg13[%add3A_620, %add3A_603] : memref<100x128xf32, #tpu.memory_space<vmem>>[vector<16xi32>, vector<16xi32>], vector<16xf32>,
      %swap3A_622 = arith.index_cast %add3A_598 : i32 to index
      %swap3A_623 = arith.constant 32 : index
      %swap3A_624 = tpu.vector_load %arg14[%swap3A_622, %swap3A_623] {strides = array<i32>} : memref<112x100xf32, #tpu.memory_space<vmem>>, vector<16xf32>,
      tpu.vector_store %arg14[%swap3A_622, %swap3A_623], %gather3A_621 {strides = array<i32>} : memref<112x100xf32, #tpu.memory_space<vmem>>, vector<16xf32>,
      %add3A_625 = arith.constant 48 : i32
      %add3A_626 = vector.broadcast %add3A_625 : i32 to vector<16xi32>
      %add3A_627 = arith.addi %add3A_626, %iota3A : vector<16xi32>
      %gather3A_628 = tpu.vector_load_idx %arg13[%add3A_627, %add3A_603] : memref<100x128xf32, #tpu.memory_space<vmem>>[vector<16xi32>, vector<16xi32>], vector<16xf32>,
      %swap3A_629 = arith.index_cast %add3A_598 : i32 to index
      %swap3A_630 = arith.constant 48 : index
      %swap3A_631 = tpu.vector_load %arg14[%swap3A_629, %swap3A_630] {strides = array<i32>} : memref<112x100xf32, #tpu.memory_space<vmem>>, vector<16xf32>,
      tpu.vector_store %arg14[%swap3A_629, %swap3A_630], %gather3A_628 {strides = array<i32>} : memref<112x100xf32, #tpu.memory_space<vmem>>, vector<16xf32>,
      %add3A_632 = arith.constant 64 : i32
      %add3A_633 = vector.broadcast %add3A_632 : i32 to vector<16xi32>
      %add3A_634 = arith.addi %add3A_633, %iota3A : vector<16xi32>
      %gather3A_635 = tpu.vector_load_idx %arg13[%add3A_634, %add3A_603] : memref<100x128xf32, #tpu.memory_space<vmem>>[vector<16xi32>, vector<16xi32>], vector<16xf32>,
      %swap3A_636 = arith.index_cast %add3A_598 : i32 to index
      %swap3A_637 = arith.constant 64 : index
      %swap3A_638 = tpu.vector_load %arg14[%swap3A_636, %swap3A_637] {strides = array<i32>} : memref<112x100xf32, #tpu.memory_space<vmem>>, vector<16xf32>,
      tpu.vector_store %arg14[%swap3A_636, %swap3A_637], %gather3A_635 {strides = array<i32>} : memref<112x100xf32, #tpu.memory_space<vmem>>, vector<16xf32>,
      %add3A_639 = arith.constant 80 : i32
      %add3A_640 = vector.broadcast %add3A_639 : i32 to vector<16xi32>
      %add3A_641 = arith.addi %add3A_640, %iota3A : vector<16xi32>
      %gather3A_642 = tpu.vector_load_idx %arg13[%add3A_641, %add3A_603] : memref<100x128xf32, #tpu.memory_space<vmem>>[vector<16xi32>, vector<16xi32>], vector<16xf32>,
      %swap3A_643 = arith.index_cast %add3A_598 : i32 to index
      %swap3A_644 = arith.constant 80 : index
      %swap3A_645 = tpu.vector_load %arg14[%swap3A_643, %swap3A_644] {strides = array<i32>} : memref<112x100xf32, #tpu.memory_space<vmem>>, vector<16xf32>,
      tpu.vector_store %arg14[%swap3A_643, %swap3A_644], %gather3A_642 {strides = array<i32>} : memref<112x100xf32, #tpu.memory_space<vmem>>, vector<16xf32>,
      %add3A_646 = arith.constant 84 : i32
      %add3A_647 = vector.broadcast %add3A_646 : i32 to vector<16xi32>
      %add3A_648 = arith.addi %add3A_647, %iota3A : vector<16xi32>
      %gather3A_649 = tpu.vector_load_idx %arg13[%add3A_648, %add3A_603] : memref<100x128xf32, #tpu.memory_space<vmem>>[vector<16xi32>, vector<16xi32>], vector<16xf32>,
      %swap3A_650 = arith.index_cast %add3A_598 : i32 to index
      %swap3A_651 = arith.constant 84 : index
      %swap3A_652 = tpu.vector_load %arg14[%swap3A_650, %swap3A_651] {strides = array<i32>} : memref<112x100xf32, #tpu.memory_space<vmem>>, vector<16xf32>,
      tpu.vector_store %arg14[%swap3A_650, %swap3A_651], %gather3A_649 {strides = array<i32>} : memref<112x100xf32, #tpu.memory_space<vmem>>, vector<16xf32>,
      %slice3A_653 = vector.extract_strided_slice %get3A_13 {offsets = [12], sizes = [1], strides = [1]} : vector<16xi32> to vector<1xi32>
      %squeeze3A_654 = vector.extract %slice3A_653[0] : i32 from vector<1xi32>
      %and3A_655 = arith.constant 127 : i32
      %and3A_656 = arith.andi %squeeze3A_654, %and3A_655 : i32
      %sub3A_657 = arith.subi %squeeze3A_654, %and3A_656 : i32
      %multiple_of3A_658 = tpu.assume_multiple %sub3A_657, 128 : i32
      %dma_start3A_659 = arith.constant 0 : i32
      %dma_start3A_660 = tpu.memref_slice %arg2[%dma_start3A_659, %multiple_of3A_658] : memref<100x1000000xf32, #tpu.memory_space<hbm>> -> memref<100x128xf32, #tpu.memory_space<hbm>>
      %dma_start3A_661 = arith.constant 0 : i32
      %dma_start3A_662 = tpu.memref_slice %arg2[%dma_start3A_661, %multiple_of3A_658] : memref<100x1000000xf32, #tpu.memory_space<hbm>> -> memref<100x128xf32, #tpu.memory_space<hbm>>
      tpu.enqueue_dma source(%dma_start3A_662 : memref<100x128xf32, #tpu.memory_space<hbm>>) target(%arg10 : memref<100x128xf32, #tpu.memory_space<vmem>>) target_semaphore(%arg16 : memref<!tpu.dma_semaphore, #tpu.memory_space<semaphore_mem>>)
      %slice3A_663 = vector.extract_strided_slice %get3A_13 {offsets = [13], sizes = [1], strides = [1]} : vector<16xi32> to vector<1xi32>
      %squeeze3A_664 = vector.extract %slice3A_663[0] : i32 from vector<1xi32>
      %and3A_665 = arith.constant 127 : i32
      %and3A_666 = arith.andi %squeeze3A_664, %and3A_665 : i32
      %sub3A_667 = arith.subi %squeeze3A_664, %and3A_666 : i32
      %multiple_of3A_668 = tpu.assume_multiple %sub3A_667, 128 : i32
      %dma_start3A_669 = arith.constant 0 : i32
      %dma_start3A_670 = tpu.memref_slice %arg2[%dma_start3A_669, %multiple_of3A_668] : memref<100x1000000xf32, #tpu.memory_space<hbm>> -> memref<100x128xf32, #tpu.memory_space<hbm>>
      %dma_start3A_671 = arith.constant 0 : i32
      %dma_start3A_672 = tpu.memref_slice %arg2[%dma_start3A_671, %multiple_of3A_668] : memref<100x1000000xf32, #tpu.memory_space<hbm>> -> memref<100x128xf32, #tpu.memory_space<hbm>>
      tpu.enqueue_dma source(%dma_start3A_672 : memref<100x128xf32, #tpu.memory_space<hbm>>) target(%arg11 : memref<100x128xf32, #tpu.memory_space<vmem>>) target_semaphore(%arg16 : memref<!tpu.dma_semaphore, #tpu.memory_space<semaphore_mem>>)
      %slice3A_673 = vector.extract_strided_slice %get3A_13 {offsets = [14], sizes = [1], strides = [1]} : vector<16xi32> to vector<1xi32>
      %squeeze3A_674 = vector.extract %slice3A_673[0] : i32 from vector<1xi32>
      %and3A_675 = arith.constant 127 : i32
      %and3A_676 = arith.andi %squeeze3A_674, %and3A_675 : i32
      %sub3A_677 = arith.subi %squeeze3A_674, %and3A_676 : i32
      %multiple_of3A_678 = tpu.assume_multiple %sub3A_677, 128 : i32
      %dma_start3A_679 = arith.constant 0 : i32
      %dma_start3A_680 = tpu.memref_slice %arg2[%dma_start3A_679, %multiple_of3A_678] : memref<100x1000000xf32, #tpu.memory_space<hbm>> -> memref<100x128xf32, #tpu.memory_space<hbm>>
      %dma_start3A_681 = arith.constant 0 : i32
      %dma_start3A_682 = tpu.memref_slice %arg2[%dma_start3A_681, %multiple_of3A_678] : memref<100x1000000xf32, #tpu.memory_space<hbm>> -> memref<100x128xf32, #tpu.memory_space<hbm>>
      tpu.enqueue_dma source(%dma_start3A_682 : memref<100x128xf32, #tpu.memory_space<hbm>>) target(%arg12 : memref<100x128xf32, #tpu.memory_space<vmem>>) target_semaphore(%arg16 : memref<!tpu.dma_semaphore, #tpu.memory_space<semaphore_mem>>)
      %slice3A_683 = vector.extract_strided_slice %get3A_13 {offsets = [15], sizes = [1], strides = [1]} : vector<16xi32> to vector<1xi32>
      %squeeze3A_684 = vector.extract %slice3A_683[0] : i32 from vector<1xi32>
      %and3A_685 = arith.constant 127 : i32
      %and3A_686 = arith.andi %squeeze3A_684, %and3A_685 : i32
      %sub3A_687 = arith.subi %squeeze3A_684, %and3A_686 : i32
      %multiple_of3A_688 = tpu.assume_multiple %sub3A_687, 128 : i32
      %dma_start3A_689 = arith.constant 0 : i32
      %dma_start3A_690 = tpu.memref_slice %arg2[%dma_start3A_689, %multiple_of3A_688] : memref<100x1000000xf32, #tpu.memory_space<hbm>> -> memref<100x128xf32, #tpu.memory_space<hbm>>
      %dma_start3A_691 = arith.constant 0 : i32
      %dma_start3A_692 = tpu.memref_slice %arg2[%dma_start3A_691, %multiple_of3A_688] : memref<100x1000000xf32, #tpu.memory_space<hbm>> -> memref<100x128xf32, #tpu.memory_space<hbm>>
      tpu.enqueue_dma source(%dma_start3A_692 : memref<100x128xf32, #tpu.memory_space<hbm>>) target(%arg13 : memref<100x128xf32, #tpu.memory_space<vmem>>) target_semaphore(%arg16 : memref<!tpu.dma_semaphore, #tpu.memory_space<semaphore_mem>>)
      %dma_wait3A_693 = arith.constant 0 : i32
      %dma_wait3A_694 = arith.constant 0 : i32
      %dma_wait3A_695 = tpu.memref_slice %arg2[%dma_wait3A_693, %dma_wait3A_694] : memref<100x1000000xf32, #tpu.memory_space<hbm>> -> memref<100x128xf32, #tpu.memory_space<hbm>>
      %dma_wait3A_696 = arith.constant 0 : i32
      %dma_wait3A_697 = arith.constant 0 : i32
      %dma_wait3A_698 = tpu.memref_slice %arg2[%dma_wait3A_696, %dma_wait3A_697] : memref<100x1000000xf32, #tpu.memory_space<hbm>> -> memref<100x128xf32, #tpu.memory_space<hbm>>
      tpu.wait_dma2 semaphore(%arg15 : memref<!tpu.dma_semaphore, #tpu.memory_space<semaphore_mem>>) src(%dma_wait3A_698 : memref<100x128xf32, #tpu.memory_space<hbm>>) dst(%arg6 : memref<100x128xf32, #tpu.memory_space<vmem>>)
      %dma_wait3A_699 = arith.constant 0 : i32
      %dma_wait3A_700 = arith.constant 0 : i32
      %dma_wait3A_701 = tpu.memref_slice %arg2[%dma_wait3A_699, %dma_wait3A_700] : memref<100x1000000xf32, #tpu.memory_space<hbm>> -> memref<100x128xf32, #tpu.memory_space<hbm>>
      %dma_wait3A_702 = arith.constant 0 : i32
      %dma_wait3A_703 = arith.constant 0 : i32
      %dma_wait3A_704 = tpu.memref_slice %arg2[%dma_wait3A_702, %dma_wait3A_703] : memref<100x1000000xf32, #tpu.memory_space<hbm>> -> memref<100x128xf32, #tpu.memory_space<hbm>>
      tpu.wait_dma2 semaphore(%arg15 : memref<!tpu.dma_semaphore, #tpu.memory_space<semaphore_mem>>) src(%dma_wait3A_704 : memref<100x128xf32, #tpu.memory_space<hbm>>) dst(%arg7 : memref<100x128xf32, #tpu.memory_space<vmem>>)
      %dma_wait3A_705 = arith.constant 0 : i32
      %dma_wait3A_706 = arith.constant 0 : i32
      %dma_wait3A_707 = tpu.memref_slice %arg2[%dma_wait3A_705, %dma_wait3A_706] : memref<100x1000000xf32, #tpu.memory_space<hbm>> -> memref<100x128xf32, #tpu.memory_space<hbm>>
      %dma_wait3A_708 = arith.constant 0 : i32
      %dma_wait3A_709 = arith.constant 0 : i32
      %dma_wait3A_710 = tpu.memref_slice %arg2[%dma_wait3A_708, %dma_wait3A_709] : memref<100x1000000xf32, #tpu.memory_space<hbm>> -> memref<100x128xf32, #tpu.memory_space<hbm>>
      tpu.wait_dma2 semaphore(%arg15 : memref<!tpu.dma_semaphore, #tpu.memory_space<semaphore_mem>>) src(%dma_wait3A_710 : memref<100x128xf32, #tpu.memory_space<hbm>>) dst(%arg8 : memref<100x128xf32, #tpu.memory_space<vmem>>)
      %dma_wait3A_711 = arith.constant 0 : i32
      %dma_wait3A_712 = arith.constant 0 : i32
      %dma_wait3A_713 = tpu.memref_slice %arg2[%dma_wait3A_711, %dma_wait3A_712] : memref<100x1000000xf32, #tpu.memory_space<hbm>> -> memref<100x128xf32, #tpu.memory_space<hbm>>
      %dma_wait3A_714 = arith.constant 0 : i32
      %dma_wait3A_715 = arith.constant 0 : i32
      %dma_wait3A_716 = tpu.memref_slice %arg2[%dma_wait3A_714, %dma_wait3A_715] : memref<100x1000000xf32, #tpu.memory_space<hbm>> -> memref<100x128xf32, #tpu.memory_space<hbm>>
      tpu.wait_dma2 semaphore(%arg15 : memref<!tpu.dma_semaphore, #tpu.memory_space<semaphore_mem>>) src(%dma_wait3A_716 : memref<100x128xf32, #tpu.memory_space<hbm>>) dst(%arg9 : memref<100x128xf32, #tpu.memory_space<vmem>>)
      %mul3A_717 = arith.constant 16 : i32
      %mul3A_718 = arith.muli %scan3A_9, %mul3A_717 : i32
      %add3A_719 = arith.constant 8 : i32
      %add3A_720 = arith.addi %mul3A_718, %add3A_719 : i32
      %add3A_721 = arith.constant 0 : i32
      %add3A_722 = arith.addi %add3A_720, %add3A_721 : i32
      %mul3A_723 = arith.constant 0 : i32
      %mul3A_724 = vector.broadcast %mul3A_723 : i32 to vector<16xi32>
      %mul3A_725 = arith.muli %iota3A, %mul3A_724 : vector<16xi32>
      %add3A_726 = vector.broadcast %and3A_352 : i32 to vector<16xi32>
      %add3A_727 = arith.addi %mul3A_725, %add3A_726 : vector<16xi32>
      %add3A_728 = arith.constant 0 : i32
      %add3A_729 = vector.broadcast %add3A_728 : i32 to vector<16xi32>
      %add3A_730 = arith.addi %add3A_729, %iota3A : vector<16xi32>
      %gather3A_731 = tpu.vector_load_idx %arg6[%add3A_730, %add3A_727] : memref<100x128xf32, #tpu.memory_space<vmem>>[vector<16xi32>, vector<16xi32>], vector<16xf32>,
      %swap3A_732 = arith.index_cast %add3A_722 : i32 to index
      %swap3A_733 = arith.constant 0 : index
      %swap3A_734 = tpu.vector_load %arg14[%swap3A_732, %swap3A_733] {strides = array<i32>} : memref<112x100xf32, #tpu.memory_space<vmem>>, vector<16xf32>,
      tpu.vector_store %arg14[%swap3A_732, %swap3A_733], %gather3A_731 {strides = array<i32>} : memref<112x100xf32, #tpu.memory_space<vmem>>, vector<16xf32>,
      %add3A_735 = arith.constant 16 : i32
      %add3A_736 = vector.broadcast %add3A_735 : i32 to vector<16xi32>
      %add3A_737 = arith.addi %add3A_736, %iota3A : vector<16xi32>
      %gather3A_738 = tpu.vector_load_idx %arg6[%add3A_737, %add3A_727] : memref<100x128xf32, #tpu.memory_space<vmem>>[vector<16xi32>, vector<16xi32>], vector<16xf32>,
      %swap3A_739 = arith.index_cast %add3A_722 : i32 to index
      %swap3A_740 = arith.constant 16 : index
      %swap3A_741 = tpu.vector_load %arg14[%swap3A_739, %swap3A_740] {strides = array<i32>} : memref<112x100xf32, #tpu.memory_space<vmem>>, vector<16xf32>,
      tpu.vector_store %arg14[%swap3A_739, %swap3A_740], %gather3A_738 {strides = array<i32>} : memref<112x100xf32, #tpu.memory_space<vmem>>, vector<16xf32>,
      %add3A_742 = arith.constant 32 : i32
      %add3A_743 = vector.broadcast %add3A_742 : i32 to vector<16xi32>
      %add3A_744 = arith.addi %add3A_743, %iota3A : vector<16xi32>
      %gather3A_745 = tpu.vector_load_idx %arg6[%add3A_744, %add3A_727] : memref<100x128xf32, #tpu.memory_space<vmem>>[vector<16xi32>, vector<16xi32>], vector<16xf32>,
      %swap3A_746 = arith.index_cast %add3A_722 : i32 to index
      %swap3A_747 = arith.constant 32 : index
      %swap3A_748 = tpu.vector_load %arg14[%swap3A_746, %swap3A_747] {strides = array<i32>} : memref<112x100xf32, #tpu.memory_space<vmem>>, vector<16xf32>,
      tpu.vector_store %arg14[%swap3A_746, %swap3A_747], %gather3A_745 {strides = array<i32>} : memref<112x100xf32, #tpu.memory_space<vmem>>, vector<16xf32>,
      %add3A_749 = arith.constant 48 : i32
      %add3A_750 = vector.broadcast %add3A_749 : i32 to vector<16xi32>
      %add3A_751 = arith.addi %add3A_750, %iota3A : vector<16xi32>
      %gather3A_752 = tpu.vector_load_idx %arg6[%add3A_751, %add3A_727] : memref<100x128xf32, #tpu.memory_space<vmem>>[vector<16xi32>, vector<16xi32>], vector<16xf32>,
      %swap3A_753 = arith.index_cast %add3A_722 : i32 to index
      %swap3A_754 = arith.constant 48 : index
      %swap3A_755 = tpu.vector_load %arg14[%swap3A_753, %swap3A_754] {strides = array<i32>} : memref<112x100xf32, #tpu.memory_space<vmem>>, vector<16xf32>,
      tpu.vector_store %arg14[%swap3A_753, %swap3A_754], %gather3A_752 {strides = array<i32>} : memref<112x100xf32, #tpu.memory_space<vmem>>, vector<16xf32>,
      %add3A_756 = arith.constant 64 : i32
      %add3A_757 = vector.broadcast %add3A_756 : i32 to vector<16xi32>
      %add3A_758 = arith.addi %add3A_757, %iota3A : vector<16xi32>
      %gather3A_759 = tpu.vector_load_idx %arg6[%add3A_758, %add3A_727] : memref<100x128xf32, #tpu.memory_space<vmem>>[vector<16xi32>, vector<16xi32>], vector<16xf32>,
      %swap3A_760 = arith.index_cast %add3A_722 : i32 to index
      %swap3A_761 = arith.constant 64 : index
      %swap3A_762 = tpu.vector_load %arg14[%swap3A_760, %swap3A_761] {strides = array<i32>} : memref<112x100xf32, #tpu.memory_space<vmem>>, vector<16xf32>,
      tpu.vector_store %arg14[%swap3A_760, %swap3A_761], %gather3A_759 {strides = array<i32>} : memref<112x100xf32, #tpu.memory_space<vmem>>, vector<16xf32>,
      %add3A_763 = arith.constant 80 : i32
      %add3A_764 = vector.broadcast %add3A_763 : i32 to vector<16xi32>
      %add3A_765 = arith.addi %add3A_764, %iota3A : vector<16xi32>
      %gather3A_766 = tpu.vector_load_idx %arg6[%add3A_765, %add3A_727] : memref<100x128xf32, #tpu.memory_space<vmem>>[vector<16xi32>, vector<16xi32>], vector<16xf32>,
      %swap3A_767 = arith.index_cast %add3A_722 : i32 to index
      %swap3A_768 = arith.constant 80 : index
      %swap3A_769 = tpu.vector_load %arg14[%swap3A_767, %swap3A_768] {strides = array<i32>} : memref<112x100xf32, #tpu.memory_space<vmem>>, vector<16xf32>,
      tpu.vector_store %arg14[%swap3A_767, %swap3A_768], %gather3A_766 {strides = array<i32>} : memref<112x100xf32, #tpu.memory_space<vmem>>, vector<16xf32>,
      %add3A_770 = arith.constant 84 : i32
      %add3A_771 = vector.broadcast %add3A_770 : i32 to vector<16xi32>
      %add3A_772 = arith.addi %add3A_771, %iota3A : vector<16xi32>
      %gather3A_773 = tpu.vector_load_idx %arg6[%add3A_772, %add3A_727] : memref<100x128xf32, #tpu.memory_space<vmem>>[vector<16xi32>, vector<16xi32>], vector<16xf32>,
      %swap3A_774 = arith.index_cast %add3A_722 : i32 to index
      %swap3A_775 = arith.constant 84 : index
      %swap3A_776 = tpu.vector_load %arg14[%swap3A_774, %swap3A_775] {strides = array<i32>} : memref<112x100xf32, #tpu.memory_space<vmem>>, vector<16xf32>,
      tpu.vector_store %arg14[%swap3A_774, %swap3A_775], %gather3A_773 {strides = array<i32>} : memref<112x100xf32, #tpu.memory_space<vmem>>, vector<16xf32>,
      %mul3A_777 = arith.constant 16 : i32
      %mul3A_778 = arith.muli %scan3A_9, %mul3A_777 : i32
      %add3A_779 = arith.constant 8 : i32
      %add3A_780 = arith.addi %mul3A_778, %add3A_779 : i32
      %add3A_781 = arith.constant 1 : i32
      %add3A_782 = arith.addi %add3A_780, %add3A_781 : i32
      %mul3A_783 = arith.constant 0 : i32
      %mul3A_784 = vector.broadcast %mul3A_783 : i32 to vector<16xi32>
      %mul3A_785 = arith.muli %iota3A, %mul3A_784 : vector<16xi32>
      %add3A_786 = vector.broadcast %and3A_362 : i32 to vector<16xi32>
      %add3A_787 = arith.addi %mul3A_785, %add3A_786 : vector<16xi32>
      %add3A_788 = arith.constant 0 : i32
      %add3A_789 = vector.broadcast %add3A_788 : i32 to vector<16xi32>
      %add3A_790 = arith.addi %add3A_789, %iota3A : vector<16xi32>
      %gather3A_791 = tpu.vector_load_idx %arg7[%add3A_790, %add3A_787] : memref<100x128xf32, #tpu.memory_space<vmem>>[vector<16xi32>, vector<16xi32>], vector<16xf32>,
      %swap3A_792 = arith.index_cast %add3A_782 : i32 to index
      %swap3A_793 = arith.constant 0 : index
      %swap3A_794 = tpu.vector_load %arg14[%swap3A_792, %swap3A_793] {strides = array<i32>} : memref<112x100xf32, #tpu.memory_space<vmem>>, vector<16xf32>,
      tpu.vector_store %arg14[%swap3A_792, %swap3A_793], %gather3A_791 {strides = array<i32>} : memref<112x100xf32, #tpu.memory_space<vmem>>, vector<16xf32>,
      %add3A_795 = arith.constant 16 : i32
      %add3A_796 = vector.broadcast %add3A_795 : i32 to vector<16xi32>
      %add3A_797 = arith.addi %add3A_796, %iota3A : vector<16xi32>
      %gather3A_798 = tpu.vector_load_idx %arg7[%add3A_797, %add3A_787] : memref<100x128xf32, #tpu.memory_space<vmem>>[vector<16xi32>, vector<16xi32>], vector<16xf32>,
      %swap3A_799 = arith.index_cast %add3A_782 : i32 to index
      %swap3A_800 = arith.constant 16 : index
      %swap3A_801 = tpu.vector_load %arg14[%swap3A_799, %swap3A_800] {strides = array<i32>} : memref<112x100xf32, #tpu.memory_space<vmem>>, vector<16xf32>,
      tpu.vector_store %arg14[%swap3A_799, %swap3A_800], %gather3A_798 {strides = array<i32>} : memref<112x100xf32, #tpu.memory_space<vmem>>, vector<16xf32>,
      %add3A_802 = arith.constant 32 : i32
      %add3A_803 = vector.broadcast %add3A_802 : i32 to vector<16xi32>
      %add3A_804 = arith.addi %add3A_803, %iota3A : vector<16xi32>
      %gather3A_805 = tpu.vector_load_idx %arg7[%add3A_804, %add3A_787] : memref<100x128xf32, #tpu.memory_space<vmem>>[vector<16xi32>, vector<16xi32>], vector<16xf32>,
      %swap3A_806 = arith.index_cast %add3A_782 : i32 to index
      %swap3A_807 = arith.constant 32 : index
      %swap3A_808 = tpu.vector_load %arg14[%swap3A_806, %swap3A_807] {strides = array<i32>} : memref<112x100xf32, #tpu.memory_space<vmem>>, vector<16xf32>,
      tpu.vector_store %arg14[%swap3A_806, %swap3A_807], %gather3A_805 {strides = array<i32>} : memref<112x100xf32, #tpu.memory_space<vmem>>, vector<16xf32>,
      %add3A_809 = arith.constant 48 : i32
      %add3A_810 = vector.broadcast %add3A_809 : i32 to vector<16xi32>
      %add3A_811 = arith.addi %add3A_810, %iota3A : vector<16xi32>
      %gather3A_812 = tpu.vector_load_idx %arg7[%add3A_811, %add3A_787] : memref<100x128xf32, #tpu.memory_space<vmem>>[vector<16xi32>, vector<16xi32>], vector<16xf32>,
      %swap3A_813 = arith.index_cast %add3A_782 : i32 to index
      %swap3A_814 = arith.constant 48 : index
      %swap3A_815 = tpu.vector_load %arg14[%swap3A_813, %swap3A_814] {strides = array<i32>} : memref<112x100xf32, #tpu.memory_space<vmem>>, vector<16xf32>,
      tpu.vector_store %arg14[%swap3A_813, %swap3A_814], %gather3A_812 {strides = array<i32>} : memref<112x100xf32, #tpu.memory_space<vmem>>, vector<16xf32>,
      %add3A_816 = arith.constant 64 : i32
      %add3A_817 = vector.broadcast %add3A_816 : i32 to vector<16xi32>
      %add3A_818 = arith.addi %add3A_817, %iota3A : vector<16xi32>
      %gather3A_819 = tpu.vector_load_idx %arg7[%add3A_818, %add3A_787] : memref<100x128xf32, #tpu.memory_space<vmem>>[vector<16xi32>, vector<16xi32>], vector<16xf32>,
      %swap3A_820 = arith.index_cast %add3A_782 : i32 to index
      %swap3A_821 = arith.constant 64 : index
      %swap3A_822 = tpu.vector_load %arg14[%swap3A_820, %swap3A_821] {strides = array<i32>} : memref<112x100xf32, #tpu.memory_space<vmem>>, vector<16xf32>,
      tpu.vector_store %arg14[%swap3A_820, %swap3A_821], %gather3A_819 {strides = array<i32>} : memref<112x100xf32, #tpu.memory_space<vmem>>, vector<16xf32>,
      %add3A_823 = arith.constant 80 : i32
      %add3A_824 = vector.broadcast %add3A_823 : i32 to vector<16xi32>
      %add3A_825 = arith.addi %add3A_824, %iota3A : vector<16xi32>
      %gather3A_826 = tpu.vector_load_idx %arg7[%add3A_825, %add3A_787] : memref<100x128xf32, #tpu.memory_space<vmem>>[vector<16xi32>, vector<16xi32>], vector<16xf32>,
      %swap3A_827 = arith.index_cast %add3A_782 : i32 to index
      %swap3A_828 = arith.constant 80 : index
      %swap3A_829 = tpu.vector_load %arg14[%swap3A_827, %swap3A_828] {strides = array<i32>} : memref<112x100xf32, #tpu.memory_space<vmem>>, vector<16xf32>,
      tpu.vector_store %arg14[%swap3A_827, %swap3A_828], %gather3A_826 {strides = array<i32>} : memref<112x100xf32, #tpu.memory_space<vmem>>, vector<16xf32>,
      %add3A_830 = arith.constant 84 : i32
      %add3A_831 = vector.broadcast %add3A_830 : i32 to vector<16xi32>
      %add3A_832 = arith.addi %add3A_831, %iota3A : vector<16xi32>
      %gather3A_833 = tpu.vector_load_idx %arg7[%add3A_832, %add3A_787] : memref<100x128xf32, #tpu.memory_space<vmem>>[vector<16xi32>, vector<16xi32>], vector<16xf32>,
      %swap3A_834 = arith.index_cast %add3A_782 : i32 to index
      %swap3A_835 = arith.constant 84 : index
      %swap3A_836 = tpu.vector_load %arg14[%swap3A_834, %swap3A_835] {strides = array<i32>} : memref<112x100xf32, #tpu.memory_space<vmem>>, vector<16xf32>,
      tpu.vector_store %arg14[%swap3A_834, %swap3A_835], %gather3A_833 {strides = array<i32>} : memref<112x100xf32, #tpu.memory_space<vmem>>, vector<16xf32>,
      %mul3A_837 = arith.constant 16 : i32
      %mul3A_838 = arith.muli %scan3A_9, %mul3A_837 : i32
      %add3A_839 = arith.constant 8 : i32
      %add3A_840 = arith.addi %mul3A_838, %add3A_839 : i32
      %add3A_841 = arith.constant 2 : i32
      %add3A_842 = arith.addi %add3A_840, %add3A_841 : i32
      %mul3A_843 = arith.constant 0 : i32
      %mul3A_844 = vector.broadcast %mul3A_843 : i32 to vector<16xi32>
      %mul3A_845 = arith.muli %iota3A, %mul3A_844 : vector<16xi32>
      %add3A_846 = vector.broadcast %and3A_372 : i32 to vector<16xi32>
      %add3A_847 = arith.addi %mul3A_845, %add3A_846 : vector<16xi32>
      %add3A_848 = arith.constant 0 : i32
      %add3A_849 = vector.broadcast %add3A_848 : i32 to vector<16xi32>
      %add3A_850 = arith.addi %add3A_849, %iota3A : vector<16xi32>
      %gather3A_851 = tpu.vector_load_idx %arg8[%add3A_850, %add3A_847] : memref<100x128xf32, #tpu.memory_space<vmem>>[vector<16xi32>, vector<16xi32>], vector<16xf32>,
      %swap3A_852 = arith.index_cast %add3A_842 : i32 to index
      %swap3A_853 = arith.constant 0 : index
      %swap3A_854 = tpu.vector_load %arg14[%swap3A_852, %swap3A_853] {strides = array<i32>} : memref<112x100xf32, #tpu.memory_space<vmem>>, vector<16xf32>,
      tpu.vector_store %arg14[%swap3A_852, %swap3A_853], %gather3A_851 {strides = array<i32>} : memref<112x100xf32, #tpu.memory_space<vmem>>, vector<16xf32>,
      %add3A_855 = arith.constant 16 : i32
      %add3A_856 = vector.broadcast %add3A_855 : i32 to vector<16xi32>
      %add3A_857 = arith.addi %add3A_856, %iota3A : vector<16xi32>
      %gather3A_858 = tpu.vector_load_idx %arg8[%add3A_857, %add3A_847] : memref<100x128xf32, #tpu.memory_space<vmem>>[vector<16xi32>, vector<16xi32>], vector<16xf32>,
      %swap3A_859 = arith.index_cast %add3A_842 : i32 to index
      %swap3A_860 = arith.constant 16 : index
      %swap3A_861 = tpu.vector_load %arg14[%swap3A_859, %swap3A_860] {strides = array<i32>} : memref<112x100xf32, #tpu.memory_space<vmem>>, vector<16xf32>,
      tpu.vector_store %arg14[%swap3A_859, %swap3A_860], %gather3A_858 {strides = array<i32>} : memref<112x100xf32, #tpu.memory_space<vmem>>, vector<16xf32>,
      %add3A_862 = arith.constant 32 : i32
      %add3A_863 = vector.broadcast %add3A_862 : i32 to vector<16xi32>
      %add3A_864 = arith.addi %add3A_863, %iota3A : vector<16xi32>
      %gather3A_865 = tpu.vector_load_idx %arg8[%add3A_864, %add3A_847] : memref<100x128xf32, #tpu.memory_space<vmem>>[vector<16xi32>, vector<16xi32>], vector<16xf32>,
      %swap3A_866 = arith.index_cast %add3A_842 : i32 to index
      %swap3A_867 = arith.constant 32 : index
      %swap3A_868 = tpu.vector_load %arg14[%swap3A_866, %swap3A_867] {strides = array<i32>} : memref<112x100xf32, #tpu.memory_space<vmem>>, vector<16xf32>,
      tpu.vector_store %arg14[%swap3A_866, %swap3A_867], %gather3A_865 {strides = array<i32>} : memref<112x100xf32, #tpu.memory_space<vmem>>, vector<16xf32>,
      %add3A_869 = arith.constant 48 : i32
      %add3A_870 = vector.broadcast %add3A_869 : i32 to vector<16xi32>
      %add3A_871 = arith.addi %add3A_870, %iota3A : vector<16xi32>
      %gather3A_872 = tpu.vector_load_idx %arg8[%add3A_871, %add3A_847] : memref<100x128xf32, #tpu.memory_space<vmem>>[vector<16xi32>, vector<16xi32>], vector<16xf32>,
      %swap3A_873 = arith.index_cast %add3A_842 : i32 to index
      %swap3A_874 = arith.constant 48 : index
      %swap3A_875 = tpu.vector_load %arg14[%swap3A_873, %swap3A_874] {strides = array<i32>} : memref<112x100xf32, #tpu.memory_space<vmem>>, vector<16xf32>,
      tpu.vector_store %arg14[%swap3A_873, %swap3A_874], %gather3A_872 {strides = array<i32>} : memref<112x100xf32, #tpu.memory_space<vmem>>, vector<16xf32>,
      %add3A_876 = arith.constant 64 : i32
      %add3A_877 = vector.broadcast %add3A_876 : i32 to vector<16xi32>
      %add3A_878 = arith.addi %add3A_877, %iota3A : vector<16xi32>
      %gather3A_879 = tpu.vector_load_idx %arg8[%add3A_878, %add3A_847] : memref<100x128xf32, #tpu.memory_space<vmem>>[vector<16xi32>, vector<16xi32>], vector<16xf32>,
      %swap3A_880 = arith.index_cast %add3A_842 : i32 to index
      %swap3A_881 = arith.constant 64 : index
      %swap3A_882 = tpu.vector_load %arg14[%swap3A_880, %swap3A_881] {strides = array<i32>} : memref<112x100xf32, #tpu.memory_space<vmem>>, vector<16xf32>,
      tpu.vector_store %arg14[%swap3A_880, %swap3A_881], %gather3A_879 {strides = array<i32>} : memref<112x100xf32, #tpu.memory_space<vmem>>, vector<16xf32>,
      %add3A_883 = arith.constant 80 : i32
      %add3A_884 = vector.broadcast %add3A_883 : i32 to vector<16xi32>
      %add3A_885 = arith.addi %add3A_884, %iota3A : vector<16xi32>
      %gather3A_886 = tpu.vector_load_idx %arg8[%add3A_885, %add3A_847] : memref<100x128xf32, #tpu.memory_space<vmem>>[vector<16xi32>, vector<16xi32>], vector<16xf32>,
      %swap3A_887 = arith.index_cast %add3A_842 : i32 to index
      %swap3A_888 = arith.constant 80 : index
      %swap3A_889 = tpu.vector_load %arg14[%swap3A_887, %swap3A_888] {strides = array<i32>} : memref<112x100xf32, #tpu.memory_space<vmem>>, vector<16xf32>,
      tpu.vector_store %arg14[%swap3A_887, %swap3A_888], %gather3A_886 {strides = array<i32>} : memref<112x100xf32, #tpu.memory_space<vmem>>, vector<16xf32>,
      %add3A_890 = arith.constant 84 : i32
      %add3A_891 = vector.broadcast %add3A_890 : i32 to vector<16xi32>
      %add3A_892 = arith.addi %add3A_891, %iota3A : vector<16xi32>
      %gather3A_893 = tpu.vector_load_idx %arg8[%add3A_892, %add3A_847] : memref<100x128xf32, #tpu.memory_space<vmem>>[vector<16xi32>, vector<16xi32>], vector<16xf32>,
      %swap3A_894 = arith.index_cast %add3A_842 : i32 to index
      %swap3A_895 = arith.constant 84 : index
      %swap3A_896 = tpu.vector_load %arg14[%swap3A_894, %swap3A_895] {strides = array<i32>} : memref<112x100xf32, #tpu.memory_space<vmem>>, vector<16xf32>,
      tpu.vector_store %arg14[%swap3A_894, %swap3A_895], %gather3A_893 {strides = array<i32>} : memref<112x100xf32, #tpu.memory_space<vmem>>, vector<16xf32>,
      %mul3A_897 = arith.constant 16 : i32
      %mul3A_898 = arith.muli %scan3A_9, %mul3A_897 : i32
      %add3A_899 = arith.constant 8 : i32
      %add3A_900 = arith.addi %mul3A_898, %add3A_899 : i32
      %add3A_901 = arith.constant 3 : i32
      %add3A_902 = arith.addi %add3A_900, %add3A_901 : i32
      %mul3A_903 = arith.constant 0 : i32
      %mul3A_904 = vector.broadcast %mul3A_903 : i32 to vector<16xi32>
      %mul3A_905 = arith.muli %iota3A, %mul3A_904 : vector<16xi32>
      %add3A_906 = vector.broadcast %and3A_382 : i32 to vector<16xi32>
      %add3A_907 = arith.addi %mul3A_905, %add3A_906 : vector<16xi32>
      %add3A_908 = arith.constant 0 : i32
      %add3A_909 = vector.broadcast %add3A_908 : i32 to vector<16xi32>
      %add3A_910 = arith.addi %add3A_909, %iota3A : vector<16xi32>
      %gather3A_911 = tpu.vector_load_idx %arg9[%add3A_910, %add3A_907] : memref<100x128xf32, #tpu.memory_space<vmem>>[vector<16xi32>, vector<16xi32>], vector<16xf32>,
      %swap3A_912 = arith.index_cast %add3A_902 : i32 to index
      %swap3A_913 = arith.constant 0 : index
      %swap3A_914 = tpu.vector_load %arg14[%swap3A_912, %swap3A_913] {strides = array<i32>} : memref<112x100xf32, #tpu.memory_space<vmem>>, vector<16xf32>,
      tpu.vector_store %arg14[%swap3A_912, %swap3A_913], %gather3A_911 {strides = array<i32>} : memref<112x100xf32, #tpu.memory_space<vmem>>, vector<16xf32>,
      %add3A_915 = arith.constant 16 : i32
      %add3A_916 = vector.broadcast %add3A_915 : i32 to vector<16xi32>
      %add3A_917 = arith.addi %add3A_916, %iota3A : vector<16xi32>
      %gather3A_918 = tpu.vector_load_idx %arg9[%add3A_917, %add3A_907] : memref<100x128xf32, #tpu.memory_space<vmem>>[vector<16xi32>, vector<16xi32>], vector<16xf32>,
      %swap3A_919 = arith.index_cast %add3A_902 : i32 to index
      %swap3A_920 = arith.constant 16 : index
      %swap3A_921 = tpu.vector_load %arg14[%swap3A_919, %swap3A_920] {strides = array<i32>} : memref<112x100xf32, #tpu.memory_space<vmem>>, vector<16xf32>,
      tpu.vector_store %arg14[%swap3A_919, %swap3A_920], %gather3A_918 {strides = array<i32>} : memref<112x100xf32, #tpu.memory_space<vmem>>, vector<16xf32>,
      %add3A_922 = arith.constant 32 : i32
      %add3A_923 = vector.broadcast %add3A_922 : i32 to vector<16xi32>
      %add3A_924 = arith.addi %add3A_923, %iota3A : vector<16xi32>
      %gather3A_925 = tpu.vector_load_idx %arg9[%add3A_924, %add3A_907] : memref<100x128xf32, #tpu.memory_space<vmem>>[vector<16xi32>, vector<16xi32>], vector<16xf32>,
      %swap3A_926 = arith.index_cast %add3A_902 : i32 to index
      %swap3A_927 = arith.constant 32 : index
      %swap3A_928 = tpu.vector_load %arg14[%swap3A_926, %swap3A_927] {strides = array<i32>} : memref<112x100xf32, #tpu.memory_space<vmem>>, vector<16xf32>,
      tpu.vector_store %arg14[%swap3A_926, %swap3A_927], %gather3A_925 {strides = array<i32>} : memref<112x100xf32, #tpu.memory_space<vmem>>, vector<16xf32>,
      %add3A_929 = arith.constant 48 : i32
      %add3A_930 = vector.broadcast %add3A_929 : i32 to vector<16xi32>
      %add3A_931 = arith.addi %add3A_930, %iota3A : vector<16xi32>
      %gather3A_932 = tpu.vector_load_idx %arg9[%add3A_931, %add3A_907] : memref<100x128xf32, #tpu.memory_space<vmem>>[vector<16xi32>, vector<16xi32>], vector<16xf32>,
      %swap3A_933 = arith.index_cast %add3A_902 : i32 to index
      %swap3A_934 = arith.constant 48 : index
      %swap3A_935 = tpu.vector_load %arg14[%swap3A_933, %swap3A_934] {strides = array<i32>} : memref<112x100xf32, #tpu.memory_space<vmem>>, vector<16xf32>,
      tpu.vector_store %arg14[%swap3A_933, %swap3A_934], %gather3A_932 {strides = array<i32>} : memref<112x100xf32, #tpu.memory_space<vmem>>, vector<16xf32>,
      %add3A_936 = arith.constant 64 : i32
      %add3A_937 = vector.broadcast %add3A_936 : i32 to vector<16xi32>
      %add3A_938 = arith.addi %add3A_937, %iota3A : vector<16xi32>
      %gather3A_939 = tpu.vector_load_idx %arg9[%add3A_938, %add3A_907] : memref<100x128xf32, #tpu.memory_space<vmem>>[vector<16xi32>, vector<16xi32>], vector<16xf32>,
      %swap3A_940 = arith.index_cast %add3A_902 : i32 to index
      %swap3A_941 = arith.constant 64 : index
      %swap3A_942 = tpu.vector_load %arg14[%swap3A_940, %swap3A_941] {strides = array<i32>} : memref<112x100xf32, #tpu.memory_space<vmem>>, vector<16xf32>,
      tpu.vector_store %arg14[%swap3A_940, %swap3A_941], %gather3A_939 {strides = array<i32>} : memref<112x100xf32, #tpu.memory_space<vmem>>, vector<16xf32>,
      %add3A_943 = arith.constant 80 : i32
      %add3A_944 = vector.broadcast %add3A_943 : i32 to vector<16xi32>
      %add3A_945 = arith.addi %add3A_944, %iota3A : vector<16xi32>
      %gather3A_946 = tpu.vector_load_idx %arg9[%add3A_945, %add3A_907] : memref<100x128xf32, #tpu.memory_space<vmem>>[vector<16xi32>, vector<16xi32>], vector<16xf32>,
      %swap3A_947 = arith.index_cast %add3A_902 : i32 to index
      %swap3A_948 = arith.constant 80 : index
      %swap3A_949 = tpu.vector_load %arg14[%swap3A_947, %swap3A_948] {strides = array<i32>} : memref<112x100xf32, #tpu.memory_space<vmem>>, vector<16xf32>,
      tpu.vector_store %arg14[%swap3A_947, %swap3A_948], %gather3A_946 {strides = array<i32>} : memref<112x100xf32, #tpu.memory_space<vmem>>, vector<16xf32>,
      %add3A_950 = arith.constant 84 : i32
      %add3A_951 = vector.broadcast %add3A_950 : i32 to vector<16xi32>
      %add3A_952 = arith.addi %add3A_951, %iota3A : vector<16xi32>
      %gather3A_953 = tpu.vector_load_idx %arg9[%add3A_952, %add3A_907] : memref<100x128xf32, #tpu.memory_space<vmem>>[vector<16xi32>, vector<16xi32>], vector<16xf32>,
      %swap3A_954 = arith.index_cast %add3A_902 : i32 to index
      %swap3A_955 = arith.constant 84 : index
      %swap3A_956 = tpu.vector_load %arg14[%swap3A_954, %swap3A_955] {strides = array<i32>} : memref<112x100xf32, #tpu.memory_space<vmem>>, vector<16xf32>,
      tpu.vector_store %arg14[%swap3A_954, %swap3A_955], %gather3A_953 {strides = array<i32>} : memref<112x100xf32, #tpu.memory_space<vmem>>, vector<16xf32>,
      %dma_wait3A_957 = arith.constant 0 : i32
      %dma_wait3A_958 = arith.constant 0 : i32
      %dma_wait3A_959 = tpu.memref_slice %arg2[%dma_wait3A_957, %dma_wait3A_958] : memref<100x1000000xf32, #tpu.memory_space<hbm>> -> memref<100x128xf32, #tpu.memory_space<hbm>>
      %dma_wait3A_960 = arith.constant 0 : i32
      %dma_wait3A_961 = arith.constant 0 : i32
      %dma_wait3A_962 = tpu.memref_slice %arg2[%dma_wait3A_960, %dma_wait3A_961] : memref<100x1000000xf32, #tpu.memory_space<hbm>> -> memref<100x128xf32, #tpu.memory_space<hbm>>
      tpu.wait_dma2 semaphore(%arg16 : memref<!tpu.dma_semaphore, #tpu.memory_space<semaphore_mem>>) src(%dma_wait3A_962 : memref<100x128xf32, #tpu.memory_space<hbm>>) dst(%arg6 : memref<100x128xf32, #tpu.memory_space<vmem>>)
      %dma_wait3A_963 = arith.constant 0 : i32
      %dma_wait3A_964 = arith.constant 0 : i32
      %dma_wait3A_965 = tpu.memref_slice %arg2[%dma_wait3A_963, %dma_wait3A_964] : memref<100x1000000xf32, #tpu.memory_space<hbm>> -> memref<100x128xf32, #tpu.memory_space<hbm>>
      %dma_wait3A_966 = arith.constant 0 : i32
      %dma_wait3A_967 = arith.constant 0 : i32
      %dma_wait3A_968 = tpu.memref_slice %arg2[%dma_wait3A_966, %dma_wait3A_967] : memref<100x1000000xf32, #tpu.memory_space<hbm>> -> memref<100x128xf32, #tpu.memory_space<hbm>>
      tpu.wait_dma2 semaphore(%arg16 : memref<!tpu.dma_semaphore, #tpu.memory_space<semaphore_mem>>) src(%dma_wait3A_968 : memref<100x128xf32, #tpu.memory_space<hbm>>) dst(%arg7 : memref<100x128xf32, #tpu.memory_space<vmem>>)
      %dma_wait3A_969 = arith.constant 0 : i32
      %dma_wait3A_970 = arith.constant 0 : i32
      %dma_wait3A_971 = tpu.memref_slice %arg2[%dma_wait3A_969, %dma_wait3A_970] : memref<100x1000000xf32, #tpu.memory_space<hbm>> -> memref<100x128xf32, #tpu.memory_space<hbm>>
      %dma_wait3A_972 = arith.constant 0 : i32
      %dma_wait3A_973 = arith.constant 0 : i32
      %dma_wait3A_974 = tpu.memref_slice %arg2[%dma_wait3A_972, %dma_wait3A_973] : memref<100x1000000xf32, #tpu.memory_space<hbm>> -> memref<100x128xf32, #tpu.memory_space<hbm>>
      tpu.wait_dma2 semaphore(%arg16 : memref<!tpu.dma_semaphore, #tpu.memory_space<semaphore_mem>>) src(%dma_wait3A_974 : memref<100x128xf32, #tpu.memory_space<hbm>>) dst(%arg8 : memref<100x128xf32, #tpu.memory_space<vmem>>)
      %dma_wait3A_975 = arith.constant 0 : i32
      %dma_wait3A_976 = arith.constant 0 : i32
      %dma_wait3A_977 = tpu.memref_slice %arg2[%dma_wait3A_975, %dma_wait3A_976] : memref<100x1000000xf32, #tpu.memory_space<hbm>> -> memref<100x128xf32, #tpu.memory_space<hbm>>
      %dma_wait3A_978 = arith.constant 0 : i32
      %dma_wait3A_979 = arith.constant 0 : i32
      %dma_wait3A_980 = tpu.memref_slice %arg2[%dma_wait3A_978, %dma_wait3A_979] : memref<100x1000000xf32, #tpu.memory_space<hbm>> -> memref<100x128xf32, #tpu.memory_space<hbm>>
      tpu.wait_dma2 semaphore(%arg16 : memref<!tpu.dma_semaphore, #tpu.memory_space<semaphore_mem>>) src(%dma_wait3A_980 : memref<100x128xf32, #tpu.memory_space<hbm>>) dst(%arg9 : memref<100x128xf32, #tpu.memory_space<vmem>>)
      %mul3A_981 = arith.constant 16 : i32
      %mul3A_982 = arith.muli %scan3A_9, %mul3A_981 : i32
      %add3A_983 = arith.constant 12 : i32
      %add3A_984 = arith.addi %mul3A_982, %add3A_983 : i32
      %add3A_985 = arith.constant 0 : i32
      %add3A_986 = arith.addi %add3A_984, %add3A_985 : i32
      %mul3A_987 = arith.constant 0 : i32
      %mul3A_988 = vector.broadcast %mul3A_987 : i32 to vector<16xi32>
      %mul3A_989 = arith.muli %iota3A, %mul3A_988 : vector<16xi32>
      %add3A_990 = vector.broadcast %and3A_656 : i32 to vector<16xi32>
      %add3A_991 = arith.addi %mul3A_989, %add3A_990 : vector<16xi32>
      %add3A_992 = arith.constant 0 : i32
      %add3A_993 = vector.broadcast %add3A_992 : i32 to vector<16xi32>
      %add3A_994 = arith.addi %add3A_993, %iota3A : vector<16xi32>
      %gather3A_995 = tpu.vector_load_idx %arg10[%add3A_994, %add3A_991] : memref<100x128xf32, #tpu.memory_space<vmem>>[vector<16xi32>, vector<16xi32>], vector<16xf32>,
      %swap3A_996 = arith.index_cast %add3A_986 : i32 to index
      %swap3A_997 = arith.constant 0 : index
      %swap3A_998 = tpu.vector_load %arg14[%swap3A_996, %swap3A_997] {strides = array<i32>} : memref<112x100xf32, #tpu.memory_space<vmem>>, vector<16xf32>,
      tpu.vector_store %arg14[%swap3A_996, %swap3A_997], %gather3A_995 {strides = array<i32>} : memref<112x100xf32, #tpu.memory_space<vmem>>, vector<16xf32>,
      %add3A_999 = arith.constant 16 : i32
      %add3A_1000 = vector.broadcast %add3A_999 : i32 to vector<16xi32>
      %add3A_1001 = arith.addi %add3A_1000, %iota3A : vector<16xi32>
      %gather3A_1002 = tpu.vector_load_idx %arg10[%add3A_1001, %add3A_991] : memref<100x128xf32, #tpu.memory_space<vmem>>[vector<16xi32>, vector<16xi32>], vector<16xf32>,
      %swap3A_1003 = arith.index_cast %add3A_986 : i32 to index
      %swap3A_1004 = arith.constant 16 : index
      %swap3A_1005 = tpu.vector_load %arg14[%swap3A_1003, %swap3A_1004] {strides = array<i32>} : memref<112x100xf32, #tpu.memory_space<vmem>>, vector<16xf32>,
      tpu.vector_store %arg14[%swap3A_1003, %swap3A_1004], %gather3A_1002 {strides = array<i32>} : memref<112x100xf32, #tpu.memory_space<vmem>>, vector<16xf32>,
      %add3A_1006 = arith.constant 32 : i32
      %add3A_1007 = vector.broadcast %add3A_1006 : i32 to vector<16xi32>
      %add3A_1008 = arith.addi %add3A_1007, %iota3A : vector<16xi32>
      %gather3A_1009 = tpu.vector_load_idx %arg10[%add3A_1008, %add3A_991] : memref<100x128xf32, #tpu.memory_space<vmem>>[vector<16xi32>, vector<16xi32>], vector<16xf32>,
      %swap3A_1010 = arith.index_cast %add3A_986 : i32 to index
      %swap3A_1011 = arith.constant 32 : index
      %swap3A_1012 = tpu.vector_load %arg14[%swap3A_1010, %swap3A_1011] {strides = array<i32>} : memref<112x100xf32, #tpu.memory_space<vmem>>, vector<16xf32>,
      tpu.vector_store %arg14[%swap3A_1010, %swap3A_1011], %gather3A_1009 {strides = array<i32>} : memref<112x100xf32, #tpu.memory_space<vmem>>, vector<16xf32>,
      %add3A_1013 = arith.constant 48 : i32
      %add3A_1014 = vector.broadcast %add3A_1013 : i32 to vector<16xi32>
      %add3A_1015 = arith.addi %add3A_1014, %iota3A : vector<16xi32>
      %gather3A_1016 = tpu.vector_load_idx %arg10[%add3A_1015, %add3A_991] : memref<100x128xf32, #tpu.memory_space<vmem>>[vector<16xi32>, vector<16xi32>], vector<16xf32>,
      %swap3A_1017 = arith.index_cast %add3A_986 : i32 to index
      %swap3A_1018 = arith.constant 48 : index
      %swap3A_1019 = tpu.vector_load %arg14[%swap3A_1017, %swap3A_1018] {strides = array<i32>} : memref<112x100xf32, #tpu.memory_space<vmem>>, vector<16xf32>,
      tpu.vector_store %arg14[%swap3A_1017, %swap3A_1018], %gather3A_1016 {strides = array<i32>} : memref<112x100xf32, #tpu.memory_space<vmem>>, vector<16xf32>,
      %add3A_1020 = arith.constant 64 : i32
      %add3A_1021 = vector.broadcast %add3A_1020 : i32 to vector<16xi32>
      %add3A_1022 = arith.addi %add3A_1021, %iota3A : vector<16xi32>
      %gather3A_1023 = tpu.vector_load_idx %arg10[%add3A_1022, %add3A_991] : memref<100x128xf32, #tpu.memory_space<vmem>>[vector<16xi32>, vector<16xi32>], vector<16xf32>,
      %swap3A_1024 = arith.index_cast %add3A_986 : i32 to index
      %swap3A_1025 = arith.constant 64 : index
      %swap3A_1026 = tpu.vector_load %arg14[%swap3A_1024, %swap3A_1025] {strides = array<i32>} : memref<112x100xf32, #tpu.memory_space<vmem>>, vector<16xf32>,
      tpu.vector_store %arg14[%swap3A_1024, %swap3A_1025], %gather3A_1023 {strides = array<i32>} : memref<112x100xf32, #tpu.memory_space<vmem>>, vector<16xf32>,
      %add3A_1027 = arith.constant 80 : i32
      %add3A_1028 = vector.broadcast %add3A_1027 : i32 to vector<16xi32>
      %add3A_1029 = arith.addi %add3A_1028, %iota3A : vector<16xi32>
      %gather3A_1030 = tpu.vector_load_idx %arg10[%add3A_1029, %add3A_991] : memref<100x128xf32, #tpu.memory_space<vmem>>[vector<16xi32>, vector<16xi32>], vector<16xf32>,
      %swap3A_1031 = arith.index_cast %add3A_986 : i32 to index
      %swap3A_1032 = arith.constant 80 : index
      %swap3A_1033 = tpu.vector_load %arg14[%swap3A_1031, %swap3A_1032] {strides = array<i32>} : memref<112x100xf32, #tpu.memory_space<vmem>>, vector<16xf32>,
      tpu.vector_store %arg14[%swap3A_1031, %swap3A_1032], %gather3A_1030 {strides = array<i32>} : memref<112x100xf32, #tpu.memory_space<vmem>>, vector<16xf32>,
      %add3A_1034 = arith.constant 84 : i32
      %add3A_1035 = vector.broadcast %add3A_1034 : i32 to vector<16xi32>
      %add3A_1036 = arith.addi %add3A_1035, %iota3A : vector<16xi32>
      %gather3A_1037 = tpu.vector_load_idx %arg10[%add3A_1036, %add3A_991] : memref<100x128xf32, #tpu.memory_space<vmem>>[vector<16xi32>, vector<16xi32>], vector<16xf32>,
      %swap3A_1038 = arith.index_cast %add3A_986 : i32 to index
      %swap3A_1039 = arith.constant 84 : index
      %swap3A_1040 = tpu.vector_load %arg14[%swap3A_1038, %swap3A_1039] {strides = array<i32>} : memref<112x100xf32, #tpu.memory_space<vmem>>, vector<16xf32>,
      tpu.vector_store %arg14[%swap3A_1038, %swap3A_1039], %gather3A_1037 {strides = array<i32>} : memref<112x100xf32, #tpu.memory_space<vmem>>, vector<16xf32>,
      %mul3A_1041 = arith.constant 16 : i32
      %mul3A_1042 = arith.muli %scan3A_9, %mul3A_1041 : i32
      %add3A_1043 = arith.constant 12 : i32
      %add3A_1044 = arith.addi %mul3A_1042, %add3A_1043 : i32
      %add3A_1045 = arith.constant 1 : i32
      %add3A_1046 = arith.addi %add3A_1044, %add3A_1045 : i32
      %mul3A_1047 = arith.constant 0 : i32
      %mul3A_1048 = vector.broadcast %mul3A_1047 : i32 to vector<16xi32>
      %mul3A_1049 = arith.muli %iota3A, %mul3A_1048 : vector<16xi32>
      %add3A_1050 = vector.broadcast %and3A_666 : i32 to vector<16xi32>
      %add3A_1051 = arith.addi %mul3A_1049, %add3A_1050 : vector<16xi32>
      %add3A_1052 = arith.constant 0 : i32
      %add3A_1053 = vector.broadcast %add3A_1052 : i32 to vector<16xi32>
      %add3A_1054 = arith.addi %add3A_1053, %iota3A : vector<16xi32>
      %gather3A_1055 = tpu.vector_load_idx %arg11[%add3A_1054, %add3A_1051] : memref<100x128xf32, #tpu.memory_space<vmem>>[vector<16xi32>, vector<16xi32>], vector<16xf32>,
      %swap3A_1056 = arith.index_cast %add3A_1046 : i32 to index
      %swap3A_1057 = arith.constant 0 : index
      %swap3A_1058 = tpu.vector_load %arg14[%swap3A_1056, %swap3A_1057] {strides = array<i32>} : memref<112x100xf32, #tpu.memory_space<vmem>>, vector<16xf32>,
      tpu.vector_store %arg14[%swap3A_1056, %swap3A_1057], %gather3A_1055 {strides = array<i32>} : memref<112x100xf32, #tpu.memory_space<vmem>>, vector<16xf32>,
      %add3A_1059 = arith.constant 16 : i32
      %add3A_1060 = vector.broadcast %add3A_1059 : i32 to vector<16xi32>
      %add3A_1061 = arith.addi %add3A_1060, %iota3A : vector<16xi32>
      %gather3A_1062 = tpu.vector_load_idx %arg11[%add3A_1061, %add3A_1051] : memref<100x128xf32, #tpu.memory_space<vmem>>[vector<16xi32>, vector<16xi32>], vector<16xf32>,
      %swap3A_1063 = arith.index_cast %add3A_1046 : i32 to index
      %swap3A_1064 = arith.constant 16 : index
      %swap3A_1065 = tpu.vector_load %arg14[%swap3A_1063, %swap3A_1064] {strides = array<i32>} : memref<112x100xf32, #tpu.memory_space<vmem>>, vector<16xf32>,
      tpu.vector_store %arg14[%swap3A_1063, %swap3A_1064], %gather3A_1062 {strides = array<i32>} : memref<112x100xf32, #tpu.memory_space<vmem>>, vector<16xf32>,
      %add3A_1066 = arith.constant 32 : i32
      %add3A_1067 = vector.broadcast %add3A_1066 : i32 to vector<16xi32>
      %add3A_1068 = arith.addi %add3A_1067, %iota3A : vector<16xi32>
      %gather3A_1069 = tpu.vector_load_idx %arg11[%add3A_1068, %add3A_1051] : memref<100x128xf32, #tpu.memory_space<vmem>>[vector<16xi32>, vector<16xi32>], vector<16xf32>,
      %swap3A_1070 = arith.index_cast %add3A_1046 : i32 to index
      %swap3A_1071 = arith.constant 32 : index
      %swap3A_1072 = tpu.vector_load %arg14[%swap3A_1070, %swap3A_1071] {strides = array<i32>} : memref<112x100xf32, #tpu.memory_space<vmem>>, vector<16xf32>,
      tpu.vector_store %arg14[%swap3A_1070, %swap3A_1071], %gather3A_1069 {strides = array<i32>} : memref<112x100xf32, #tpu.memory_space<vmem>>, vector<16xf32>,
      %add3A_1073 = arith.constant 48 : i32
      %add3A_1074 = vector.broadcast %add3A_1073 : i32 to vector<16xi32>
      %add3A_1075 = arith.addi %add3A_1074, %iota3A : vector<16xi32>
      %gather3A_1076 = tpu.vector_load_idx %arg11[%add3A_1075, %add3A_1051] : memref<100x128xf32, #tpu.memory_space<vmem>>[vector<16xi32>, vector<16xi32>], vector<16xf32>,
      %swap3A_1077 = arith.index_cast %add3A_1046 : i32 to index
      %swap3A_1078 = arith.constant 48 : index
      %swap3A_1079 = tpu.vector_load %arg14[%swap3A_1077, %swap3A_1078] {strides = array<i32>} : memref<112x100xf32, #tpu.memory_space<vmem>>, vector<16xf32>,
      tpu.vector_store %arg14[%swap3A_1077, %swap3A_1078], %gather3A_1076 {strides = array<i32>} : memref<112x100xf32, #tpu.memory_space<vmem>>, vector<16xf32>,
      %add3A_1080 = arith.constant 64 : i32
      %add3A_1081 = vector.broadcast %add3A_1080 : i32 to vector<16xi32>
      %add3A_1082 = arith.addi %add3A_1081, %iota3A : vector<16xi32>
      %gather3A_1083 = tpu.vector_load_idx %arg11[%add3A_1082, %add3A_1051] : memref<100x128xf32, #tpu.memory_space<vmem>>[vector<16xi32>, vector<16xi32>], vector<16xf32>,
      %swap3A_1084 = arith.index_cast %add3A_1046 : i32 to index
      %swap3A_1085 = arith.constant 64 : index
      %swap3A_1086 = tpu.vector_load %arg14[%swap3A_1084, %swap3A_1085] {strides = array<i32>} : memref<112x100xf32, #tpu.memory_space<vmem>>, vector<16xf32>,
      tpu.vector_store %arg14[%swap3A_1084, %swap3A_1085], %gather3A_1083 {strides = array<i32>} : memref<112x100xf32, #tpu.memory_space<vmem>>, vector<16xf32>,
      %add3A_1087 = arith.constant 80 : i32
      %add3A_1088 = vector.broadcast %add3A_1087 : i32 to vector<16xi32>
      %add3A_1089 = arith.addi %add3A_1088, %iota3A : vector<16xi32>
      %gather3A_1090 = tpu.vector_load_idx %arg11[%add3A_1089, %add3A_1051] : memref<100x128xf32, #tpu.memory_space<vmem>>[vector<16xi32>, vector<16xi32>], vector<16xf32>,
      %swap3A_1091 = arith.index_cast %add3A_1046 : i32 to index
      %swap3A_1092 = arith.constant 80 : index
      %swap3A_1093 = tpu.vector_load %arg14[%swap3A_1091, %swap3A_1092] {strides = array<i32>} : memref<112x100xf32, #tpu.memory_space<vmem>>, vector<16xf32>,
      tpu.vector_store %arg14[%swap3A_1091, %swap3A_1092], %gather3A_1090 {strides = array<i32>} : memref<112x100xf32, #tpu.memory_space<vmem>>, vector<16xf32>,
      %add3A_1094 = arith.constant 84 : i32
      %add3A_1095 = vector.broadcast %add3A_1094 : i32 to vector<16xi32>
      %add3A_1096 = arith.addi %add3A_1095, %iota3A : vector<16xi32>
      %gather3A_1097 = tpu.vector_load_idx %arg11[%add3A_1096, %add3A_1051] : memref<100x128xf32, #tpu.memory_space<vmem>>[vector<16xi32>, vector<16xi32>], vector<16xf32>,
      %swap3A_1098 = arith.index_cast %add3A_1046 : i32 to index
      %swap3A_1099 = arith.constant 84 : index
      %swap3A_1100 = tpu.vector_load %arg14[%swap3A_1098, %swap3A_1099] {strides = array<i32>} : memref<112x100xf32, #tpu.memory_space<vmem>>, vector<16xf32>,
      tpu.vector_store %arg14[%swap3A_1098, %swap3A_1099], %gather3A_1097 {strides = array<i32>} : memref<112x100xf32, #tpu.memory_space<vmem>>, vector<16xf32>,
      %mul3A_1101 = arith.constant 16 : i32
      %mul3A_1102 = arith.muli %scan3A_9, %mul3A_1101 : i32
      %add3A_1103 = arith.constant 12 : i32
      %add3A_1104 = arith.addi %mul3A_1102, %add3A_1103 : i32
      %add3A_1105 = arith.constant 2 : i32
      %add3A_1106 = arith.addi %add3A_1104, %add3A_1105 : i32
      %mul3A_1107 = arith.constant 0 : i32
      %mul3A_1108 = vector.broadcast %mul3A_1107 : i32 to vector<16xi32>
      %mul3A_1109 = arith.muli %iota3A, %mul3A_1108 : vector<16xi32>
      %add3A_1110 = vector.broadcast %and3A_676 : i32 to vector<16xi32>
      %add3A_1111 = arith.addi %mul3A_1109, %add3A_1110 : vector<16xi32>
      %add3A_1112 = arith.constant 0 : i32
      %add3A_1113 = vector.broadcast %add3A_1112 : i32 to vector<16xi32>
      %add3A_1114 = arith.addi %add3A_1113, %iota3A : vector<16xi32>
      %gather3A_1115 = tpu.vector_load_idx %arg12[%add3A_1114, %add3A_1111] : memref<100x128xf32, #tpu.memory_space<vmem>>[vector<16xi32>, vector<16xi32>], vector<16xf32>,
      %swap3A_1116 = arith.index_cast %add3A_1106 : i32 to index
      %swap3A_1117 = arith.constant 0 : index
      %swap3A_1118 = tpu.vector_load %arg14[%swap3A_1116, %swap3A_1117] {strides = array<i32>} : memref<112x100xf32, #tpu.memory_space<vmem>>, vector<16xf32>,
      tpu.vector_store %arg14[%swap3A_1116, %swap3A_1117], %gather3A_1115 {strides = array<i32>} : memref<112x100xf32, #tpu.memory_space<vmem>>, vector<16xf32>,
      %add3A_1119 = arith.constant 16 : i32
      %add3A_1120 = vector.broadcast %add3A_1119 : i32 to vector<16xi32>
      %add3A_1121 = arith.addi %add3A_1120, %iota3A : vector<16xi32>
      %gather3A_1122 = tpu.vector_load_idx %arg12[%add3A_1121, %add3A_1111] : memref<100x128xf32, #tpu.memory_space<vmem>>[vector<16xi32>, vector<16xi32>], vector<16xf32>,
      %swap3A_1123 = arith.index_cast %add3A_1106 : i32 to index
      %swap3A_1124 = arith.constant 16 : index
      %swap3A_1125 = tpu.vector_load %arg14[%swap3A_1123, %swap3A_1124] {strides = array<i32>} : memref<112x100xf32, #tpu.memory_space<vmem>>, vector<16xf32>,
      tpu.vector_store %arg14[%swap3A_1123, %swap3A_1124], %gather3A_1122 {strides = array<i32>} : memref<112x100xf32, #tpu.memory_space<vmem>>, vector<16xf32>,
      %add3A_1126 = arith.constant 32 : i32
      %add3A_1127 = vector.broadcast %add3A_1126 : i32 to vector<16xi32>
      %add3A_1128 = arith.addi %add3A_1127, %iota3A : vector<16xi32>
      %gather3A_1129 = tpu.vector_load_idx %arg12[%add3A_1128, %add3A_1111] : memref<100x128xf32, #tpu.memory_space<vmem>>[vector<16xi32>, vector<16xi32>], vector<16xf32>,
      %swap3A_1130 = arith.index_cast %add3A_1106 : i32 to index
      %swap3A_1131 = arith.constant 32 : index
      %swap3A_1132 = tpu.vector_load %arg14[%swap3A_1130, %swap3A_1131] {strides = array<i32>} : memref<112x100xf32, #tpu.memory_space<vmem>>, vector<16xf32>,
      tpu.vector_store %arg14[%swap3A_1130, %swap3A_1131], %gather3A_1129 {strides = array<i32>} : memref<112x100xf32, #tpu.memory_space<vmem>>, vector<16xf32>,
      %add3A_1133 = arith.constant 48 : i32
      %add3A_1134 = vector.broadcast %add3A_1133 : i32 to vector<16xi32>
      %add3A_1135 = arith.addi %add3A_1134, %iota3A : vector<16xi32>
      %gather3A_1136 = tpu.vector_load_idx %arg12[%add3A_1135, %add3A_1111] : memref<100x128xf32, #tpu.memory_space<vmem>>[vector<16xi32>, vector<16xi32>], vector<16xf32>,
      %swap3A_1137 = arith.index_cast %add3A_1106 : i32 to index
      %swap3A_1138 = arith.constant 48 : index
      %swap3A_1139 = tpu.vector_load %arg14[%swap3A_1137, %swap3A_1138] {strides = array<i32>} : memref<112x100xf32, #tpu.memory_space<vmem>>, vector<16xf32>,
      tpu.vector_store %arg14[%swap3A_1137, %swap3A_1138], %gather3A_1136 {strides = array<i32>} : memref<112x100xf32, #tpu.memory_space<vmem>>, vector<16xf32>,
      %add3A_1140 = arith.constant 64 : i32
      %add3A_1141 = vector.broadcast %add3A_1140 : i32 to vector<16xi32>
      %add3A_1142 = arith.addi %add3A_1141, %iota3A : vector<16xi32>
      %gather3A_1143 = tpu.vector_load_idx %arg12[%add3A_1142, %add3A_1111] : memref<100x128xf32, #tpu.memory_space<vmem>>[vector<16xi32>, vector<16xi32>], vector<16xf32>,
      %swap3A_1144 = arith.index_cast %add3A_1106 : i32 to index
      %swap3A_1145 = arith.constant 64 : index
      %swap3A_1146 = tpu.vector_load %arg14[%swap3A_1144, %swap3A_1145] {strides = array<i32>} : memref<112x100xf32, #tpu.memory_space<vmem>>, vector<16xf32>,
      tpu.vector_store %arg14[%swap3A_1144, %swap3A_1145], %gather3A_1143 {strides = array<i32>} : memref<112x100xf32, #tpu.memory_space<vmem>>, vector<16xf32>,
      %add3A_1147 = arith.constant 80 : i32
      %add3A_1148 = vector.broadcast %add3A_1147 : i32 to vector<16xi32>
      %add3A_1149 = arith.addi %add3A_1148, %iota3A : vector<16xi32>
      %gather3A_1150 = tpu.vector_load_idx %arg12[%add3A_1149, %add3A_1111] : memref<100x128xf32, #tpu.memory_space<vmem>>[vector<16xi32>, vector<16xi32>], vector<16xf32>,
      %swap3A_1151 = arith.index_cast %add3A_1106 : i32 to index
      %swap3A_1152 = arith.constant 80 : index
      %swap3A_1153 = tpu.vector_load %arg14[%swap3A_1151, %swap3A_1152] {strides = array<i32>} : memref<112x100xf32, #tpu.memory_space<vmem>>, vector<16xf32>,
      tpu.vector_store %arg14[%swap3A_1151, %swap3A_1152], %gather3A_1150 {strides = array<i32>} : memref<112x100xf32, #tpu.memory_space<vmem>>, vector<16xf32>,
      %add3A_1154 = arith.constant 84 : i32
      %add3A_1155 = vector.broadcast %add3A_1154 : i32 to vector<16xi32>
      %add3A_1156 = arith.addi %add3A_1155, %iota3A : vector<16xi32>
      %gather3A_1157 = tpu.vector_load_idx %arg12[%add3A_1156, %add3A_1111] : memref<100x128xf32, #tpu.memory_space<vmem>>[vector<16xi32>, vector<16xi32>], vector<16xf32>,
      %swap3A_1158 = arith.index_cast %add3A_1106 : i32 to index
      %swap3A_1159 = arith.constant 84 : index
      %swap3A_1160 = tpu.vector_load %arg14[%swap3A_1158, %swap3A_1159] {strides = array<i32>} : memref<112x100xf32, #tpu.memory_space<vmem>>, vector<16xf32>,
      tpu.vector_store %arg14[%swap3A_1158, %swap3A_1159], %gather3A_1157 {strides = array<i32>} : memref<112x100xf32, #tpu.memory_space<vmem>>, vector<16xf32>,
      %mul3A_1161 = arith.constant 16 : i32
      %mul3A_1162 = arith.muli %scan3A_9, %mul3A_1161 : i32
      %add3A_1163 = arith.constant 12 : i32
      %add3A_1164 = arith.addi %mul3A_1162, %add3A_1163 : i32
      %add3A_1165 = arith.constant 3 : i32
      %add3A_1166 = arith.addi %add3A_1164, %add3A_1165 : i32
      %mul3A_1167 = arith.constant 0 : i32
      %mul3A_1168 = vector.broadcast %mul3A_1167 : i32 to vector<16xi32>
      %mul3A_1169 = arith.muli %iota3A, %mul3A_1168 : vector<16xi32>
      %add3A_1170 = vector.broadcast %and3A_686 : i32 to vector<16xi32>
      %add3A_1171 = arith.addi %mul3A_1169, %add3A_1170 : vector<16xi32>
      %add3A_1172 = arith.constant 0 : i32
      %add3A_1173 = vector.broadcast %add3A_1172 : i32 to vector<16xi32>
      %add3A_1174 = arith.addi %add3A_1173, %iota3A : vector<16xi32>
      %gather3A_1175 = tpu.vector_load_idx %arg13[%add3A_1174, %add3A_1171] : memref<100x128xf32, #tpu.memory_space<vmem>>[vector<16xi32>, vector<16xi32>], vector<16xf32>,
      %swap3A_1176 = arith.index_cast %add3A_1166 : i32 to index
      %swap3A_1177 = arith.constant 0 : index
      %swap3A_1178 = tpu.vector_load %arg14[%swap3A_1176, %swap3A_1177] {strides = array<i32>} : memref<112x100xf32, #tpu.memory_space<vmem>>, vector<16xf32>,
      tpu.vector_store %arg14[%swap3A_1176, %swap3A_1177], %gather3A_1175 {strides = array<i32>} : memref<112x100xf32, #tpu.memory_space<vmem>>, vector<16xf32>,
      %add3A_1179 = arith.constant 16 : i32
      %add3A_1180 = vector.broadcast %add3A_1179 : i32 to vector<16xi32>
      %add3A_1181 = arith.addi %add3A_1180, %iota3A : vector<16xi32>
      %gather3A_1182 = tpu.vector_load_idx %arg13[%add3A_1181, %add3A_1171] : memref<100x128xf32, #tpu.memory_space<vmem>>[vector<16xi32>, vector<16xi32>], vector<16xf32>,
      %swap3A_1183 = arith.index_cast %add3A_1166 : i32 to index
      %swap3A_1184 = arith.constant 16 : index
      %swap3A_1185 = tpu.vector_load %arg14[%swap3A_1183, %swap3A_1184] {strides = array<i32>} : memref<112x100xf32, #tpu.memory_space<vmem>>, vector<16xf32>,
      tpu.vector_store %arg14[%swap3A_1183, %swap3A_1184], %gather3A_1182 {strides = array<i32>} : memref<112x100xf32, #tpu.memory_space<vmem>>, vector<16xf32>,
      %add3A_1186 = arith.constant 32 : i32
      %add3A_1187 = vector.broadcast %add3A_1186 : i32 to vector<16xi32>
      %add3A_1188 = arith.addi %add3A_1187, %iota3A : vector<16xi32>
      %gather3A_1189 = tpu.vector_load_idx %arg13[%add3A_1188, %add3A_1171] : memref<100x128xf32, #tpu.memory_space<vmem>>[vector<16xi32>, vector<16xi32>], vector<16xf32>,
      %swap3A_1190 = arith.index_cast %add3A_1166 : i32 to index
      %swap3A_1191 = arith.constant 32 : index
      %swap3A_1192 = tpu.vector_load %arg14[%swap3A_1190, %swap3A_1191] {strides = array<i32>} : memref<112x100xf32, #tpu.memory_space<vmem>>, vector<16xf32>,
      tpu.vector_store %arg14[%swap3A_1190, %swap3A_1191], %gather3A_1189 {strides = array<i32>} : memref<112x100xf32, #tpu.memory_space<vmem>>, vector<16xf32>,
      %add3A_1193 = arith.constant 48 : i32
      %add3A_1194 = vector.broadcast %add3A_1193 : i32 to vector<16xi32>
      %add3A_1195 = arith.addi %add3A_1194, %iota3A : vector<16xi32>
      %gather3A_1196 = tpu.vector_load_idx %arg13[%add3A_1195, %add3A_1171] : memref<100x128xf32, #tpu.memory_space<vmem>>[vector<16xi32>, vector<16xi32>], vector<16xf32>,
      %swap3A_1197 = arith.index_cast %add3A_1166 : i32 to index
      %swap3A_1198 = arith.constant 48 : index
      %swap3A_1199 = tpu.vector_load %arg14[%swap3A_1197, %swap3A_1198] {strides = array<i32>} : memref<112x100xf32, #tpu.memory_space<vmem>>, vector<16xf32>,
      tpu.vector_store %arg14[%swap3A_1197, %swap3A_1198], %gather3A_1196 {strides = array<i32>} : memref<112x100xf32, #tpu.memory_space<vmem>>, vector<16xf32>,
      %add3A_1200 = arith.constant 64 : i32
      %add3A_1201 = vector.broadcast %add3A_1200 : i32 to vector<16xi32>
      %add3A_1202 = arith.addi %add3A_1201, %iota3A : vector<16xi32>
      %gather3A_1203 = tpu.vector_load_idx %arg13[%add3A_1202, %add3A_1171] : memref<100x128xf32, #tpu.memory_space<vmem>>[vector<16xi32>, vector<16xi32>], vector<16xf32>,
      %swap3A_1204 = arith.index_cast %add3A_1166 : i32 to index
      %swap3A_1205 = arith.constant 64 : index
      %swap3A_1206 = tpu.vector_load %arg14[%swap3A_1204, %swap3A_1205] {strides = array<i32>} : memref<112x100xf32, #tpu.memory_space<vmem>>, vector<16xf32>,
      tpu.vector_store %arg14[%swap3A_1204, %swap3A_1205], %gather3A_1203 {strides = array<i32>} : memref<112x100xf32, #tpu.memory_space<vmem>>, vector<16xf32>,
      %add3A_1207 = arith.constant 80 : i32
      %add3A_1208 = vector.broadcast %add3A_1207 : i32 to vector<16xi32>
      %add3A_1209 = arith.addi %add3A_1208, %iota3A : vector<16xi32>
      %gather3A_1210 = tpu.vector_load_idx %arg13[%add3A_1209, %add3A_1171] : memref<100x128xf32, #tpu.memory_space<vmem>>[vector<16xi32>, vector<16xi32>], vector<16xf32>,
      %swap3A_1211 = arith.index_cast %add3A_1166 : i32 to index
      %swap3A_1212 = arith.constant 80 : index
      %swap3A_1213 = tpu.vector_load %arg14[%swap3A_1211, %swap3A_1212] {strides = array<i32>} : memref<112x100xf32, #tpu.memory_space<vmem>>, vector<16xf32>,
      tpu.vector_store %arg14[%swap3A_1211, %swap3A_1212], %gather3A_1210 {strides = array<i32>} : memref<112x100xf32, #tpu.memory_space<vmem>>, vector<16xf32>,
      %add3A_1214 = arith.constant 84 : i32
      %add3A_1215 = vector.broadcast %add3A_1214 : i32 to vector<16xi32>
      %add3A_1216 = arith.addi %add3A_1215, %iota3A : vector<16xi32>
      %gather3A_1217 = tpu.vector_load_idx %arg13[%add3A_1216, %add3A_1171] : memref<100x128xf32, #tpu.memory_space<vmem>>[vector<16xi32>, vector<16xi32>], vector<16xf32>,
      %swap3A_1218 = arith.index_cast %add3A_1166 : i32 to index
      %swap3A_1219 = arith.constant 84 : index
      %swap3A_1220 = tpu.vector_load %arg14[%swap3A_1218, %swap3A_1219] {strides = array<i32>} : memref<112x100xf32, #tpu.memory_space<vmem>>, vector<16xf32>,
      tpu.vector_store %arg14[%swap3A_1218, %swap3A_1219], %gather3A_1217 {strides = array<i32>} : memref<112x100xf32, #tpu.memory_space<vmem>>, vector<16xf32>,
      %scan3A_1221 = arith.constant 0 : i32
      scf.yield %scan3A_1221 : i32
    }
    %scan3A_8 = arith.constant 7 : i32
    "tpu.region"() ({
      %run_scoped3A = tpu.sem_alloc : memref<!tpu.dma_semaphore, #tpu.memory_space<semaphore_mem>>
      %dma_start3A = arith.constant 0 : i32
      %dma_start3A_9 = tpu.memref_slice %arg4[%mul3A_2, %dma_start3A] : memref<3584x100xf32, #tpu.memory_space<hbm>> -> memref<112x100xf32, #tpu.memory_space<hbm>>
      %dma_start3A_10 = arith.constant 0 : i32
      %dma_start3A_11 = tpu.memref_slice %arg4[%mul3A_2, %dma_start3A_10] : memref<3584x100xf32, #tpu.memory_space<hbm>> -> memref<112x100xf32, #tpu.memory_space<hbm>>
      tpu.enqueue_dma source(%arg14 : memref<112x100xf32, #tpu.memory_space<vmem>>) target(%dma_start3A_11 : memref<112x100xf32, #tpu.memory_space<hbm>>) target_semaphore(%run_scoped3A : memref<!tpu.dma_semaphore, #tpu.memory_space<semaphore_mem>>)
      %dma_wait3A = arith.constant 0 : i32
      %dma_wait3A_12 = tpu.memref_slice %arg4[%mul3A_2, %dma_wait3A] : memref<3584x100xf32, #tpu.memory_space<hbm>> -> memref<112x100xf32, #tpu.memory_space<hbm>>
      %dma_wait3A_13 = arith.constant 0 : i32
      %dma_wait3A_14 = tpu.memref_slice %arg4[%mul3A_2, %dma_wait3A_13] : memref<3584x100xf32, #tpu.memory_space<hbm>> -> memref<112x100xf32, #tpu.memory_space<hbm>>
      tpu.wait_dma2 semaphore(%run_scoped3A : memref<!tpu.dma_semaphore, #tpu.memory_space<semaphore_mem>>) src(%arg14 : memref<112x100xf32, #tpu.memory_space<vmem>>) dst(%dma_wait3A_14 : memref<112x100xf32, #tpu.memory_space<hbm>>)
      tpu.yield
    }) : () -> ()
    return
  }
}

module attributes {stable_mosaic.version = 14 : i64} {
  func.func @_tc_softmax_body(%arg0: memref<100x4096xf32, #tpu.memory_space<vmem>>, %arg1: memref<100x4096xf32, #tpu.memory_space<vmem>>, %arg2: memref<100x4096xf32, #tpu.memory_space<vmem>>, %arg3: memref<1x1xf32, #tpu.memory_space<smem>>) attributes {dimension_semantics = [], scalar_prefetch = 0 : i64, scratch_operands = 0 : i64, tpu.core_type = #tpu.core_type<tc>} {
    %get3A = arith.constant 0 : index
    %get3A_0 = arith.constant 0 : index
    %get3A_1 = vector.load %arg0[%get3A, %get3A_0] : memref<100x4096xf32, #tpu.memory_space<vmem>>, vector<100x4096xf32>
    %reduce_max3A = arith.constant dense<0xFF800000> : vector<4096xf32>
    %reduce_max3A_2 = vector.multi_reduction <maximumf>, %get3A_1, %reduce_max3A [0] : vector<100x4096xf32> to vector<4096xf32>
    %broadcast_in_dim3A = vector.shape_cast %reduce_max3A_2 : vector<4096xf32> to vector<1x4096xf32>
    %sub3A = vector.broadcast %broadcast_in_dim3A : vector<1x4096xf32> to vector<100x4096xf32>
    %sub3A_3 = arith.subf %get3A_1, %sub3A : vector<100x4096xf32>
    %exp3A = math.exp %sub3A_3 : vector<100x4096xf32>
    %reduce_sum3A = arith.constant dense<0.000000e+00> : vector<4096xf32>
    %reduce_sum3A_4 = vector.multi_reduction <add>, %exp3A, %reduce_sum3A [0] : vector<100x4096xf32> to vector<4096xf32>
    %broadcast_in_dim3A_5 = vector.shape_cast %reduce_sum3A_4 : vector<4096xf32> to vector<1x4096xf32>
    %div3A = vector.broadcast %broadcast_in_dim3A_5 : vector<1x4096xf32> to vector<100x4096xf32>
    %div3A_6 = arith.divf %exp3A, %div3A : vector<100x4096xf32>
    %jit3A = arith.constant 9.99999974E-5 : f32
    %jit3A_7 = arith.constant 0.999899983 : f32
    %max3A = vector.broadcast %jit3A : f32 to vector<100x4096xf32>
    %max3A_8 = arith.maximumf %max3A, %div3A_6 : vector<100x4096xf32>
    %min3A = vector.broadcast %jit3A_7 : f32 to vector<100x4096xf32>
    %min3A_9 = arith.minimumf %min3A, %max3A_8 : vector<100x4096xf32>
    %swap3A = arith.constant 0 : index
    %swap3A_10 = arith.constant 0 : index
    %swap3A_11 = vector.load %arg2[%swap3A, %swap3A_10] : memref<100x4096xf32, #tpu.memory_space<vmem>>, vector<100x4096xf32>
    tpu.vector_store %arg2[%swap3A, %swap3A_10], %min3A_9 {strides = array<i32>} : memref<100x4096xf32, #tpu.memory_space<vmem>>, vector<100x4096xf32>,
    %log3A = math.log %broadcast_in_dim3A_5 : vector<1x4096xf32>
    %sub3A_12 = vector.broadcast %log3A : vector<1x4096xf32> to vector<100x4096xf32>
    %sub3A_13 = arith.subf %sub3A_3, %sub3A_12 : vector<100x4096xf32>
    %get3A_14 = arith.constant 0 : index
    %get3A_15 = arith.constant 0 : index
    %get3A_16 = vector.load %arg1[%get3A_14, %get3A_15] : memref<100x4096xf32, #tpu.memory_space<vmem>>, vector<100x4096xf32>
    %neg3A = arith.constant 0.000000e+00 : f32
    %neg3A_17 = vector.broadcast %neg3A : f32 to vector<100x4096xf32>
    %neg3A_18 = arith.subf %neg3A_17, %get3A_16 : vector<100x4096xf32>
    %mul3A = arith.mulf %neg3A_18, %sub3A_13 : vector<100x4096xf32>
    %reduce_sum3A_19 = vector.shape_cast %mul3A : vector<100x4096xf32> to vector<1x100x4096xf32>
    %reduce_sum3A_20 = arith.constant dense<0.000000e+00> : vector<1xf32>
    %reduce_sum3A_21 = vector.multi_reduction <add>, %reduce_sum3A_19, %reduce_sum3A_20 [1, 2] : vector<1x100x4096xf32> to vector<1xf32>
    %reduce_sum3A_22 = vector.shape_cast %reduce_sum3A_21 : vector<1xf32> to vector<1x1x1xf32>
    %reduce_sum3A_23 = vector.extract %reduce_sum3A_22[0, 0, 0] : f32 from vector<1x1x1xf32>
    %swap3A_24 = arith.constant 0 : index
    %swap3A_25 = arith.constant 0 : index
    %swap3A_26 = memref.load %arg3[%swap3A_24, %swap3A_25] : memref<1x1xf32, #tpu.memory_space<smem>>
    memref.store %reduce_sum3A_23, %arg3[%swap3A_24, %swap3A_25] : memref<1x1xf32, #tpu.memory_space<smem>>
    return
  }
}

module attributes {stable_mosaic.version = 14 : i64} {
  func.func @_tc_gather_body(%arg0: i32, %arg1: memref<4096xi32, #tpu.memory_space<smem>>, %arg2: memref<1x1x8xi32, #tpu.memory_space<vmem>>, %arg3: memref<100x1000000xf32, #tpu.memory_space<any>>, %arg4: memref<100x128xf32, #tpu.memory_space<vmem>>, %arg5: memref<2x100x1024xf32, #tpu.memory_space<vmem>>, %arg6: memref<2x!tpu.dma_semaphore, #tpu.memory_space<semaphore_mem>>) attributes {dimension_semantics = [#tpu.dimension_semantics<arbitrary>], iteration_bounds = array<i64: 64>, scalar_prefetch = 0 : i64, scratch_operands = 2 : i64, tpu.core_type = #tpu.core_type<tc>, window_params = [{transform_indices = @transform_0, window_bounds = array<i64: 4096>}, {transform_indices = @transform_1, window_bounds = array<i64: 1, 1, 8>}, {}, {transform_indices = @transform_3, window_bounds = array<i64: 100, 128>}]} {
    %eq3A = arith.constant 0 : i32
    %eq3A_0 = arith.cmpi eq, %arg0, %eq3A : i32
    %convert_element_type3A = arith.extui %eq3A_0 : i1 to i32
    %cond3A = arith.constant 0 : i32
    %cond3A_1 = arith.cmpi ne, %convert_element_type3A, %cond3A : i32
    scf.if %cond3A_1 {
      %get3A_97 = arith.constant 3584 : index
      %get3A_98 = memref.load %arg1[%get3A_97] : memref<4096xi32, #tpu.memory_space<smem>>
      %and3A_99 = arith.constant 127 : i32
      %and3A_100 = arith.andi %get3A_98, %and3A_99 : i32
      %sub3A = arith.subi %get3A_98, %and3A_100 : i32
      %multiple_of3A = tpu.assume_multiple %sub3A, 128 : i32
      %dma_start3A = arith.constant 0 : i32
      %dma_start3A_101 = arith.constant 0 : i32
      %dma_start3A_102 = tpu.memref_slice %arg6[%dma_start3A_101] : memref<2x!tpu.dma_semaphore, #tpu.memory_space<semaphore_mem>> -> memref<1x!tpu.dma_semaphore, #tpu.memory_space<semaphore_mem>>
      %dma_start3A_103 = tpu.memref_squeeze %dma_start3A_102 : memref<1x!tpu.dma_semaphore, #tpu.memory_space<semaphore_mem>> -> memref<!tpu.dma_semaphore, #tpu.memory_space<semaphore_mem>>
      %dma_start3A_104 = arith.constant 0 : i32
      %dma_start3A_105 = arith.constant 0 : i32
      %dma_start3A_106 = tpu.memref_slice %arg5[%dma_start3A, %dma_start3A_104, %dma_start3A_105] : memref<2x100x1024xf32, #tpu.memory_space<vmem>> -> memref<1x100x128xf32, #tpu.memory_space<vmem>>
      %dma_start3A_107 = tpu.memref_squeeze %dma_start3A_106 : memref<1x100x128xf32, #tpu.memory_space<vmem>> -> memref<100x128xf32, #tpu.memory_space<vmem>>
      %dma_start3A_108 = arith.constant 0 : i32
      %dma_start3A_109 = tpu.memref_slice %arg3[%dma_start3A_108, %multiple_of3A] : memref<100x1000000xf32, #tpu.memory_space<any>> -> memref<100x128xf32, #tpu.memory_space<any>>
      tpu.enqueue_dma source(%dma_start3A_109 : memref<100x128xf32, #tpu.memory_space<any>>) target(%dma_start3A_107 : memref<100x128xf32, #tpu.memory_space<vmem>>) target_semaphore(%dma_start3A_103 : memref<!tpu.dma_semaphore, #tpu.memory_space<semaphore_mem>>)
      %get3A_110 = arith.constant 3585 : index
      %get3A_111 = memref.load %arg1[%get3A_110] : memref<4096xi32, #tpu.memory_space<smem>>
      %and3A_112 = arith.constant 127 : i32
      %and3A_113 = arith.andi %get3A_111, %and3A_112 : i32
      %sub3A_114 = arith.subi %get3A_111, %and3A_113 : i32
      %multiple_of3A_115 = tpu.assume_multiple %sub3A_114, 128 : i32
      %dma_start3A_116 = arith.constant 0 : i32
      %dma_start3A_117 = arith.constant 0 : i32
      %dma_start3A_118 = tpu.memref_slice %arg6[%dma_start3A_117] : memref<2x!tpu.dma_semaphore, #tpu.memory_space<semaphore_mem>> -> memref<1x!tpu.dma_semaphore, #tpu.memory_space<semaphore_mem>>
      %dma_start3A_119 = tpu.memref_squeeze %dma_start3A_118 : memref<1x!tpu.dma_semaphore, #tpu.memory_space<semaphore_mem>> -> memref<!tpu.dma_semaphore, #tpu.memory_space<semaphore_mem>>
      %dma_start3A_120 = arith.constant 0 : i32
      %dma_start3A_121 = arith.constant 128 : i32
      %dma_start3A_122 = tpu.memref_slice %arg5[%dma_start3A_116, %dma_start3A_120, %dma_start3A_121] : memref<2x100x1024xf32, #tpu.memory_space<vmem>> -> memref<1x100x128xf32, #tpu.memory_space<vmem>>
      %dma_start3A_123 = tpu.memref_squeeze %dma_start3A_122 : memref<1x100x128xf32, #tpu.memory_space<vmem>> -> memref<100x128xf32, #tpu.memory_space<vmem>>
      %dma_start3A_124 = arith.constant 0 : i32
      %dma_start3A_125 = tpu.memref_slice %arg3[%dma_start3A_124, %multiple_of3A_115] : memref<100x1000000xf32, #tpu.memory_space<any>> -> memref<100x128xf32, #tpu.memory_space<any>>
      tpu.enqueue_dma source(%dma_start3A_125 : memref<100x128xf32, #tpu.memory_space<any>>) target(%dma_start3A_123 : memref<100x128xf32, #tpu.memory_space<vmem>>) target_semaphore(%dma_start3A_119 : memref<!tpu.dma_semaphore, #tpu.memory_space<semaphore_mem>>)
      %get3A_126 = arith.constant 3586 : index
      %get3A_127 = memref.load %arg1[%get3A_126] : memref<4096xi32, #tpu.memory_space<smem>>
      %and3A_128 = arith.constant 127 : i32
      %and3A_129 = arith.andi %get3A_127, %and3A_128 : i32
      %sub3A_130 = arith.subi %get3A_127, %and3A_129 : i32
      %multiple_of3A_131 = tpu.assume_multiple %sub3A_130, 128 : i32
      %dma_start3A_132 = arith.constant 0 : i32
      %dma_start3A_133 = arith.constant 0 : i32
      %dma_start3A_134 = tpu.memref_slice %arg6[%dma_start3A_133] : memref<2x!tpu.dma_semaphore, #tpu.memory_space<semaphore_mem>> -> memref<1x!tpu.dma_semaphore, #tpu.memory_space<semaphore_mem>>
      %dma_start3A_135 = tpu.memref_squeeze %dma_start3A_134 : memref<1x!tpu.dma_semaphore, #tpu.memory_space<semaphore_mem>> -> memref<!tpu.dma_semaphore, #tpu.memory_space<semaphore_mem>>
      %dma_start3A_136 = arith.constant 0 : i32
      %dma_start3A_137 = arith.constant 256 : i32
      %dma_start3A_138 = tpu.memref_slice %arg5[%dma_start3A_132, %dma_start3A_136, %dma_start3A_137] : memref<2x100x1024xf32, #tpu.memory_space<vmem>> -> memref<1x100x128xf32, #tpu.memory_space<vmem>>
      %dma_start3A_139 = tpu.memref_squeeze %dma_start3A_138 : memref<1x100x128xf32, #tpu.memory_space<vmem>> -> memref<100x128xf32, #tpu.memory_space<vmem>>
      %dma_start3A_140 = arith.constant 0 : i32
      %dma_start3A_141 = tpu.memref_slice %arg3[%dma_start3A_140, %multiple_of3A_131] : memref<100x1000000xf32, #tpu.memory_space<any>> -> memref<100x128xf32, #tpu.memory_space<any>>
      tpu.enqueue_dma source(%dma_start3A_141 : memref<100x128xf32, #tpu.memory_space<any>>) target(%dma_start3A_139 : memref<100x128xf32, #tpu.memory_space<vmem>>) target_semaphore(%dma_start3A_135 : memref<!tpu.dma_semaphore, #tpu.memory_space<semaphore_mem>>)
      %get3A_142 = arith.constant 3587 : index
      %get3A_143 = memref.load %arg1[%get3A_142] : memref<4096xi32, #tpu.memory_space<smem>>
      %and3A_144 = arith.constant 127 : i32
      %and3A_145 = arith.andi %get3A_143, %and3A_144 : i32
      %sub3A_146 = arith.subi %get3A_143, %and3A_145 : i32
      %multiple_of3A_147 = tpu.assume_multiple %sub3A_146, 128 : i32
      %dma_start3A_148 = arith.constant 0 : i32
      %dma_start3A_149 = arith.constant 0 : i32
      %dma_start3A_150 = tpu.memref_slice %arg6[%dma_start3A_149] : memref<2x!tpu.dma_semaphore, #tpu.memory_space<semaphore_mem>> -> memref<1x!tpu.dma_semaphore, #tpu.memory_space<semaphore_mem>>
      %dma_start3A_151 = tpu.memref_squeeze %dma_start3A_150 : memref<1x!tpu.dma_semaphore, #tpu.memory_space<semaphore_mem>> -> memref<!tpu.dma_semaphore, #tpu.memory_space<semaphore_mem>>
      %dma_start3A_152 = arith.constant 0 : i32
      %dma_start3A_153 = arith.constant 384 : i32
      %dma_start3A_154 = tpu.memref_slice %arg5[%dma_start3A_148, %dma_start3A_152, %dma_start3A_153] : memref<2x100x1024xf32, #tpu.memory_space<vmem>> -> memref<1x100x128xf32, #tpu.memory_space<vmem>>
      %dma_start3A_155 = tpu.memref_squeeze %dma_start3A_154 : memref<1x100x128xf32, #tpu.memory_space<vmem>> -> memref<100x128xf32, #tpu.memory_space<vmem>>
      %dma_start3A_156 = arith.constant 0 : i32
      %dma_start3A_157 = tpu.memref_slice %arg3[%dma_start3A_156, %multiple_of3A_147] : memref<100x1000000xf32, #tpu.memory_space<any>> -> memref<100x128xf32, #tpu.memory_space<any>>
      tpu.enqueue_dma source(%dma_start3A_157 : memref<100x128xf32, #tpu.memory_space<any>>) target(%dma_start3A_155 : memref<100x128xf32, #tpu.memory_space<vmem>>) target_semaphore(%dma_start3A_151 : memref<!tpu.dma_semaphore, #tpu.memory_space<semaphore_mem>>)
      %get3A_158 = arith.constant 3588 : index
      %get3A_159 = memref.load %arg1[%get3A_158] : memref<4096xi32, #tpu.memory_space<smem>>
      %and3A_160 = arith.constant 127 : i32
      %and3A_161 = arith.andi %get3A_159, %and3A_160 : i32
      %sub3A_162 = arith.subi %get3A_159, %and3A_161 : i32
      %multiple_of3A_163 = tpu.assume_multiple %sub3A_162, 128 : i32
      %dma_start3A_164 = arith.constant 0 : i32
      %dma_start3A_165 = arith.constant 0 : i32
      %dma_start3A_166 = tpu.memref_slice %arg6[%dma_start3A_165] : memref<2x!tpu.dma_semaphore, #tpu.memory_space<semaphore_mem>> -> memref<1x!tpu.dma_semaphore, #tpu.memory_space<semaphore_mem>>
      %dma_start3A_167 = tpu.memref_squeeze %dma_start3A_166 : memref<1x!tpu.dma_semaphore, #tpu.memory_space<semaphore_mem>> -> memref<!tpu.dma_semaphore, #tpu.memory_space<semaphore_mem>>
      %dma_start3A_168 = arith.constant 0 : i32
      %dma_start3A_169 = arith.constant 512 : i32
      %dma_start3A_170 = tpu.memref_slice %arg5[%dma_start3A_164, %dma_start3A_168, %dma_start3A_169] : memref<2x100x1024xf32, #tpu.memory_space<vmem>> -> memref<1x100x128xf32, #tpu.memory_space<vmem>>
      %dma_start3A_171 = tpu.memref_squeeze %dma_start3A_170 : memref<1x100x128xf32, #tpu.memory_space<vmem>> -> memref<100x128xf32, #tpu.memory_space<vmem>>
      %dma_start3A_172 = arith.constant 0 : i32
      %dma_start3A_173 = tpu.memref_slice %arg3[%dma_start3A_172, %multiple_of3A_163] : memref<100x1000000xf32, #tpu.memory_space<any>> -> memref<100x128xf32, #tpu.memory_space<any>>
      tpu.enqueue_dma source(%dma_start3A_173 : memref<100x128xf32, #tpu.memory_space<any>>) target(%dma_start3A_171 : memref<100x128xf32, #tpu.memory_space<vmem>>) target_semaphore(%dma_start3A_167 : memref<!tpu.dma_semaphore, #tpu.memory_space<semaphore_mem>>)
      %get3A_174 = arith.constant 3589 : index
      %get3A_175 = memref.load %arg1[%get3A_174] : memref<4096xi32, #tpu.memory_space<smem>>
      %and3A_176 = arith.constant 127 : i32
      %and3A_177 = arith.andi %get3A_175, %and3A_176 : i32
      %sub3A_178 = arith.subi %get3A_175, %and3A_177 : i32
      %multiple_of3A_179 = tpu.assume_multiple %sub3A_178, 128 : i32
      %dma_start3A_180 = arith.constant 0 : i32
      %dma_start3A_181 = arith.constant 0 : i32
      %dma_start3A_182 = tpu.memref_slice %arg6[%dma_start3A_181] : memref<2x!tpu.dma_semaphore, #tpu.memory_space<semaphore_mem>> -> memref<1x!tpu.dma_semaphore, #tpu.memory_space<semaphore_mem>>
      %dma_start3A_183 = tpu.memref_squeeze %dma_start3A_182 : memref<1x!tpu.dma_semaphore, #tpu.memory_space<semaphore_mem>> -> memref<!tpu.dma_semaphore, #tpu.memory_space<semaphore_mem>>
      %dma_start3A_184 = arith.constant 0 : i32
      %dma_start3A_185 = arith.constant 640 : i32
      %dma_start3A_186 = tpu.memref_slice %arg5[%dma_start3A_180, %dma_start3A_184, %dma_start3A_185] : memref<2x100x1024xf32, #tpu.memory_space<vmem>> -> memref<1x100x128xf32, #tpu.memory_space<vmem>>
      %dma_start3A_187 = tpu.memref_squeeze %dma_start3A_186 : memref<1x100x128xf32, #tpu.memory_space<vmem>> -> memref<100x128xf32, #tpu.memory_space<vmem>>
      %dma_start3A_188 = arith.constant 0 : i32
      %dma_start3A_189 = tpu.memref_slice %arg3[%dma_start3A_188, %multiple_of3A_179] : memref<100x1000000xf32, #tpu.memory_space<any>> -> memref<100x128xf32, #tpu.memory_space<any>>
      tpu.enqueue_dma source(%dma_start3A_189 : memref<100x128xf32, #tpu.memory_space<any>>) target(%dma_start3A_187 : memref<100x128xf32, #tpu.memory_space<vmem>>) target_semaphore(%dma_start3A_183 : memref<!tpu.dma_semaphore, #tpu.memory_space<semaphore_mem>>)
      %get3A_190 = arith.constant 3590 : index
      %get3A_191 = memref.load %arg1[%get3A_190] : memref<4096xi32, #tpu.memory_space<smem>>
      %and3A_192 = arith.constant 127 : i32
      %and3A_193 = arith.andi %get3A_191, %and3A_192 : i32
      %sub3A_194 = arith.subi %get3A_191, %and3A_193 : i32
      %multiple_of3A_195 = tpu.assume_multiple %sub3A_194, 128 : i32
      %dma_start3A_196 = arith.constant 0 : i32
      %dma_start3A_197 = arith.constant 0 : i32
      %dma_start3A_198 = tpu.memref_slice %arg6[%dma_start3A_197] : memref<2x!tpu.dma_semaphore, #tpu.memory_space<semaphore_mem>> -> memref<1x!tpu.dma_semaphore, #tpu.memory_space<semaphore_mem>>
      %dma_start3A_199 = tpu.memref_squeeze %dma_start3A_198 : memref<1x!tpu.dma_semaphore, #tpu.memory_space<semaphore_mem>> -> memref<!tpu.dma_semaphore, #tpu.memory_space<semaphore_mem>>
      %dma_start3A_200 = arith.constant 0 : i32
      %dma_start3A_201 = arith.constant 768 : i32
      %dma_start3A_202 = tpu.memref_slice %arg5[%dma_start3A_196, %dma_start3A_200, %dma_start3A_201] : memref<2x100x1024xf32, #tpu.memory_space<vmem>> -> memref<1x100x128xf32, #tpu.memory_space<vmem>>
      %dma_start3A_203 = tpu.memref_squeeze %dma_start3A_202 : memref<1x100x128xf32, #tpu.memory_space<vmem>> -> memref<100x128xf32, #tpu.memory_space<vmem>>
      %dma_start3A_204 = arith.constant 0 : i32
      %dma_start3A_205 = tpu.memref_slice %arg3[%dma_start3A_204, %multiple_of3A_195] : memref<100x1000000xf32, #tpu.memory_space<any>> -> memref<100x128xf32, #tpu.memory_space<any>>
      tpu.enqueue_dma source(%dma_start3A_205 : memref<100x128xf32, #tpu.memory_space<any>>) target(%dma_start3A_203 : memref<100x128xf32, #tpu.memory_space<vmem>>) target_semaphore(%dma_start3A_199 : memref<!tpu.dma_semaphore, #tpu.memory_space<semaphore_mem>>)
      %get3A_206 = arith.constant 3591 : index
      %get3A_207 = memref.load %arg1[%get3A_206] : memref<4096xi32, #tpu.memory_space<smem>>
      %and3A_208 = arith.constant 127 : i32
      %and3A_209 = arith.andi %get3A_207, %and3A_208 : i32
      %sub3A_210 = arith.subi %get3A_207, %and3A_209 : i32
      %multiple_of3A_211 = tpu.assume_multiple %sub3A_210, 128 : i32
      %dma_start3A_212 = arith.constant 0 : i32
      %dma_start3A_213 = arith.constant 0 : i32
      %dma_start3A_214 = tpu.memref_slice %arg6[%dma_start3A_213] : memref<2x!tpu.dma_semaphore, #tpu.memory_space<semaphore_mem>> -> memref<1x!tpu.dma_semaphore, #tpu.memory_space<semaphore_mem>>
      %dma_start3A_215 = tpu.memref_squeeze %dma_start3A_214 : memref<1x!tpu.dma_semaphore, #tpu.memory_space<semaphore_mem>> -> memref<!tpu.dma_semaphore, #tpu.memory_space<semaphore_mem>>
      %dma_start3A_216 = arith.constant 0 : i32
      %dma_start3A_217 = arith.constant 896 : i32
      %dma_start3A_218 = tpu.memref_slice %arg5[%dma_start3A_212, %dma_start3A_216, %dma_start3A_217] : memref<2x100x1024xf32, #tpu.memory_space<vmem>> -> memref<1x100x128xf32, #tpu.memory_space<vmem>>
      %dma_start3A_219 = tpu.memref_squeeze %dma_start3A_218 : memref<1x100x128xf32, #tpu.memory_space<vmem>> -> memref<100x128xf32, #tpu.memory_space<vmem>>
      %dma_start3A_220 = arith.constant 0 : i32
      %dma_start3A_221 = tpu.memref_slice %arg3[%dma_start3A_220, %multiple_of3A_211] : memref<100x1000000xf32, #tpu.memory_space<any>> -> memref<100x128xf32, #tpu.memory_space<any>>
      tpu.enqueue_dma source(%dma_start3A_221 : memref<100x128xf32, #tpu.memory_space<any>>) target(%dma_start3A_219 : memref<100x128xf32, #tpu.memory_space<vmem>>) target_semaphore(%dma_start3A_215 : memref<!tpu.dma_semaphore, #tpu.memory_space<semaphore_mem>>)
    } else {
    }
    %add3A = arith.constant 1 : i32
    %add3A_2 = arith.addi %arg0, %add3A : i32
    %lt3A = arith.constant 64 : i32
    %lt3A_3 = arith.cmpi slt, %add3A_2, %lt3A : i32
    %convert_element_type3A_4 = arith.extui %lt3A_3 : i1 to i32
    %cond3A_5 = arith.constant 0 : i32
    %cond3A_6 = arith.cmpi ne, %convert_element_type3A_4, %cond3A_5 : i32
    scf.if %cond3A_6 {
      %add3A_97 = arith.constant 1 : i32
      %add3A_98 = arith.addi %arg0, %add3A_97 : i32
      %add3A_99 = arith.constant 1 : i32
      %add3A_100 = arith.addi %arg0, %add3A_99 : i32
      %jit3A_101 = arith.constant 2 : i32
      %eq3A_102 = arith.constant 0 : i32
      %eq3A_103 = arith.cmpi eq, %jit3A_101, %eq3A_102 : i32
      %jit3A_104 = arith.constant 1 : i32
      %select_n3A_105 = arith.select %eq3A_103, %jit3A_104, %jit3A_101 : i32
      %rem3A_106 = arith.remsi %add3A_100, %select_n3A_105 : i32
      %ne3A_107 = arith.constant 0 : i32
      %ne3A_108 = arith.cmpi ne, %rem3A_106, %ne3A_107 : i32
      %lt3A_109 = arith.constant 0 : i32
      %lt3A_110 = arith.cmpi slt, %rem3A_106, %lt3A_109 : i32
      %lt3A_111 = arith.constant 0 : i32
      %lt3A_112 = arith.cmpi slt, %select_n3A_105, %lt3A_111 : i32
      %ne3A_113 = arith.xori %lt3A_110, %lt3A_112 : i1
      %and3A_114 = arith.andi %ne3A_113, %ne3A_108 : i1
      %add3A_115 = arith.addi %rem3A_106, %select_n3A_105 : i32
      %select_n3A_116 = arith.select %and3A_114, %add3A_115, %rem3A_106 : i32
      %mul3A_117 = arith.constant 8 : i32
      %mul3A_118 = arith.muli %add3A_98, %mul3A_117 : i32
      %add3A_119 = arith.constant 3584 : i32
      %add3A_120 = arith.addi %add3A_119, %mul3A_118 : i32
      %add3A_121 = arith.constant 0 : i32
      %add3A_122 = arith.addi %add3A_120, %add3A_121 : i32
      %get3A_123 = arith.index_cast %add3A_122 : i32 to index
      %get3A_124 = memref.load %arg1[%get3A_123] : memref<4096xi32, #tpu.memory_space<smem>>
      %and3A_125 = arith.constant 127 : i32
      %and3A_126 = arith.andi %get3A_124, %and3A_125 : i32
      %sub3A = arith.subi %get3A_124, %and3A_126 : i32
      %multiple_of3A = tpu.assume_multiple %sub3A, 128 : i32
      %dma_start3A = tpu.memref_slice %arg6[%select_n3A_116] : memref<2x!tpu.dma_semaphore, #tpu.memory_space<semaphore_mem>> -> memref<1x!tpu.dma_semaphore, #tpu.memory_space<semaphore_mem>>
      %dma_start3A_127 = tpu.memref_squeeze %dma_start3A : memref<1x!tpu.dma_semaphore, #tpu.memory_space<semaphore_mem>> -> memref<!tpu.dma_semaphore, #tpu.memory_space<semaphore_mem>>
      %dma_start3A_128 = arith.constant 0 : i32
      %dma_start3A_129 = arith.constant 0 : i32
      %dma_start3A_130 = tpu.memref_slice %arg5[%select_n3A_116, %dma_start3A_128, %dma_start3A_129] : memref<2x100x1024xf32, #tpu.memory_space<vmem>> -> memref<1x100x128xf32, #tpu.memory_space<vmem>>
      %dma_start3A_131 = tpu.memref_squeeze %dma_start3A_130 : memref<1x100x128xf32, #tpu.memory_space<vmem>> -> memref<100x128xf32, #tpu.memory_space<vmem>>
      %dma_start3A_132 = arith.constant 0 : i32
      %dma_start3A_133 = tpu.memref_slice %arg3[%dma_start3A_132, %multiple_of3A] : memref<100x1000000xf32, #tpu.memory_space<any>> -> memref<100x128xf32, #tpu.memory_space<any>>
      tpu.enqueue_dma source(%dma_start3A_133 : memref<100x128xf32, #tpu.memory_space<any>>) target(%dma_start3A_131 : memref<100x128xf32, #tpu.memory_space<vmem>>) target_semaphore(%dma_start3A_127 : memref<!tpu.dma_semaphore, #tpu.memory_space<semaphore_mem>>)
      %mul3A_134 = arith.constant 8 : i32
      %mul3A_135 = arith.muli %add3A_98, %mul3A_134 : i32
      %add3A_136 = arith.constant 3584 : i32
      %add3A_137 = arith.addi %add3A_136, %mul3A_135 : i32
      %add3A_138 = arith.constant 1 : i32
      %add3A_139 = arith.addi %add3A_137, %add3A_138 : i32
      %get3A_140 = arith.index_cast %add3A_139 : i32 to index
      %get3A_141 = memref.load %arg1[%get3A_140] : memref<4096xi32, #tpu.memory_space<smem>>
      %and3A_142 = arith.constant 127 : i32
      %and3A_143 = arith.andi %get3A_141, %and3A_142 : i32
      %sub3A_144 = arith.subi %get3A_141, %and3A_143 : i32
      %multiple_of3A_145 = tpu.assume_multiple %sub3A_144, 128 : i32
      %dma_start3A_146 = tpu.memref_slice %arg6[%select_n3A_116] : memref<2x!tpu.dma_semaphore, #tpu.memory_space<semaphore_mem>> -> memref<1x!tpu.dma_semaphore, #tpu.memory_space<semaphore_mem>>
      %dma_start3A_147 = tpu.memref_squeeze %dma_start3A_146 : memref<1x!tpu.dma_semaphore, #tpu.memory_space<semaphore_mem>> -> memref<!tpu.dma_semaphore, #tpu.memory_space<semaphore_mem>>
      %dma_start3A_148 = arith.constant 0 : i32
      %dma_start3A_149 = arith.constant 128 : i32
      %dma_start3A_150 = tpu.memref_slice %arg5[%select_n3A_116, %dma_start3A_148, %dma_start3A_149] : memref<2x100x1024xf32, #tpu.memory_space<vmem>> -> memref<1x100x128xf32, #tpu.memory_space<vmem>>
      %dma_start3A_151 = tpu.memref_squeeze %dma_start3A_150 : memref<1x100x128xf32, #tpu.memory_space<vmem>> -> memref<100x128xf32, #tpu.memory_space<vmem>>
      %dma_start3A_152 = arith.constant 0 : i32
      %dma_start3A_153 = tpu.memref_slice %arg3[%dma_start3A_152, %multiple_of3A_145] : memref<100x1000000xf32, #tpu.memory_space<any>> -> memref<100x128xf32, #tpu.memory_space<any>>
      tpu.enqueue_dma source(%dma_start3A_153 : memref<100x128xf32, #tpu.memory_space<any>>) target(%dma_start3A_151 : memref<100x128xf32, #tpu.memory_space<vmem>>) target_semaphore(%dma_start3A_147 : memref<!tpu.dma_semaphore, #tpu.memory_space<semaphore_mem>>)
      %mul3A_154 = arith.constant 8 : i32
      %mul3A_155 = arith.muli %add3A_98, %mul3A_154 : i32
      %add3A_156 = arith.constant 3584 : i32
      %add3A_157 = arith.addi %add3A_156, %mul3A_155 : i32
      %add3A_158 = arith.constant 2 : i32
      %add3A_159 = arith.addi %add3A_157, %add3A_158 : i32
      %get3A_160 = arith.index_cast %add3A_159 : i32 to index
      %get3A_161 = memref.load %arg1[%get3A_160] : memref<4096xi32, #tpu.memory_space<smem>>
      %and3A_162 = arith.constant 127 : i32
      %and3A_163 = arith.andi %get3A_161, %and3A_162 : i32
      %sub3A_164 = arith.subi %get3A_161, %and3A_163 : i32
      %multiple_of3A_165 = tpu.assume_multiple %sub3A_164, 128 : i32
      %dma_start3A_166 = tpu.memref_slice %arg6[%select_n3A_116] : memref<2x!tpu.dma_semaphore, #tpu.memory_space<semaphore_mem>> -> memref<1x!tpu.dma_semaphore, #tpu.memory_space<semaphore_mem>>
      %dma_start3A_167 = tpu.memref_squeeze %dma_start3A_166 : memref<1x!tpu.dma_semaphore, #tpu.memory_space<semaphore_mem>> -> memref<!tpu.dma_semaphore, #tpu.memory_space<semaphore_mem>>
      %dma_start3A_168 = arith.constant 0 : i32
      %dma_start3A_169 = arith.constant 256 : i32
      %dma_start3A_170 = tpu.memref_slice %arg5[%select_n3A_116, %dma_start3A_168, %dma_start3A_169] : memref<2x100x1024xf32, #tpu.memory_space<vmem>> -> memref<1x100x128xf32, #tpu.memory_space<vmem>>
      %dma_start3A_171 = tpu.memref_squeeze %dma_start3A_170 : memref<1x100x128xf32, #tpu.memory_space<vmem>> -> memref<100x128xf32, #tpu.memory_space<vmem>>
      %dma_start3A_172 = arith.constant 0 : i32
      %dma_start3A_173 = tpu.memref_slice %arg3[%dma_start3A_172, %multiple_of3A_165] : memref<100x1000000xf32, #tpu.memory_space<any>> -> memref<100x128xf32, #tpu.memory_space<any>>
      tpu.enqueue_dma source(%dma_start3A_173 : memref<100x128xf32, #tpu.memory_space<any>>) target(%dma_start3A_171 : memref<100x128xf32, #tpu.memory_space<vmem>>) target_semaphore(%dma_start3A_167 : memref<!tpu.dma_semaphore, #tpu.memory_space<semaphore_mem>>)
      %mul3A_174 = arith.constant 8 : i32
      %mul3A_175 = arith.muli %add3A_98, %mul3A_174 : i32
      %add3A_176 = arith.constant 3584 : i32
      %add3A_177 = arith.addi %add3A_176, %mul3A_175 : i32
      %add3A_178 = arith.constant 3 : i32
      %add3A_179 = arith.addi %add3A_177, %add3A_178 : i32
      %get3A_180 = arith.index_cast %add3A_179 : i32 to index
      %get3A_181 = memref.load %arg1[%get3A_180] : memref<4096xi32, #tpu.memory_space<smem>>
      %and3A_182 = arith.constant 127 : i32
      %and3A_183 = arith.andi %get3A_181, %and3A_182 : i32
      %sub3A_184 = arith.subi %get3A_181, %and3A_183 : i32
      %multiple_of3A_185 = tpu.assume_multiple %sub3A_184, 128 : i32
      %dma_start3A_186 = tpu.memref_slice %arg6[%select_n3A_116] : memref<2x!tpu.dma_semaphore, #tpu.memory_space<semaphore_mem>> -> memref<1x!tpu.dma_semaphore, #tpu.memory_space<semaphore_mem>>
      %dma_start3A_187 = tpu.memref_squeeze %dma_start3A_186 : memref<1x!tpu.dma_semaphore, #tpu.memory_space<semaphore_mem>> -> memref<!tpu.dma_semaphore, #tpu.memory_space<semaphore_mem>>
      %dma_start3A_188 = arith.constant 0 : i32
      %dma_start3A_189 = arith.constant 384 : i32
      %dma_start3A_190 = tpu.memref_slice %arg5[%select_n3A_116, %dma_start3A_188, %dma_start3A_189] : memref<2x100x1024xf32, #tpu.memory_space<vmem>> -> memref<1x100x128xf32, #tpu.memory_space<vmem>>
      %dma_start3A_191 = tpu.memref_squeeze %dma_start3A_190 : memref<1x100x128xf32, #tpu.memory_space<vmem>> -> memref<100x128xf32, #tpu.memory_space<vmem>>
      %dma_start3A_192 = arith.constant 0 : i32
      %dma_start3A_193 = tpu.memref_slice %arg3[%dma_start3A_192, %multiple_of3A_185] : memref<100x1000000xf32, #tpu.memory_space<any>> -> memref<100x128xf32, #tpu.memory_space<any>>
      tpu.enqueue_dma source(%dma_start3A_193 : memref<100x128xf32, #tpu.memory_space<any>>) target(%dma_start3A_191 : memref<100x128xf32, #tpu.memory_space<vmem>>) target_semaphore(%dma_start3A_187 : memref<!tpu.dma_semaphore, #tpu.memory_space<semaphore_mem>>)
      %mul3A_194 = arith.constant 8 : i32
      %mul3A_195 = arith.muli %add3A_98, %mul3A_194 : i32
      %add3A_196 = arith.constant 3584 : i32
      %add3A_197 = arith.addi %add3A_196, %mul3A_195 : i32
      %add3A_198 = arith.constant 4 : i32
      %add3A_199 = arith.addi %add3A_197, %add3A_198 : i32
      %get3A_200 = arith.index_cast %add3A_199 : i32 to index
      %get3A_201 = memref.load %arg1[%get3A_200] : memref<4096xi32, #tpu.memory_space<smem>>
      %and3A_202 = arith.constant 127 : i32
      %and3A_203 = arith.andi %get3A_201, %and3A_202 : i32
      %sub3A_204 = arith.subi %get3A_201, %and3A_203 : i32
      %multiple_of3A_205 = tpu.assume_multiple %sub3A_204, 128 : i32
      %dma_start3A_206 = tpu.memref_slice %arg6[%select_n3A_116] : memref<2x!tpu.dma_semaphore, #tpu.memory_space<semaphore_mem>> -> memref<1x!tpu.dma_semaphore, #tpu.memory_space<semaphore_mem>>
      %dma_start3A_207 = tpu.memref_squeeze %dma_start3A_206 : memref<1x!tpu.dma_semaphore, #tpu.memory_space<semaphore_mem>> -> memref<!tpu.dma_semaphore, #tpu.memory_space<semaphore_mem>>
      %dma_start3A_208 = arith.constant 0 : i32
      %dma_start3A_209 = arith.constant 512 : i32
      %dma_start3A_210 = tpu.memref_slice %arg5[%select_n3A_116, %dma_start3A_208, %dma_start3A_209] : memref<2x100x1024xf32, #tpu.memory_space<vmem>> -> memref<1x100x128xf32, #tpu.memory_space<vmem>>
      %dma_start3A_211 = tpu.memref_squeeze %dma_start3A_210 : memref<1x100x128xf32, #tpu.memory_space<vmem>> -> memref<100x128xf32, #tpu.memory_space<vmem>>
      %dma_start3A_212 = arith.constant 0 : i32
      %dma_start3A_213 = tpu.memref_slice %arg3[%dma_start3A_212, %multiple_of3A_205] : memref<100x1000000xf32, #tpu.memory_space<any>> -> memref<100x128xf32, #tpu.memory_space<any>>
      tpu.enqueue_dma source(%dma_start3A_213 : memref<100x128xf32, #tpu.memory_space<any>>) target(%dma_start3A_211 : memref<100x128xf32, #tpu.memory_space<vmem>>) target_semaphore(%dma_start3A_207 : memref<!tpu.dma_semaphore, #tpu.memory_space<semaphore_mem>>)
      %mul3A_214 = arith.constant 8 : i32
      %mul3A_215 = arith.muli %add3A_98, %mul3A_214 : i32
      %add3A_216 = arith.constant 3584 : i32
      %add3A_217 = arith.addi %add3A_216, %mul3A_215 : i32
      %add3A_218 = arith.constant 5 : i32
      %add3A_219 = arith.addi %add3A_217, %add3A_218 : i32
      %get3A_220 = arith.index_cast %add3A_219 : i32 to index
      %get3A_221 = memref.load %arg1[%get3A_220] : memref<4096xi32, #tpu.memory_space<smem>>
      %and3A_222 = arith.constant 127 : i32
      %and3A_223 = arith.andi %get3A_221, %and3A_222 : i32
      %sub3A_224 = arith.subi %get3A_221, %and3A_223 : i32
      %multiple_of3A_225 = tpu.assume_multiple %sub3A_224, 128 : i32
      %dma_start3A_226 = tpu.memref_slice %arg6[%select_n3A_116] : memref<2x!tpu.dma_semaphore, #tpu.memory_space<semaphore_mem>> -> memref<1x!tpu.dma_semaphore, #tpu.memory_space<semaphore_mem>>
      %dma_start3A_227 = tpu.memref_squeeze %dma_start3A_226 : memref<1x!tpu.dma_semaphore, #tpu.memory_space<semaphore_mem>> -> memref<!tpu.dma_semaphore, #tpu.memory_space<semaphore_mem>>
      %dma_start3A_228 = arith.constant 0 : i32
      %dma_start3A_229 = arith.constant 640 : i32
      %dma_start3A_230 = tpu.memref_slice %arg5[%select_n3A_116, %dma_start3A_228, %dma_start3A_229] : memref<2x100x1024xf32, #tpu.memory_space<vmem>> -> memref<1x100x128xf32, #tpu.memory_space<vmem>>
      %dma_start3A_231 = tpu.memref_squeeze %dma_start3A_230 : memref<1x100x128xf32, #tpu.memory_space<vmem>> -> memref<100x128xf32, #tpu.memory_space<vmem>>
      %dma_start3A_232 = arith.constant 0 : i32
      %dma_start3A_233 = tpu.memref_slice %arg3[%dma_start3A_232, %multiple_of3A_225] : memref<100x1000000xf32, #tpu.memory_space<any>> -> memref<100x128xf32, #tpu.memory_space<any>>
      tpu.enqueue_dma source(%dma_start3A_233 : memref<100x128xf32, #tpu.memory_space<any>>) target(%dma_start3A_231 : memref<100x128xf32, #tpu.memory_space<vmem>>) target_semaphore(%dma_start3A_227 : memref<!tpu.dma_semaphore, #tpu.memory_space<semaphore_mem>>)
      %mul3A_234 = arith.constant 8 : i32
      %mul3A_235 = arith.muli %add3A_98, %mul3A_234 : i32
      %add3A_236 = arith.constant 3584 : i32
      %add3A_237 = arith.addi %add3A_236, %mul3A_235 : i32
      %add3A_238 = arith.constant 6 : i32
      %add3A_239 = arith.addi %add3A_237, %add3A_238 : i32
      %get3A_240 = arith.index_cast %add3A_239 : i32 to index
      %get3A_241 = memref.load %arg1[%get3A_240] : memref<4096xi32, #tpu.memory_space<smem>>
      %and3A_242 = arith.constant 127 : i32
      %and3A_243 = arith.andi %get3A_241, %and3A_242 : i32
      %sub3A_244 = arith.subi %get3A_241, %and3A_243 : i32
      %multiple_of3A_245 = tpu.assume_multiple %sub3A_244, 128 : i32
      %dma_start3A_246 = tpu.memref_slice %arg6[%select_n3A_116] : memref<2x!tpu.dma_semaphore, #tpu.memory_space<semaphore_mem>> -> memref<1x!tpu.dma_semaphore, #tpu.memory_space<semaphore_mem>>
      %dma_start3A_247 = tpu.memref_squeeze %dma_start3A_246 : memref<1x!tpu.dma_semaphore, #tpu.memory_space<semaphore_mem>> -> memref<!tpu.dma_semaphore, #tpu.memory_space<semaphore_mem>>
      %dma_start3A_248 = arith.constant 0 : i32
      %dma_start3A_249 = arith.constant 768 : i32
      %dma_start3A_250 = tpu.memref_slice %arg5[%select_n3A_116, %dma_start3A_248, %dma_start3A_249] : memref<2x100x1024xf32, #tpu.memory_space<vmem>> -> memref<1x100x128xf32, #tpu.memory_space<vmem>>
      %dma_start3A_251 = tpu.memref_squeeze %dma_start3A_250 : memref<1x100x128xf32, #tpu.memory_space<vmem>> -> memref<100x128xf32, #tpu.memory_space<vmem>>
      %dma_start3A_252 = arith.constant 0 : i32
      %dma_start3A_253 = tpu.memref_slice %arg3[%dma_start3A_252, %multiple_of3A_245] : memref<100x1000000xf32, #tpu.memory_space<any>> -> memref<100x128xf32, #tpu.memory_space<any>>
      tpu.enqueue_dma source(%dma_start3A_253 : memref<100x128xf32, #tpu.memory_space<any>>) target(%dma_start3A_251 : memref<100x128xf32, #tpu.memory_space<vmem>>) target_semaphore(%dma_start3A_247 : memref<!tpu.dma_semaphore, #tpu.memory_space<semaphore_mem>>)
      %mul3A_254 = arith.constant 8 : i32
      %mul3A_255 = arith.muli %add3A_98, %mul3A_254 : i32
      %add3A_256 = arith.constant 3584 : i32
      %add3A_257 = arith.addi %add3A_256, %mul3A_255 : i32
      %add3A_258 = arith.constant 7 : i32
      %add3A_259 = arith.addi %add3A_257, %add3A_258 : i32
      %get3A_260 = arith.index_cast %add3A_259 : i32 to index
      %get3A_261 = memref.load %arg1[%get3A_260] : memref<4096xi32, #tpu.memory_space<smem>>
      %and3A_262 = arith.constant 127 : i32
      %and3A_263 = arith.andi %get3A_261, %and3A_262 : i32
      %sub3A_264 = arith.subi %get3A_261, %and3A_263 : i32
      %multiple_of3A_265 = tpu.assume_multiple %sub3A_264, 128 : i32
      %dma_start3A_266 = tpu.memref_slice %arg6[%select_n3A_116] : memref<2x!tpu.dma_semaphore, #tpu.memory_space<semaphore_mem>> -> memref<1x!tpu.dma_semaphore, #tpu.memory_space<semaphore_mem>>
      %dma_start3A_267 = tpu.memref_squeeze %dma_start3A_266 : memref<1x!tpu.dma_semaphore, #tpu.memory_space<semaphore_mem>> -> memref<!tpu.dma_semaphore, #tpu.memory_space<semaphore_mem>>
      %dma_start3A_268 = arith.constant 0 : i32
      %dma_start3A_269 = arith.constant 896 : i32
      %dma_start3A_270 = tpu.memref_slice %arg5[%select_n3A_116, %dma_start3A_268, %dma_start3A_269] : memref<2x100x1024xf32, #tpu.memory_space<vmem>> -> memref<1x100x128xf32, #tpu.memory_space<vmem>>
      %dma_start3A_271 = tpu.memref_squeeze %dma_start3A_270 : memref<1x100x128xf32, #tpu.memory_space<vmem>> -> memref<100x128xf32, #tpu.memory_space<vmem>>
      %dma_start3A_272 = arith.constant 0 : i32
      %dma_start3A_273 = tpu.memref_slice %arg3[%dma_start3A_272, %multiple_of3A_265] : memref<100x1000000xf32, #tpu.memory_space<any>> -> memref<100x128xf32, #tpu.memory_space<any>>
      tpu.enqueue_dma source(%dma_start3A_273 : memref<100x128xf32, #tpu.memory_space<any>>) target(%dma_start3A_271 : memref<100x128xf32, #tpu.memory_space<vmem>>) target_semaphore(%dma_start3A_267 : memref<!tpu.dma_semaphore, #tpu.memory_space<semaphore_mem>>)
    } else {
    }
    %jit3A = arith.constant 2 : i32
    %eq3A_7 = arith.constant 0 : i32
    %eq3A_8 = arith.cmpi eq, %jit3A, %eq3A_7 : i32
    %jit3A_9 = arith.constant 1 : i32
    %select_n3A = arith.select %eq3A_8, %jit3A_9, %jit3A : i32
    %rem3A = arith.remsi %arg0, %select_n3A : i32
    %ne3A = arith.constant 0 : i32
    %ne3A_10 = arith.cmpi ne, %rem3A, %ne3A : i32
    %lt3A_11 = arith.constant 0 : i32
    %lt3A_12 = arith.cmpi slt, %rem3A, %lt3A_11 : i32
    %lt3A_13 = arith.constant 0 : i32
    %lt3A_14 = arith.cmpi slt, %select_n3A, %lt3A_13 : i32
    %ne3A_15 = arith.xori %lt3A_12, %lt3A_14 : i1
    %and3A = arith.andi %ne3A_15, %ne3A_10 : i1
    %add3A_16 = arith.addi %rem3A, %select_n3A : i32
    %select_n3A_17 = arith.select %and3A, %add3A_16, %rem3A : i32
    %dma_wait3A = tpu.memref_slice %arg6[%select_n3A_17] : memref<2x!tpu.dma_semaphore, #tpu.memory_space<semaphore_mem>> -> memref<1x!tpu.dma_semaphore, #tpu.memory_space<semaphore_mem>>
    %dma_wait3A_18 = tpu.memref_squeeze %dma_wait3A : memref<1x!tpu.dma_semaphore, #tpu.memory_space<semaphore_mem>> -> memref<!tpu.dma_semaphore, #tpu.memory_space<semaphore_mem>>
    %dma_wait3A_19 = arith.constant 0 : i32
    %dma_wait3A_20 = arith.constant 0 : i32
    %dma_wait3A_21 = tpu.memref_slice %arg5[%select_n3A_17, %dma_wait3A_19, %dma_wait3A_20] : memref<2x100x1024xf32, #tpu.memory_space<vmem>> -> memref<1x100x1024xf32, #tpu.memory_space<vmem>>
    %dma_wait3A_22 = tpu.memref_squeeze %dma_wait3A_21 : memref<1x100x1024xf32, #tpu.memory_space<vmem>> -> memref<100x1024xf32, #tpu.memory_space<vmem>>
    %dma_wait3A_23 = arith.constant 0 : i32
    %dma_wait3A_24 = arith.constant 0 : i32
    %dma_wait3A_25 = tpu.memref_slice %arg3[%dma_wait3A_23, %dma_wait3A_24] : memref<100x1000000xf32, #tpu.memory_space<any>> -> memref<100x1024xf32, #tpu.memory_space<any>>
    tpu.wait_dma2 semaphore(%dma_wait3A_18 : memref<!tpu.dma_semaphore, #tpu.memory_space<semaphore_mem>>) src(%dma_wait3A_25 : memref<100x1024xf32, #tpu.memory_space<any>>) dst(%dma_wait3A_22 : memref<100x1024xf32, #tpu.memory_space<vmem>>)
    %get3A = arith.index_cast %select_n3A_17 : i32 to index
    %get3A_26 = arith.constant 0 : index
    %get3A_27 = arith.constant 0 : index
    %get3A_28 = vector.load %arg5[%get3A, %get3A_26, %get3A_27] : memref<2x100x1024xf32, #tpu.memory_space<vmem>>, vector<1x100x1024xf32>
    %get3A_29 = vector.shape_cast %get3A_28 : vector<1x100x1024xf32> to vector<100x1024xf32>
    %is_finite3A = tpu.weird %get3A_29 : vector<100x1024xf32> -> vector<100x1024xi1>
    %is_finite3A_30 = arith.constant dense<true> : vector<100x1024xi1>
    %is_finite3A_31 = arith.xori %is_finite3A, %is_finite3A_30 : vector<100x1024xi1>
    %jit3A_32 = arith.constant 0.000000e+00 : f32
    %broadcast_in_dim3A = vector.broadcast %jit3A_32 : f32 to vector<100x1024xf32>
    %select_n3A_33 = arith.select %is_finite3A_31, %get3A_29, %broadcast_in_dim3A : vector<100x1024xi1>, vector<100x1024xf32>
    %get3A_34 = arith.constant 0 : index
    %get3A_35 = arith.constant 0 : index
    %get3A_36 = arith.constant 0 : index
    %get3A_37 = vector.load %arg2[%get3A_34, %get3A_35, %get3A_36] : memref<1x1x8xi32, #tpu.memory_space<vmem>>, vector<1x1x8xi32>
    %get3A_38 = vector.shape_cast %get3A_37 : vector<1x1x8xi32> to vector<8xi32>
    %and3A_39 = arith.constant 127 : i32
    %and3A_40 = vector.broadcast %and3A_39 : i32 to vector<8xi32>
    %and3A_41 = arith.andi %get3A_38, %and3A_40 : vector<8xi32>
    %reshape3A = vector.shape_cast %and3A_41 : vector<8xi32> to vector<8x1xi32>
    %iota3A = tpu.iota {dimensions = array<i32: 1>} : vector<8x1024xi32>
    %iota3A_42 = tpu.iota {dimensions = array<i32: 0>} : vector<8x1024xi32>
    %shift_right_logical3A = arith.constant 7 : i32
    %shift_right_logical3A_43 = vector.broadcast %shift_right_logical3A : i32 to vector<8x1024xi32>
    %shift_right_logical3A_44 = arith.shrui %iota3A, %shift_right_logical3A_43 : vector<8x1024xi32>
    %eq3A_45 = arith.cmpi eq, %shift_right_logical3A_44, %iota3A_42 : vector<8x1024xi32>
    %and3A_46 = arith.constant 127 : i32
    %and3A_47 = vector.broadcast %and3A_46 : i32 to vector<8x1024xi32>
    %and3A_48 = arith.andi %iota3A, %and3A_47 : vector<8x1024xi32>
    %eq3A_49 = vector.broadcast %reshape3A : vector<8x1xi32> to vector<8x1024xi32>
    %eq3A_50 = arith.cmpi eq, %and3A_48, %eq3A_49 : vector<8x1024xi32>
    %and3A_51 = arith.andi %eq3A_45, %eq3A_50 : vector<8x1024xi1>
    %jit3A_52 = arith.constant 1.000000e+00 : f32
    %jit3A_53 = arith.constant 0.000000e+00 : f32
    %broadcast_in_dim3A_54 = vector.broadcast %jit3A_52 : f32 to vector<8x1024xf32>
    %broadcast_in_dim3A_55 = vector.broadcast %jit3A_53 : f32 to vector<8x1024xf32>
    %select_n3A_56 = arith.select %and3A_51, %broadcast_in_dim3A_54, %broadcast_in_dim3A_55 : vector<8x1024xi1>, vector<8x1024xf32>
    %dot_general3A = arith.constant dense<0.000000e+00> : vector<100x8xf32>
    %dot_general3A_57 = tpu.matmul %select_n3A_33, %select_n3A_56, %dot_general3A {dimension_numbers = #tpu.dot_dimension_numbers<[1], [1], [0], [0], [0, 0, 1, 0], [], []>, transpose_lhs_hint = false} : vector<100x1024xf32>, vector<8x1024xf32>, vector<100x8xf32> -> vector<100x8xf32>
    %jit3A_58 = arith.constant 16 : i32
    %eq3A_59 = arith.constant 0 : i32
    %eq3A_60 = arith.cmpi eq, %jit3A_58, %eq3A_59 : i32
    %jit3A_61 = arith.constant 1 : i32
    %select_n3A_62 = arith.select %eq3A_60, %jit3A_61, %jit3A_58 : i32
    %rem3A_63 = arith.remsi %arg0, %select_n3A_62 : i32
    %ne3A_64 = arith.constant 0 : i32
    %ne3A_65 = arith.cmpi ne, %rem3A_63, %ne3A_64 : i32
    %lt3A_66 = arith.constant 0 : i32
    %lt3A_67 = arith.cmpi slt, %rem3A_63, %lt3A_66 : i32
    %lt3A_68 = arith.constant 0 : i32
    %lt3A_69 = arith.cmpi slt, %select_n3A_62, %lt3A_68 : i32
    %ne3A_70 = arith.xori %lt3A_67, %lt3A_69 : i1
    %and3A_71 = arith.andi %ne3A_70, %ne3A_65 : i1
    %add3A_72 = arith.addi %rem3A_63, %select_n3A_62 : i32
    %select_n3A_73 = arith.select %and3A_71, %add3A_72, %rem3A_63 : i32
    %iota3A_74 = tpu.iota {dimensions = array<i32: 0>} : vector<8x128xi32>
    %iota3A_75 = tpu.iota {dimensions = array<i32: 1>} : vector<8x128xi32>
    %mul3A = arith.constant 8 : i32
    %mul3A_76 = arith.muli %select_n3A_73, %mul3A : i32
    %add3A_77 = vector.broadcast %mul3A_76 : i32 to vector<8x128xi32>
    %add3A_78 = arith.addi %add3A_77, %iota3A_74 : vector<8x128xi32>
    %eq3A_79 = arith.cmpi eq, %iota3A_75, %add3A_78 : vector<8x128xi32>
    %jit3A_80 = arith.constant 1.000000e+00 : f32
    %jit3A_81 = arith.constant 0.000000e+00 : f32
    %broadcast_in_dim3A_82 = vector.broadcast %jit3A_80 : f32 to vector<8x128xf32>
    %broadcast_in_dim3A_83 = vector.broadcast %jit3A_81 : f32 to vector<8x128xf32>
    %select_n3A_84 = arith.select %eq3A_79, %broadcast_in_dim3A_82, %broadcast_in_dim3A_83 : vector<8x128xi1>, vector<8x128xf32>
    %dot_general3A_85 = arith.constant dense<0.000000e+00> : vector<100x128xf32>
    %dot_general3A_86 = tpu.matmul %dot_general3A_57, %select_n3A_84, %dot_general3A_85 {dimension_numbers = #tpu.dot_dimension_numbers<[1], [0], [0], [1], [0, 0, 1, 1], [], []>, transpose_lhs_hint = false} : vector<100x8xf32>, vector<8x128xf32>, vector<100x128xf32> -> vector<100x128xf32>
    %eq3A_87 = arith.constant 0 : i32
    %eq3A_88 = arith.cmpi eq, %select_n3A_73, %eq3A_87 : i32
    %convert_element_type3A_89 = arith.extui %eq3A_88 : i1 to i32
    %cond3A_90 = arith.constant 0 : i32
    %cond3A_91 = arith.cmpi ne, %convert_element_type3A_89, %cond3A_90 : i32
    scf.if %cond3A_91 {
      %swap3A = arith.constant 0 : index
      %swap3A_97 = arith.constant 0 : index
      %swap3A_98 = vector.load %arg4[%swap3A, %swap3A_97] : memref<100x128xf32, #tpu.memory_space<vmem>>, vector<100x128xf32>
      tpu.vector_store %arg4[%swap3A, %swap3A_97], %dot_general3A_86 {strides = array<i32>} : memref<100x128xf32, #tpu.memory_space<vmem>>, vector<100x128xf32>,
    } else {
    }
    %ne3A_92 = arith.constant 0 : i32
    %ne3A_93 = arith.cmpi ne, %select_n3A_73, %ne3A_92 : i32
    %convert_element_type3A_94 = arith.extui %ne3A_93 : i1 to i32
    %cond3A_95 = arith.constant 0 : i32
    %cond3A_96 = arith.cmpi ne, %convert_element_type3A_94, %cond3A_95 : i32
    scf.if %cond3A_96 {
      %get3A_97 = arith.constant 0 : index
      %get3A_98 = arith.constant 0 : index
      %get3A_99 = vector.load %arg4[%get3A_97, %get3A_98] : memref<100x128xf32, #tpu.memory_space<vmem>>, vector<100x128xf32>
      %add3A_100 = arith.addf %get3A_99, %dot_general3A_86 : vector<100x128xf32>
      %swap3A = arith.constant 0 : index
      %swap3A_101 = arith.constant 0 : index
      %swap3A_102 = vector.load %arg4[%swap3A, %swap3A_101] : memref<100x128xf32, #tpu.memory_space<vmem>>, vector<100x128xf32>
      tpu.vector_store %arg4[%swap3A, %swap3A_101], %add3A_100 {strides = array<i32>} : memref<100x128xf32, #tpu.memory_space<vmem>>, vector<100x128xf32>,
    } else {
    }
    return
  }
  func.func @transform_0(%arg0: i32) -> i32 {
    %c0_i32 = arith.constant 0 : i32
    %c0_i32_0 = arith.constant 0 : i32
    return %c0_i32 : i32
  }
  func.func @transform_1(%arg0: i32) -> (i32, i32, i32) {
    %add3A = arith.constant 448 : i32
    %add3A_0 = arith.addi %arg0, %add3A : i32
    %c0_i32 = arith.constant 0 : i32
    %c0_i32_1 = arith.constant 0 : i32
    %c0_i32_2 = arith.constant 0 : i32
    return %add3A_0, %c0_i32, %c0_i32_1 : i32, i32, i32
  }
  func.func @transform_3(%arg0: i32) -> (i32, i32) {
    %jit3A = arith.constant 16 : i32
    %div3A = arith.divsi %arg0, %jit3A : i32
    %sign3A = arith.constant 0 : i32
    %sign3A_0 = arith.cmpi sgt, %arg0, %sign3A : i32
    %sign3A_1 = arith.extui %sign3A_0 : i1 to i32
    %sign3A_2 = arith.constant 0 : i32
    %sign3A_3 = arith.cmpi slt, %arg0, %sign3A_2 : i32
    %sign3A_4 = arith.extui %sign3A_3 : i1 to i32
    %sign3A_5 = arith.subi %sign3A_1, %sign3A_4 : i32
    %sign3A_6 = arith.constant 0 : i32
    %sign3A_7 = arith.cmpi sgt, %jit3A, %sign3A_6 : i32
    %sign3A_8 = arith.extui %sign3A_7 : i1 to i32
    %sign3A_9 = arith.constant 0 : i32
    %sign3A_10 = arith.cmpi slt, %jit3A, %sign3A_9 : i32
    %sign3A_11 = arith.extui %sign3A_10 : i1 to i32
    %sign3A_12 = arith.subi %sign3A_8, %sign3A_11 : i32
    %ne3A = arith.cmpi ne, %sign3A_5, %sign3A_12 : i32
    %rem3A = arith.remsi %arg0, %jit3A : i32
    %ne3A_13 = arith.constant 0 : i32
    %ne3A_14 = arith.cmpi ne, %rem3A, %ne3A_13 : i32
    %and3A = arith.andi %ne3A, %ne3A_14 : i1
    %sub3A = arith.constant 1 : i32
    %sub3A_15 = arith.subi %div3A, %sub3A : i32
    %select_n3A = arith.select %and3A, %sub3A_15, %div3A : i32
    %c0_i32 = arith.constant 0 : i32
    %c0_i32_16 = arith.constant 0 : i32
    return %c0_i32, %select_n3A : i32, i32
  }
}

module attributes {stable_mosaic.version = 14 : i64} {
  func.func @_tc_final_body(%arg0: memref<3584x100xf32, #tpu.memory_space<vmem>>, %arg1: memref<100x512xf32, #tpu.memory_space<vmem>>, %arg2: memref<100x4096xf32, #tpu.memory_space<vmem>>, %arg3: memref<1x1xf32, #tpu.memory_space<smem>>, %arg4: memref<1x1xf32, #tpu.memory_space<smem>>) attributes {dimension_semantics = [], scalar_prefetch = 0 : i64, scratch_operands = 0 : i64, tpu.core_type = #tpu.core_type<tc>} {
    %iota3A = tpu.iota {dimensions = array<i32: 0>} : vector<100x100xi32>
    %iota3A_0 = tpu.iota {dimensions = array<i32: 1>} : vector<100x100xi32>
    %eq3A = arith.cmpi eq, %iota3A, %iota3A_0 : vector<100x100xi32>
    %jit3A = arith.constant 1.000000e+00 : f32
    %jit3A_1 = arith.constant 0.000000e+00 : f32
    %broadcast_in_dim3A = vector.broadcast %jit3A : f32 to vector<100x100xf32>
    %broadcast_in_dim3A_2 = vector.broadcast %jit3A_1 : f32 to vector<100x100xf32>
    %select_n3A = arith.select %eq3A, %broadcast_in_dim3A, %broadcast_in_dim3A_2 : vector<100x100xi1>, vector<100x100xf32>
    %get3A = arith.constant 0 : index
    %get3A_3 = arith.constant 0 : index
    %get3A_4 = vector.load %arg0[%get3A, %get3A_3] : memref<3584x100xf32, #tpu.memory_space<vmem>>, vector<3584x100xf32>
    %dot_general3A = arith.constant dense<0.000000e+00> : vector<100x3584xf32>
    %dot_general3A_5 = tpu.matmul %select_n3A, %get3A_4, %dot_general3A {dimension_numbers = #tpu.dot_dimension_numbers<[1], [1], [0], [0], [0, 0, 1, 0], [], []>, transpose_lhs_hint = false} : vector<100x100xf32>, vector<3584x100xf32>, vector<100x3584xf32> -> vector<100x3584xf32>
    %get3A_6 = arith.constant 0 : index
    %get3A_7 = arith.constant 0 : index
    %get3A_8 = vector.load %arg2[%get3A_6, %get3A_7] : memref<100x4096xf32, #tpu.memory_space<vmem>>, vector<100x4096xf32>
    %slice3A = vector.extract_strided_slice %get3A_8 {offsets = [0, 0], sizes = [100, 3584], strides = [1, 1]} : vector<100x4096xf32> to vector<100x3584xf32>
    %mul3A = arith.mulf %dot_general3A_5, %slice3A : vector<100x3584xf32>
    %reduce_sum3A = arith.constant dense<0.000000e+00> : vector<3584xf32>
    %reduce_sum3A_9 = vector.multi_reduction <add>, %mul3A, %reduce_sum3A [0] : vector<100x3584xf32> to vector<3584xf32>
    %broadcast_in_dim3A_10 = vector.shape_cast %reduce_sum3A_9 : vector<3584xf32> to vector<1x3584xf32>
    %get3A_11 = arith.constant 0 : index
    %get3A_12 = arith.constant 0 : index
    %get3A_13 = vector.load %arg1[%get3A_11, %get3A_12] : memref<100x512xf32, #tpu.memory_space<vmem>>, vector<100x512xf32>
    %slice3A_14 = vector.extract_strided_slice %get3A_8 {offsets = [0, 3584], sizes = [100, 512], strides = [1, 1]} : vector<100x4096xf32> to vector<100x512xf32>
    %mul3A_15 = arith.mulf %get3A_13, %slice3A_14 : vector<100x512xf32>
    %reduce_sum3A_16 = arith.constant dense<0.000000e+00> : vector<512xf32>
    %reduce_sum3A_17 = vector.multi_reduction <add>, %mul3A_15, %reduce_sum3A_16 [0] : vector<100x512xf32> to vector<512xf32>
    %broadcast_in_dim3A_18 = vector.shape_cast %reduce_sum3A_17 : vector<512xf32> to vector<1x512xf32>
    %sub3A = arith.constant 1.000000e+00 : f32
    %sub3A_19 = vector.broadcast %sub3A : f32 to vector<1x3584xf32>
    %sub3A_20 = arith.subf %sub3A_19, %broadcast_in_dim3A_10 : vector<1x3584xf32>
    %log3A = math.log %sub3A_20 : vector<1x3584xf32>
    %reduce_sum3A_21 = vector.shape_cast %log3A : vector<1x3584xf32> to vector<1x1x3584xf32>
    %reduce_sum3A_22 = arith.constant dense<0.000000e+00> : vector<1xf32>
    %reduce_sum3A_23 = vector.multi_reduction <add>, %reduce_sum3A_21, %reduce_sum3A_22 [1, 2] : vector<1x1x3584xf32> to vector<1xf32>
    %reduce_sum3A_24 = vector.shape_cast %reduce_sum3A_23 : vector<1xf32> to vector<1x1x1xf32>
    %reduce_sum3A_25 = vector.extract %reduce_sum3A_24[0, 0, 0] : f32 from vector<1x1x1xf32>
    %sub3A_26 = arith.constant 1.000000e+00 : f32
    %sub3A_27 = vector.broadcast %sub3A_26 : f32 to vector<1x512xf32>
    %sub3A_28 = arith.subf %sub3A_27, %broadcast_in_dim3A_18 : vector<1x512xf32>
    %log3A_29 = math.log %sub3A_28 : vector<1x512xf32>
    %reduce_sum3A_30 = vector.shape_cast %log3A_29 : vector<1x512xf32> to vector<1x1x512xf32>
    %reduce_sum3A_31 = arith.constant dense<0.000000e+00> : vector<1xf32>
    %reduce_sum3A_32 = vector.multi_reduction <add>, %reduce_sum3A_30, %reduce_sum3A_31 [1, 2] : vector<1x1x512xf32> to vector<1xf32>
    %reduce_sum3A_33 = vector.shape_cast %reduce_sum3A_32 : vector<1xf32> to vector<1x1x1xf32>
    %reduce_sum3A_34 = vector.extract %reduce_sum3A_33[0, 0, 0] : f32 from vector<1x1x1xf32>
    %add3A = arith.addf %reduce_sum3A_25, %reduce_sum3A_34 : f32
    %get3A_35 = arith.constant 0 : index
    %get3A_36 = arith.constant 0 : index
    %get3A_37 = memref.load %arg3[%get3A_35, %get3A_36] : memref<1x1xf32, #tpu.memory_space<smem>>
    %mul3A_38 = arith.constant 3.000000e+00 : f32
    %mul3A_39 = arith.mulf %mul3A_38, %add3A : f32
    %add3A_40 = arith.addf %get3A_37, %mul3A_39 : f32
    %div3A = arith.constant 4.096000e+03 : f32
    %div3A_41 = arith.divf %add3A_40, %div3A : f32
    %swap3A = arith.constant 0 : index
    %swap3A_42 = arith.constant 0 : index
    %swap3A_43 = memref.load %arg4[%swap3A, %swap3A_42] : memref<1x1xf32, #tpu.memory_space<smem>>
    memref.store %div3A_41, %arg4[%swap3A, %swap3A_42] : memref<1x1xf32, #tpu.memory_space<smem>>
    return
  }
}

</mosaic_0001>

<sc_bundles>
// kernel: kernel.6.cloned.1.call-start
scs
__scs_entry_jumppad:
0x0: {  	(pc) =	sbr.rel $0x88, $3  }
0x1: {  	(tag) =	ssettag $0x0;
	lr =	simm.s32 $0x1  }
0x2: {  	[smem:$0x3F9D] =	sst lr;
	_ =	strace $0xD0000000  }
0x3: {  	_ = 	snop  }
0x4: {  	_ = 	snop  }
0x5: {  	_ = 	snop  }
0x6: {  	_ = 	snop  }
0x7: {  	_ = 	snop  }
__scs_overlays_trampoline_lowered:
0x8: {  	[smem:$0x3FAC] =	sst s0  }
0x9: {  	[smem:$0x3FAD] =	sst s1  }
0xa: {  	[smem:$0x3FAE] =	sst s2  }
0xb: {  	[smem:$0x3FAF] =	sst s3  }
0xc: {  	[smem:$0x3FB0] =	sst s4  }
0xd: {  	[smem:$0x3FB1] =	sst s5  }
0xe: {  	[smem:$0x3FB2] =	sst s6  }
0xf: {  	[smem:$0x3FB3] =	sst s7  }
0x10: {  	[smem:$0x3FB4] =	sst s8  }
0x11: {  	[smem:$0x3FB5] =	sst s9;
	s0 =	simm.s32 @!p0 $0x0  }
0x12: {  	s1 =	sld [smem:$0x3F9B];
	s0 =	simm.s32 @p0 $0x1  }
0x13: {  	[smem:$0x3FB6] =	sst s0;
	s0 =	simm.s32 @!p1 $0x0  }
0x14: {  	s2 =	sld [smem:$0x3F9A];
	s0 =	simm.s32 @p1 $0x1  }
0x15: {  	[smem:$0x3FB7] =	sst s0;
	s0 =	simm.s32 @!p2 $0x0  }
0x16: {  	s3 =	sld [smem:$0x3FDB];
	s0 =	simm.s32 @p2 $0x1  }
0x17: {  	s4 =	simm.s32 $0x1BF5;
	[smem:$0x3FB9] =	sst s0  }
0x18: {  	s0 =	sld [smem:$0x3F9C];
	_ =	swait.ge [sflag:s4], $0x0  }
0x19: {  	s7 =	sld [smem:$0x3F9D]  }
0x1a: {  	s8 =	sadd.s32 $0xFFFFE003, lr  }
0x1b: {  	s9 =	sadd.s32 $0xFFFFFEF7, lr;
	s5 =	simm.s32 $0xFFFFFFFF;
	p2 =	slt.u32 s8, $0xFFFFF086  }
0x1c: {  	p1 =	slt.u32 s9, $0xF7A;
	s5 =	simm.s32 @!p2 $0x0  }
0x1d: {  	s5 =	simm.s32 @p1 $0x1;
	p0 =	seq.s32 s7, s2  }
0x1e: {  	s7 =	smul.u32 @!p0 $0xF7A, s2;
	p2 =	seq.s32 @!p0 s5, $0x0  }
0x1f: {  	s9 =	smul.u32 $0xF7A, s1;
	s8 =	simm.s32 @!p0 $0x1BF5;
	p2 =	por !p2, p0  }
0x20: {  	[sflag:s8] =	ssyncset.s32 @!p0 $0xFFFFF086;
	s6 =	sadd.s32 @!p0 s3, s7;
	s7 =	simm.s32 @!p0 $0x108  }
0x21: {  	s3 =	sadd.s32 s3, s9;
	s6 =	sadd.s32 @!p0 $0x88, s6;
	s7 =	simm.s32 @p2 $0x1082  }
0x22: {  	[simem:s7], [sflag:s8] =	dma.local @!p0 [hbm:s6], $0xF7A  }
0x23: {  	s9 =	sor.u32 $0xD0000000, s2;
	s6 =	simm.s32 $0x108;
	_ =	swait.ge @!p0 [sflag:s8], $0x0  }
0x24: {  	s3 =	sadd.s32 $0x88, s3;
	s6 =	simm.s32 @!p1 $0x1082;
	[sflag:s4] =	ssyncset.s32 $0xFFFFF086  }
0x25: {  	[simem:s6], [sflag:s4] =	dma.local [hbm:s3], $0xF7A  }
0x26: {  	[smem:$0x3F9D] =	sst s1;
	(tag) =	ssettag s2;
	_ =	strace s9  }
0x27: {  	s1 =	sld [smem:$0x3FAD]  }
0x28: {  	s2 =	sld [smem:$0x3FAE]  }
0x29: {  	s4 =	sld [smem:$0x3FB0]  }
0x2a: {  	p0 =	seq.s32 s5, $0x0;
	s5 =	sld [smem:$0x3FB1]  }
0x2b: {  	s6 =	sld [smem:$0x3FB2]  }
0x2c: {  	s7 =	sld [smem:$0x3FB3]  }
0x2d: {  	s3 =	simm.s32 $0x108;
	s8 =	sld [smem:$0x3FB4]  }
0x2e: {  	s3 =	simm.s32 @!p0 $0x1082;
	s9 =	sld [smem:$0x3FB5]  }
0x2f: {  	lr =	sadd.s32 s0, s3;
	s0 =	sld [smem:$0x3FAC]  }
0x30: {  	s3 =	sld [smem:$0x3FAF]  }
0x31: {  	[smem:$0x3FB8] =	sst s10  }
0x32: {  	s10 =	sld [smem:$0x3FB6];
	_ =	sdelay $0x3  }
0x33: {  	p0 =	seq.s32 s10, $0x1;
	s10 =	sld [smem:$0x3FB8];
	_ =	sdelay $0x3  }
0x34: {  	[smem:$0x3FB8] =	sst s10  }
0x35: {  	s10 =	sld [smem:$0x3FB7];
	_ =	sdelay $0x3  }
0x36: {  	p1 =	seq.s32 s10, $0x1;
	s10 =	sld [smem:$0x3FB8];
	_ =	sdelay $0x3  }
0x37: {  	[smem:$0x3FB8] =	sst s10  }
0x38: {  	s10 =	sld [smem:$0x3FB9]  }
0x39: {  	_ = 	snop;
	(pc) =	sbr.ind lr, $3  }
0x3a: {  	_ = 	snop  }
0x3b: {  	_ = 	snop  }
0x3c: {  	p2 =	seq.s32 s10, $0x1;
	s10 =	sld [smem:$0x3FB8]  }
0x3d: {  	_ =	shalt  }
0x3e: {  	_ =	shalt  }
0x3f: {  	_ =	shalt  }
0x40: {  	_ =	shalt  }
0x41: {  	_ =	shalt  }
0x42: {  	_ =	shalt  }
0x43: {  	_ =	shalt  }
0x44: {  	_ =	shalt  }
0x45: {  	_ =	shalt  }
0x46: {  	_ =	shalt  }
0x47: {  	_ =	shalt  }
0x48: {  	_ =	shalt  }
0x49: {  	_ =	shalt  }
0x4a: {  	_ =	shalt  }
0x4b: {  	_ =	shalt  }
0x4c: {  	_ =	shalt  }
0x4d: {  	_ =	shalt  }
0x4e: {  	_ =	shalt  }
0x4f: {  	_ =	shalt  }
0x50: {  	_ =	shalt  }
0x51: {  	_ =	shalt  }
0x52: {  	_ =	shalt  }
0x53: {  	_ =	shalt  }
0x54: {  	_ =	shalt  }
0x55: {  	_ =	shalt  }
0x56: {  	_ =	shalt  }
0x57: {  	_ =	shalt  }
0x58: {  	_ =	shalt  }
0x59: {  	_ =	shalt  }
0x5a: {  	_ =	shalt  }
0x5b: {  	_ =	shalt  }
0x5c: {  	_ =	shalt  }
0x5d: {  	_ =	shalt  }
0x5e: {  	_ =	shalt  }
0x5f: {  	_ =	shalt  }
0x60: {  	_ =	shalt  }
0x61: {  	_ =	shalt  }
0x62: {  	_ =	shalt  }
0x63: {  	_ =	shalt  }
0x64: {  	_ =	shalt  }
0x65: {  	_ =	shalt  }
0x66: {  	_ =	shalt  }
0x67: {  	_ =	shalt  }
0x68: {  	_ =	shalt  }
0x69: {  	_ =	shalt  }
0x6a: {  	_ =	shalt  }
0x6b: {  	_ =	shalt  }
0x6c: {  	_ =	shalt  }
0x6d: {  	_ =	shalt  }
0x6e: {  	_ =	shalt  }
0x6f: {  	_ =	shalt  }
0x70: {  	_ =	shalt  }
0x71: {  	_ =	shalt  }
0x72: {  	_ =	shalt  }
0x73: {  	_ =	shalt  }
0x74: {  	_ =	shalt  }
0x75: {  	_ =	shalt  }
0x76: {  	_ =	shalt  }
0x77: {  	_ =	shalt  }
0x78: {  	_ =	shalt  }
0x79: {  	_ =	shalt  }
0x7a: {  	_ =	shalt  }
0x7b: {  	_ =	shalt  }
0x7c: {  	_ =	shalt  }
0x7d: {  	_ =	shalt  }
0x7e: {  	_ =	shalt  }
0x7f: {  	_ =	shalt  }
0x80: {  	_ =	shalt  }
0x81: {  	_ =	shalt  }
0x82: {  	_ =	shalt  }
0x83: {  	_ =	shalt  }
0x84: {  	_ =	shalt  }
0x85: {  	_ =	shalt  }
0x86: {  	_ =	shalt  }
0x87: {  	_ =	shalt  }
.Lfunc_end0:
.L_simem_size_0:
called_computation_lowered:
.L_overlay_start_0:
0x88: {  	s2 =	sld [smem:$0x3FD9]  }
0x89: {  	s3 =	sld [smem:$0x3FFE];
	_ =	sdelay $0x1  }
0x8a: {  	s1 =	srdreg.scid  }
0x8b: {  	s0 =	sand.u32 $0x1, s1  }
0x8c: {  	s17 =	sshll.u32 s0, $0xA;
	s2 =	sadd.s32 s3, s2  }
0x8d: {  	s2 =	sadd.s32 s2, s17  }
0x8e: {  	[smem:$0x3FC4] =	sst s2  }
0x8f: {  	_ = 	snop  }
0x90: {  	s2 =	sld [smem:$0x3FC9]  }
0x91: {  	s18 =	sld [smem:$0x3FC6];
	(tm) =	ssettm $0x1  }
0x92: {  	s4 =	sld [smem:$0x3FFB];
	_ =	sdelay $0x3  }
0x93: {  	_ =	strace s4  }
0x94: {  	s4 =	sld [smem:$0x3FFC];
	_ =	sdelay $0x3  }
0x95: {  	_ =	strace s4  }
0x96: {  	s4 =	sld [smem:$0x3FFD];
	_ =	sdelay $0x3  }
0x97: {  	_ =	strace s4  }
0x98: {  	_ =	strace $0x8FFFFFFF  }
0x99: {  	s19 =	sld [smem:$0x3FDB];
	_ =	sdelay $0x1  }
0x9a: {  	s5 =	simm.s32 $_scs_section_size  }
0x9b: {  	s6 =	simm.s32 $_size__tile_overlayer_lowered;
	s7 =	simm.s32 $_tile_overlayer_lowered  }
0x9c: {  	s22 =	simm.s32 $0x1BFF;
	s21 =	sshll.u32 s7, $0x1;
	s4 =	sadd.s32 s5, s19  }
0x9d: {  	s8 =	simm.s32 $0x0;
	s20 =	sshll.u32 s6, $0x1;
	s6 =	sadd.s32 s21, s4  }
0x9e: {  	[timem:s8], [sflag:s22] =	dma.local [hbm:s6], s20  }
0x9f: {  	_ =	swait.ge [sflag:s22], s20  }
0xa0: {  	s5 =	ssub.s32 $0x0, s20;
	[sflag:s22] =	ssyncset.done $0x0  }
0xa1: {  	[sflag:s22] =	ssyncadd.s32 s5;
	_ =	sdelay $0x1  }
0xa2: {  	s23 =	simm.s32 $0x1B8B  }
0xa3: {  	_ =	swait.ge [sflag:s23], $0x1  }
0xa4: {  	[sflag:s23] =	ssyncset.done $0x0  }
0xa5: {  	s25 =	simm.s32 $0x1B8E;
	s24 =	sld [smem:$0x3FFE];
	[sflag:s23] =	ssyncadd.s32 $0xFFFFFFFF  }
0xa6: {  	s26 =	simm.s32 $execute0_lowered;
	[smem:$0x3FD2] =	sst s25  }
0xa7: {  	s6 =	sshll.u32 s26, $0x1;
	_ =	strace $0x80000046;
	[dreg:$0x1] =	wrdreg $0xFFFFFFFF  }
0xa8: {  	s28 =	simm.s32 $_size_execute0_lowered;
	s4 =	sadd.s32 s4, s6;
	[dreg:$0x0] =	wrdreg $0x0  }
0xa9: {  	s6 =	sshll.u32 s28, $0x1;
	[dreg:$0x2] =	wrdreg s4  }
0xaa: {  	[dreg:$0x3] =	wrdreg s6  }
0xab: {  	[dreg:$0x4] =	wrdreg $0xC0  }
0xac: {  	_ =	task [dreg:s8], $0x5FFFF  }
0xad: {  	[dreg:$0x1] =	wrdreg $0xFFFFFFFF  }
0xae: {  	[dreg:$0x0] =	wrdreg $0x60  }
0xaf: {  	[dreg:$0x2] =	wrdreg s18  }
0xb0: {  	[dreg:$0x3] =	wrdreg s2  }
0xb1: {  	[dreg:$0x4] =	wrdreg s24  }
0xb2: {  	[dreg:$0x5] =	wrdreg $0x9  }
0xb3: {  	_ =	task.clear_ibuf [dreg:s8], $0x6FFFF;
	_ =	strace $0x90000046  }
0xb4: {  	s29 =	simm.s32 $0x9;
	_ =	strace $0x80000048  }
0xb5: {  	_ =	swait.ge [sflag:s29], $0x1  }
0xb6: {  	[sflag:s29] =	ssyncadd.s32 $0xFFFFFFFF  }
0xb7: {  	_ =	strace $0x90000048  }
0xb8: {  	_ =	sfence  }
0xb9: {  	s30 =	sld [smem:$0x0];
	_ =	sdelay $0x2  }
0xba: {  	s31 =	sshll.u32 s1, $0xD;
	s1 =	sshrl.u32 s1, $0x2  }
0xbb: {  	s3 =	sand.u32 $0x4000, s31;
	s1 =	sadd.s32 s1, s30  }
0xbc: {  	s0 =	sor.u32 s3, s0;
	s1 =	sshll.u32 s1, $0x11  }
0xbd: {  	s0 =	sor.u32 s1, s0  }
0xbe: {  	s0 =	sadd.s32 $0x8F2B, s0  }
0xbf: {  	[sflag:s0] =	ssyncadd.remote.s32 $0x1  }
0xc0: {  	_ =	sfence.sel $0xFFFF  }
0xc1: {  	[dreg:$0x0] =	wrdreg $0xFFFFFFFF;
	(pc) =	sbr.abs _section_cstart, $3  }
0xc2: {  	[dreg:$0x1] =	wrdreg $0xFFFFFFFF  }
0xc3: {  	_ =	task.clear_ibuf [dreg:s8], $0x2FFFF;
	_ =	strace $0x9FFFFFFF  }
0xc4: {  	(tm) =	ssettm $0x7FFFFFFF  }
0xc5: {  	_ =	shalt  }
tec
execute0_lowered:
.L_overlay_start_1:
0x0: {  	(tag) =	ssettag $0x1  }
0x1: {  	s1 =	rddreg [dreg:$0x0];
	s0 =	srdreg.scid  }
0x2: {  	s3 =	stileid.u32;
	s2 =	rddreg [dreg:$0x1]  }
0x3: {  	s4 =	rddreg [dreg:$0x2];
	s8 =	simm.s32 $0x400;
	s9 =	simm.s32 $0x7A1400  }
0x4: {  	s10 =	simm.s32 $0x80;
	s12 =	simm.s32 $0x3480;
	s15 =	simm.s32 $0x6480  }
0x5: {  	s14 =	simm.s32 $0x6880;
	s16 =	simm.s32 $0x9C80;
	s18 =	simm.s32 $0xD080  }
0x6: {  	s19 =	simm.s32 $0x10080;
	s20 =	simm.s32 $0x10480;
	s21 =	simm.s32 $0x13480  }
0x7: {  	s22 =	simm.s32 $0x13880;
	s23 =	simm.s32 $0x16880;
	s24 =	simm.s32 $0x16C80  }
0x8: {  	s25 =	simm.s32 $0x19C80;
	s0 =	sand.u32 $0x1, s0;
	s3 =	sshll.u32 s3, $0x1  }
0x9: {  	s26 =	simm.s32 $0x1;
	s28 =	simm.s32 $0x2;
	s5 =	sor.u32 s0, s3  }
0xa: {  	s7 =	simm.s32 $0x0;
	s3 =	simm.s32 $0x0;
	s6 =	smul.u32 $0x700, s5  }
0xb: {  	s0 =	ssub.s32 $0x2, s0;
	[smem:$0x7FF] =	sst s3;
	s5 =	smul.u32 $0xE, s5  }
0xc: {  	v0 =	vlaneseq.u32;
	s17 =	simm.s32 $0x9880;
	s30 =	sshrl.u32 s0, $0x1;
	_ =	strace $0x80000047  }
0xd: {  	v0 =	vmul.u32 $0x80, v0;
	s0 =	ssub.s32 s0, s30;
	s4 =	sadd.s32 s6, s4;
	s2 =	sadd.s32 s2, s5  }
0xe: {  	s0 =	smax.u32 s0, $0x1;
	s5 =	simm.s32 $0x9880;
	[dreg:$0x4] =	wrdreg s2  }
0xf: {  	v1 =	vor.u32 $0x800, v0;
	v2 =	vor.u32 $0x1000, v0;
	v3 =	vor.u32 $0x1800, v0;
	s6 =	simm.s32 $0xCC80;
	s31 =	sadd.s32 $0xE00, s4;
	[dreg:$0x6] =	wrdreg s0  }
0x10: {  	v4 =	vor.u32 $0x2000, v0;
	v5 =	vor.u32 $0x2800, v0;
	v6 =	vadd.s32 $0x2A00, v0;
	s2 =	simm.s32 $0x3;
	s4 =	simm.s32 $0x3080;
	[dreg:$0x5] =	wrdreg s31  }
.LBB2_1:
0x11: {  	[dreg:$0x7] =	wrdreg s7  }
0x12: {  	s0 =	rddreg [dreg:$0x4]  }
0x13: {  	[tilespmem:s3], [sflag:$0x3] =	stream.linear.gather [hbm4b:s0+s3], $0x70, $0x38;
	[tilespmem:$0x1D880] =	vst v63  }
0x14: {  	_ =	swait.ge [sflag:s2], $0x70  }
0x15: {  	[sflag:s2] =	ssyncset.done $0x0  }
0x16: {  	s31 =	simm.s32 $0x1A480;
	[sflag:s2] =	ssyncadd.s32 $0xFFFFFF90;
	s2 =	simm.s32 $0x0  }
.LBB2_2:
0x17: {  	s0 =	sshra.s32 s2, $0x2  }
0x18: {  	v7 =	vld [tilespmem:s0+$0x0];
	_ =	sdelay $0x4  }
0x19: {  	(v2sf) =	vpush v7, $0x0;
	_ =	sdelay $0x2  }
0x1a: {  	(v2sf) =	vpush v7, $0x1;
	_ =	sdelay $0x3  }
0x1b: {  	(v2sf) =	vpush v7, $0x2;
	_ =	sdelay $0x7  }
0x1c: {  	s30 =	spop (v2sf);
	(v2sf) =	vpush v7, $0x3;
	_ =	sdelay $0x1  }
0x1d: {  	s29 =	sand.u32 $0xFFFFF80, s30  }
0x1e: {  	s0 =	sadd.s32 s1, s29;
	s29 =	spop (v2sf);
	(v2sf) =	vpush v7, $0x4  }
0x1f: {  	[tilespmem:s10], [sflag:$0x1] =	stream.strided.gather [hbm4b:s0+s8], $0x3000, s9, s8, $0x38;
	[tilespmem:$0x1D880] =	vst v63  }
0x20: {  	s0 =	sadd.s32 $0xB71E00, s0;
	s7 =	sand.u32 $0xFFFFF80, s29  }
0x21: {  	[tilespmem:s4], [sflag:$0x1] =	stream.linear.gather [hbm4b:s0+s3], $0x200, $0x38;
	[tilespmem:$0x1D880] =	vst v63  }
0x22: {  	s0 =	sadd.s32 s1, s7;
	s7 =	spop (v2sf);
	(v2sf) =	vpush v7, $0x5  }
0x23: {  	[tilespmem:s12], [sflag:$0x1] =	stream.strided.gather [hbm4b:s0+s8], $0x3000, s9, s8, $0x38;
	[tilespmem:$0x1D880] =	vst v63  }
0x24: {  	s11 =	sand.u32 $0xFFFFF80, s7;
	s0 =	sadd.s32 $0xB71E00, s0  }
0x25: {  	[tilespmem:s15], [sflag:$0x1] =	stream.linear.gather [hbm4b:s0+s3], $0x200, $0x38;
	[tilespmem:$0x1D880] =	vst v63  }
0x26: {  	s0 =	sadd.s32 s1, s11  }
0x27: {  	[tilespmem:s14], [sflag:$0x1] =	stream.strided.gather [hbm4b:s0+s8], $0x3000, s9, s8, $0x38;
	[tilespmem:$0x1D880] =	vst v63  }
0x28: {  	s0 =	sadd.s32 $0xB71E00, s0  }
0x29: {  	[tilespmem:s5], [sflag:$0x1] =	stream.linear.gather [hbm4b:s0+s3], $0x200, $0x38;
	[tilespmem:$0x1D880] =	vst v63  }
0x2a: {  	s5 =	spop (v2sf);
	(v2sf) =	vpush v7, $0x6;
	_ =	sdelay $0x1  }
0x2b: {  	s13 =	sand.u32 $0xFFFFF80, s5  }
0x2c: {  	s0 =	sadd.s32 s1, s13;
	s11 =	spop (v2sf)  }
0x2d: {  	[tilespmem:s16], [sflag:$0x1] =	stream.strided.gather [hbm4b:s0+s8], $0x3000, s9, s8, $0x38;
	[tilespmem:$0x1D880] =	vst v63  }
0x2e: {  	s0 =	sadd.s32 $0xB71E00, s0;
	s15 =	sand.u32 $0xFFFFF80, s11  }
0x2f: {  	(v2sf) =	vpush v7, $0x7;
	[tilespmem:s6], [sflag:$0x1] =	stream.linear.gather [hbm4b:s0+s3], $0x200, $0x38;
	[tilespmem:$0x1D880] =	vst v63  }
0x30: {  	s0 =	sadd.s32 s1, s15;
	s6 =	spop (v2sf)  }
0x31: {  	[tilespmem:s18], [sflag:$0x2] =	stream.strided.gather [hbm4b:s0+s8], $0x3000, s9, s8, $0x38;
	[tilespmem:$0x1D880] =	vst v63  }
0x32: {  	s4 =	sand.u32 $0xFFFFF80, s6;
	s0 =	sadd.s32 $0xB71E00, s0  }
0x33: {  	[tilespmem:s19], [sflag:$0x2] =	stream.linear.gather [hbm4b:s0+s3], $0x200, $0x38;
	[tilespmem:$0x1D880] =	vst v63  }
0x34: {  	s0 =	sadd.s32 s1, s4  }
0x35: {  	[tilespmem:s20], [sflag:$0x2] =	stream.strided.gather [hbm4b:s0+s8], $0x3000, s9, s8, $0x38;
	[tilespmem:$0x1D880] =	vst v63  }
0x36: {  	s0 =	sadd.s32 $0xB71E00, s0  }
0x37: {  	[tilespmem:s21], [sflag:$0x2] =	stream.linear.gather [hbm4b:s0+s3], $0x200, $0x38;
	[tilespmem:$0x1D880] =	vst v63  }
0x38: {  	s4 =	spop (v2sf)  }
0x39: {  	s13 =	sand.u32 $0xFFFFF80, s4  }
0x3a: {  	s0 =	sadd.s32 s1, s13  }
0x3b: {  	[tilespmem:s22], [sflag:$0x2] =	stream.strided.gather [hbm4b:s0+s8], $0x3000, s9, s8, $0x38;
	[tilespmem:$0x1D880] =	vst v63  }
0x3c: {  	s0 =	sadd.s32 $0xB71E00, s0  }
0x3d: {  	[tilespmem:s23], [sflag:$0x2] =	stream.linear.gather [hbm4b:s0+s3], $0x200, $0x38;
	[tilespmem:$0x1D880] =	vst v63  }
0x3e: {  	s0 =	spop (v2sf)  }
0x3f: {  	s13 =	sand.u32 $0xFFFFF80, s0  }
0x40: {  	s13 =	sadd.s32 s1, s13  }
0x41: {  	[tilespmem:s24], [sflag:$0x2] =	stream.strided.gather [hbm4b:s13+s8], $0x3000, s9, s8, $0x38;
	[tilespmem:$0x1D880] =	vst v63  }
0x42: {  	s13 =	sadd.s32 $0xB71E00, s13  }
0x43: {  	[tilespmem:s25], [sflag:$0x2] =	stream.linear.gather [hbm4b:s13+s3], $0x200, $0x38;
	[tilespmem:$0x1D880] =	vst v63  }
0x44: {  	_ =	swait.ge [sflag:s26], $0x3200  }
0x45: {  	[sflag:s26] =	ssyncset.done $0x0  }
0x46: {  	[sflag:s26] =	ssyncadd.s32 $0xFFFFCE00  }
0x47: {  	_ =	swait.ge [sflag:s26], $0x3200  }
0x48: {  	[sflag:s26] =	ssyncset.done $0x0  }
0x49: {  	[sflag:s26] =	ssyncadd.s32 $0xFFFFCE00  }
0x4a: {  	s30 =	sand.u32 $0x7F, s30;
	_ =	swait.ge [sflag:s26], $0x3200  }
0x4b: {  	v8 =	vor.u32 s30, v0;
	[sflag:s26] =	ssyncset.done $0x0  }
0x4c: {  	[sflag:s26] =	ssyncadd.s32 $0xFFFFCE00  }
0x4d: {  	_ =	swait.ge [sflag:s26], $0x3200  }
0x4e: {  	[sflag:s26] =	ssyncset.done $0x0  }
0x4f: {  	[sflag:s26] =	ssyncadd.s32 $0xFFFFCE00  }
0x50: {  	v8 =	vld.idx.msk [tilespmem:v8+s10+$0x0], $0xffff  }
0x51: {  	v9 =	vor.u32 s30, v1;
	_ =	sdelay $0x3  }
0x52: {  	[tilespmem:s31+$0xFFFFFC00] =	vst v8  }
0x53: {  	v8 =	vld.idx.msk [tilespmem:v9+s10+$0x0], $0xffff  }
0x54: {  	v63 =	vor.u32 s30, v2;
	_ =	sdelay $0x3  }
0x55: {  	[tilespmem:s31+$0xFFFFFC10] =	vst v8  }
0x56: {  	v8 =	vld.idx.msk [tilespmem:v63+s10+$0x0], $0xffff  }
0x57: {  	v12 =	vor.u32 s30, v3;
	_ =	sdelay $0x3  }
0x58: {  	[tilespmem:s31+$0xFFFFFC20] =	vst v8  }
0x59: {  	v8 =	vld.idx.msk [tilespmem:v12+s10+$0x0], $0xffff  }
0x5a: {  	v13 =	vor.u32 s30, v4;
	_ =	sdelay $0x3  }
0x5b: {  	[tilespmem:s31+$0xFFFFFC30] =	vst v8  }
0x5c: {  	v8 =	vld.idx.msk [tilespmem:v13+s10+$0x0], $0xffff  }
0x5d: {  	v14 =	vor.u32 s30, v5;
	_ =	sdelay $0x3  }
0x5e: {  	[tilespmem:s31+$0xFFFFFC40] =	vst v8  }
0x5f: {  	v8 =	vld.idx.msk [tilespmem:v14+s10+$0x0], $0xffff  }
0x60: {  	v15 =	vor.u32 s30, v6;
	_ =	sdelay $0x3  }
0x61: {  	[tilespmem:s31+$0xFFFFFC50] =	vst v8  }
0x62: {  	s30 =	sand.u32 $0x7F, s29;
	v8 =	vld.idx.msk [tilespmem:v15+s10+$0x0], $0xffff  }
0x63: {  	v16 =	vor.u32 s30, v0;
	_ =	sdelay $0x3  }
0x64: {  	[tilespmem:s31+$0xFFFFFC54] =	vst v8  }
0x65: {  	v8 =	vld.idx.msk [tilespmem:v16+s12+$0x0], $0xffff  }
0x66: {  	v17 =	vor.u32 s30, v1;
	_ =	sdelay $0x3  }
0x67: {  	[tilespmem:s31+$0xFFFFFC80] =	vst v8  }
0x68: {  	v8 =	vld.idx.msk [tilespmem:v17+s12+$0x0], $0xffff  }
0x69: {  	v18 =	vor.u32 s30, v2;
	_ =	sdelay $0x3  }
0x6a: {  	[tilespmem:s31+$0xFFFFFC90] =	vst v8  }
0x6b: {  	v8 =	vld.idx.msk [tilespmem:v18+s12+$0x0], $0xffff  }
0x6c: {  	v19 =	vor.u32 s30, v3;
	_ =	sdelay $0x3  }
0x6d: {  	[tilespmem:s31+$0xFFFFFCA0] =	vst v8  }
0x6e: {  	v8 =	vld.idx.msk [tilespmem:v19+s12+$0x0], $0xffff  }
0x6f: {  	v20 =	vor.u32 s30, v4;
	_ =	sdelay $0x3  }
0x70: {  	[tilespmem:s31+$0xFFFFFCB0] =	vst v8  }
0x71: {  	v8 =	vld.idx.msk [tilespmem:v20+s12+$0x0], $0xffff  }
0x72: {  	v21 =	vor.u32 s30, v5;
	_ =	sdelay $0x3  }
0x73: {  	[tilespmem:s31+$0xFFFFFCC0] =	vst v8  }
0x74: {  	v8 =	vld.idx.msk [tilespmem:v21+s12+$0x0], $0xffff  }
0x75: {  	v22 =	vor.u32 s30, v6;
	_ =	sdelay $0x3  }
0x76: {  	[tilespmem:s31+$0xFFFFFCD0] =	vst v8  }
0x77: {  	s7 =	sand.u32 $0x7F, s7;
	v8 =	vld.idx.msk [tilespmem:v22+s12+$0x0], $0xffff  }
0x78: {  	v23 =	vor.u32 s7, v0;
	_ =	sdelay $0x3  }
0x79: {  	[tilespmem:s31+$0xFFFFFCD4] =	vst v8  }
0x7a: {  	v8 =	vld.idx.msk [tilespmem:v23+s14+$0x0], $0xffff  }
0x7b: {  	v24 =	vor.u32 s7, v1;
	_ =	sdelay $0x3  }
0x7c: {  	[tilespmem:s31+$0xFFFFFD00] =	vst v8  }
0x7d: {  	v8 =	vld.idx.msk [tilespmem:v24+s14+$0x0], $0xffff  }
0x7e: {  	v25 =	vor.u32 s7, v2;
	_ =	sdelay $0x3  }
0x7f: {  	[tilespmem:s31+$0xFFFFFD10] =	vst v8  }
0x80: {  	v8 =	vld.idx.msk [tilespmem:v25+s14+$0x0], $0xffff  }
0x81: {  	v26 =	vor.u32 s7, v3;
	_ =	sdelay $0x3  }
0x82: {  	[tilespmem:s31+$0xFFFFFD20] =	vst v8  }
0x83: {  	v8 =	vld.idx.msk [tilespmem:v26+s14+$0x0], $0xffff  }
0x84: {  	v27 =	vor.u32 s7, v4;
	_ =	sdelay $0x3  }
0x85: {  	[tilespmem:s31+$0xFFFFFD30] =	vst v8  }
0x86: {  	v8 =	vld.idx.msk [tilespmem:v27+s14+$0x0], $0xffff  }
0x87: {  	v28 =	vor.u32 s7, v5;
	_ =	sdelay $0x3  }
0x88: {  	[tilespmem:s31+$0xFFFFFD40] =	vst v8  }
0x89: {  	v8 =	vld.idx.msk [tilespmem:v28+s14+$0x0], $0xffff  }
0x8a: {  	v29 =	vor.u32 s7, v6;
	_ =	sdelay $0x3  }
0x8b: {  	[tilespmem:s31+$0xFFFFFD50] =	vst v8  }
0x8c: {  	s5 =	sand.u32 $0x7F, s5;
	v8 =	vld.idx.msk [tilespmem:v29+s14+$0x0], $0xffff  }
0x8d: {  	v30 =	vor.u32 s5, v0;
	_ =	sdelay $0x3  }
0x8e: {  	[tilespmem:s31+$0xFFFFFD54] =	vst v8  }
0x8f: {  	v8 =	vld.idx.msk [tilespmem:v30+s16+$0x0], $0xffff  }
0x90: {  	v31 =	vor.u32 s5, v1;
	_ =	sdelay $0x3  }
0x91: {  	[tilespmem:s31+$0xFFFFFD80] =	vst v8  }
0x92: {  	v8 =	vld.idx.msk [tilespmem:v31+s16+$0x0], $0xffff  }
0x93: {  	v32 =	vor.u32 s5, v2;
	_ =	sdelay $0x3  }
0x94: {  	[tilespmem:s31+$0xFFFFFD90] =	vst v8  }
0x95: {  	v8 =	vld.idx.msk [tilespmem:v32+s16+$0x0], $0xffff  }
0x96: {  	v33 =	vor.u32 s5, v3;
	_ =	sdelay $0x3  }
0x97: {  	[tilespmem:s31+$0xFFFFFDA0] =	vst v8  }
0x98: {  	v8 =	vld.idx.msk [tilespmem:v33+s16+$0x0], $0xffff  }
0x99: {  	v34 =	vor.u32 s5, v4;
	_ =	sdelay $0x3  }
0x9a: {  	(v2sf) =	vpush v7, $0x8;
	[tilespmem:s31+$0xFFFFFDB0] =	vst v8  }
0x9b: {  	v8 =	vld.idx.msk [tilespmem:v34+s16+$0x0], $0xffff  }
0x9c: {  	v35 =	vor.u32 s5, v5  }
0x9d: {  	(v2sf) =	vpush v7, $0x9;
	_ =	sdelay $0x2  }
0x9e: {  	[tilespmem:s31+$0xFFFFFDC0] =	vst v8  }
0x9f: {  	v8 =	vld.idx.msk [tilespmem:v35+s16+$0x0], $0xffff  }
0xa0: {  	v36 =	vor.u32 s5, v6;
	_ =	sdelay $0x2  }
0xa1: {  	(v2sf) =	vpush v7, $0xA  }
0xa2: {  	[tilespmem:s31+$0xFFFFFDD0] =	vst v8  }
0xa3: {  	v8 =	vld.idx.msk [tilespmem:v36+s16+$0x0], $0xffff;
	_ =	sdelay $0x1  }
0xa4: {  	s30 =	spop (v2sf);
	(v2sf) =	vpush v7, $0xB;
	_ =	sdelay $0x1  }
0xa5: {  	s7 =	sand.u32 $0xFFFFF80, s30  }
0xa6: {  	s15 =	simm.s32 $0x3080;
	s5 =	sadd.s32 s1, s7;
	s7 =	spop (v2sf);
	[tilespmem:s31+$0xFFFFFDD4] =	vst v8  }
0xa7: {  	[tilespmem:s10], [sflag:$0x1] =	stream.strided.gather [hbm4b:s5+s8], $0x3000, s9, s8, $0x38;
	[tilespmem:$0x1D880] =	vst v63  }
0xa8: {  	s13 =	sand.u32 $0xFFFFF80, s7;
	s5 =	sadd.s32 $0xB71E00, s5  }
0xa9: {  	[tilespmem:s15], [sflag:$0x1] =	stream.linear.gather [hbm4b:s5+s3], $0x200, $0x38;
	[tilespmem:$0x1D880] =	vst v63  }
0xaa: {  	s5 =	sadd.s32 s1, s13  }
0xab: {  	[tilespmem:s12], [sflag:$0x1] =	stream.strided.gather [hbm4b:s5+s8], $0x3000, s9, s8, $0x38;
	[tilespmem:$0x1D880] =	vst v63  }
0xac: {  	s15 =	simm.s32 $0x6480;
	s5 =	sadd.s32 $0xB71E00, s5  }
0xad: {  	[tilespmem:s15], [sflag:$0x1] =	stream.linear.gather [hbm4b:s5+s3], $0x200, $0x38;
	[tilespmem:$0x1D880] =	vst v63  }
0xae: {  	s5 =	spop (v2sf)  }
0xaf: {  	s29 =	sand.u32 $0xFFFFF80, s5  }
0xb0: {  	s13 =	sadd.s32 s1, s29  }
0xb1: {  	[tilespmem:s14], [sflag:$0x1] =	stream.strided.gather [hbm4b:s13+s8], $0x3000, s9, s8, $0x38;
	[tilespmem:$0x1D880] =	vst v63  }
0xb2: {  	s29 =	spop (v2sf);
	s13 =	sadd.s32 $0xB71E00, s13  }
0xb3: {  	[tilespmem:s17], [sflag:$0x1] =	stream.linear.gather [hbm4b:s13+s3], $0x200, $0x38;
	[tilespmem:$0x1D880] =	vst v63  }
0xb4: {  	s13 =	sand.u32 $0xFFFFF80, s29  }
0xb5: {  	s13 =	sadd.s32 s1, s13  }
0xb6: {  	[tilespmem:s16], [sflag:$0x1] =	stream.strided.gather [hbm4b:s13+s8], $0x3000, s9, s8, $0x38;
	[tilespmem:$0x1D880] =	vst v63  }
0xb7: {  	s19 =	simm.s32 $0xCC80;
	s13 =	sadd.s32 $0xB71E00, s13  }
0xb8: {  	[tilespmem:s19], [sflag:$0x1] =	stream.linear.gather [hbm4b:s13+s3], $0x200, $0x38;
	[tilespmem:$0x1D880] =	vst v63  }
0xb9: {  	_ =	swait.ge [sflag:s28], $0x3200  }
0xba: {  	[sflag:s28] =	ssyncset.done $0x0  }
0xbb: {  	[sflag:s28] =	ssyncadd.s32 $0xFFFFCE00  }
0xbc: {  	_ =	swait.ge [sflag:s28], $0x3200  }
0xbd: {  	[sflag:s28] =	ssyncset.done $0x0  }
0xbe: {  	[sflag:s28] =	ssyncadd.s32 $0xFFFFCE00  }
0xbf: {  	s11 =	sand.u32 $0x7F, s11;
	_ =	swait.ge [sflag:s28], $0x3200  }
0xc0: {  	v8 =	vor.u32 s11, v0;
	[sflag:s28] =	ssyncset.done $0x0  }
0xc1: {  	[sflag:s28] =	ssyncadd.s32 $0xFFFFCE00  }
0xc2: {  	_ =	swait.ge [sflag:s28], $0x3200  }
0xc3: {  	[sflag:s28] =	ssyncset.done $0x0  }
0xc4: {  	[sflag:s28] =	ssyncadd.s32 $0xFFFFCE00  }
0xc5: {  	v8 =	vld.idx.msk [tilespmem:v8+s18+$0x0], $0xffff  }
0xc6: {  	v37 =	vor.u32 s11, v1;
	_ =	sdelay $0x3  }
0xc7: {  	[tilespmem:s31+$0xFFFFFE00] =	vst v8  }
0xc8: {  	v8 =	vld.idx.msk [tilespmem:v37+s18+$0x0], $0xffff  }
0xc9: {  	v38 =	vor.u32 s11, v2;
	_ =	sdelay $0x3  }
0xca: {  	[tilespmem:s31+$0xFFFFFE10] =	vst v8  }
0xcb: {  	v8 =	vld.idx.msk [tilespmem:v38+s18+$0x0], $0xffff  }
0xcc: {  	v39 =	vor.u32 s11, v3;
	_ =	sdelay $0x3  }
0xcd: {  	[tilespmem:s31+$0xFFFFFE20] =	vst v8  }
0xce: {  	v8 =	vld.idx.msk [tilespmem:v39+s18+$0x0], $0xffff  }
0xcf: {  	v40 =	vor.u32 s11, v4;
	_ =	sdelay $0x3  }
0xd0: {  	[tilespmem:s31+$0xFFFFFE30] =	vst v8  }
0xd1: {  	v8 =	vld.idx.msk [tilespmem:v40+s18+$0x0], $0xffff  }
0xd2: {  	v41 =	vor.u32 s11, v5;
	_ =	sdelay $0x3  }
0xd3: {  	[tilespmem:s31+$0xFFFFFE40] =	vst v8  }
0xd4: {  	v8 =	vld.idx.msk [tilespmem:v41+s18+$0x0], $0xffff  }
0xd5: {  	v42 =	vor.u32 s11, v6;
	_ =	sdelay $0x3  }
0xd6: {  	[tilespmem:s31+$0xFFFFFE50] =	vst v8  }
0xd7: {  	s6 =	sand.u32 $0x7F, s6;
	v8 =	vld.idx.msk [tilespmem:v42+s18+$0x0], $0xffff  }
0xd8: {  	v43 =	vor.u32 s6, v0;
	_ =	sdelay $0x3  }
0xd9: {  	[tilespmem:s31+$0xFFFFFE54] =	vst v8  }
0xda: {  	v8 =	vld.idx.msk [tilespmem:v43+s20+$0x0], $0xffff  }
0xdb: {  	v44 =	vor.u32 s6, v1;
	_ =	sdelay $0x3  }
0xdc: {  	[tilespmem:s31+$0xFFFFFE80] =	vst v8  }
0xdd: {  	v8 =	vld.idx.msk [tilespmem:v44+s20+$0x0], $0xffff  }
0xde: {  	v45 =	vor.u32 s6, v2;
	_ =	sdelay $0x3  }
0xdf: {  	[tilespmem:s31+$0xFFFFFE90] =	vst v8  }
0xe0: {  	v8 =	vld.idx.msk [tilespmem:v45+s20+$0x0], $0xffff  }
0xe1: {  	v46 =	vor.u32 s6, v3;
	_ =	sdelay $0x3  }
0xe2: {  	[tilespmem:s31+$0xFFFFFEA0] =	vst v8  }
0xe3: {  	v8 =	vld.idx.msk [tilespmem:v46+s20+$0x0], $0xffff  }
0xe4: {  	v47 =	vor.u32 s6, v4;
	_ =	sdelay $0x3  }
0xe5: {  	[tilespmem:s31+$0xFFFFFEB0] =	vst v8  }
0xe6: {  	v8 =	vld.idx.msk [tilespmem:v47+s20+$0x0], $0xffff  }
0xe7: {  	v48 =	vor.u32 s6, v5;
	_ =	sdelay $0x3  }
0xe8: {  	[tilespmem:s31+$0xFFFFFEC0] =	vst v8  }
0xe9: {  	v8 =	vld.idx.msk [tilespmem:v48+s20+$0x0], $0xffff  }
0xea: {  	v49 =	vor.u32 s6, v6;
	_ =	sdelay $0x3  }
0xeb: {  	[tilespmem:s31+$0xFFFFFED0] =	vst v8  }
0xec: {  	s4 =	sand.u32 $0x7F, s4;
	v8 =	vld.idx.msk [tilespmem:v49+s20+$0x0], $0xffff  }
0xed: {  	v50 =	vor.u32 s4, v0;
	_ =	sdelay $0x3  }
0xee: {  	[tilespmem:s31+$0xFFFFFED4] =	vst v8  }
0xef: {  	v8 =	vld.idx.msk [tilespmem:v50+s22+$0x0], $0xffff  }
0xf0: {  	v51 =	vor.u32 s4, v1;
	_ =	sdelay $0x3  }
0xf1: {  	[tilespmem:s31+$0xFFFFFF00] =	vst v8  }
0xf2: {  	v8 =	vld.idx.msk [tilespmem:v51+s22+$0x0], $0xffff  }
0xf3: {  	v52 =	vor.u32 s4, v2;
	_ =	sdelay $0x3  }
0xf4: {  	[tilespmem:s31+$0xFFFFFF10] =	vst v8  }
0xf5: {  	v8 =	vld.idx.msk [tilespmem:v52+s22+$0x0], $0xffff  }
0xf6: {  	v53 =	vor.u32 s4, v3;
	_ =	sdelay $0x3  }
0xf7: {  	[tilespmem:s31+$0xFFFFFF20] =	vst v8  }
0xf8: {  	v8 =	vld.idx.msk [tilespmem:v53+s22+$0x0], $0xffff  }
0xf9: {  	v54 =	vor.u32 s4, v4;
	_ =	sdelay $0x3  }
0xfa: {  	[tilespmem:s31+$0xFFFFFF30] =	vst v8  }
0xfb: {  	v8 =	vld.idx.msk [tilespmem:v54+s22+$0x0], $0xffff  }
0xfc: {  	v55 =	vor.u32 s4, v5;
	_ =	sdelay $0x3  }
0xfd: {  	[tilespmem:s31+$0xFFFFFF40] =	vst v8  }
0xfe: {  	v8 =	vld.idx.msk [tilespmem:v55+s22+$0x0], $0xffff  }
0xff: {  	v56 =	vor.u32 s4, v6;
	_ =	sdelay $0x3  }
0x100: {  	[tilespmem:s31+$0xFFFFFF50] =	vst v8  }
0x101: {  	s0 =	sand.u32 $0x7F, s0;
	v8 =	vld.idx.msk [tilespmem:v56+s22+$0x0], $0xffff  }
0x102: {  	v57 =	vor.u32 s0, v0;
	_ =	sdelay $0x3  }
0x103: {  	[tilespmem:s31+$0xFFFFFF54] =	vst v8  }
0x104: {  	v8 =	vld.idx.msk [tilespmem:v57+s24+$0x0], $0xffff  }
0x105: {  	v58 =	vor.u32 s0, v1;
	_ =	sdelay $0x3  }
0x106: {  	[tilespmem:s31+$0xFFFFFF80] =	vst v8  }
0x107: {  	v8 =	vld.idx.msk [tilespmem:v58+s24+$0x0], $0xffff  }
0x108: {  	v59 =	vor.u32 s0, v2;
	_ =	sdelay $0x3  }
0x109: {  	[tilespmem:s31+$0xFFFFFF90] =	vst v8  }
0x10a: {  	v8 =	vld.idx.msk [tilespmem:v59+s24+$0x0], $0xffff  }
0x10b: {  	v60 =	vor.u32 s0, v3;
	_ =	sdelay $0x3  }
0x10c: {  	[tilespmem:s31+$0xFFFFFFA0] =	vst v8  }
0x10d: {  	v8 =	vld.idx.msk [tilespmem:v60+s24+$0x0], $0xffff  }
0x10e: {  	v61 =	vor.u32 s0, v4;
	_ =	sdelay $0x3  }
0x10f: {  	(v2sf) =	vpush v7, $0xC;
	[tilespmem:s31+$0xFFFFFFB0] =	vst v8  }
0x110: {  	v8 =	vld.idx.msk [tilespmem:v61+s24+$0x0], $0xffff  }
0x111: {  	v62 =	vor.u32 s0, v5  }
0x112: {  	(v2sf) =	vpush v7, $0xD;
	_ =	sdelay $0x2  }
0x113: {  	[tilespmem:s31+$0xFFFFFFC0] =	vst v8  }
0x114: {  	(v2sf) =	vpush v7, $0xE;
	v8 =	vld.idx.msk [tilespmem:v62+s24+$0x0], $0xffff  }
0x115: {  	v63 =	vor.u32 s0, v6;
	_ =	sdelay $0x3  }
0x116: {  	[tilespmem:s31+$0xFFFFFFD0] =	vst v8  }
0x117: {  	v8 =	vld.idx.msk [tilespmem:v63+s24+$0x0], $0xffff;
	_ =	sdelay $0x1  }
0x118: {  	s11 =	spop (v2sf);
	(v2sf) =	vpush v7, $0xF;
	_ =	sdelay $0x1  }
0x119: {  	s13 =	sand.u32 $0xFFFFF80, s11  }
0x11a: {  	s19 =	simm.s32 $0x10080;
	s6 =	spop (v2sf);
	s0 =	sadd.s32 s1, s13;
	[tilespmem:s31+$0xFFFFFFD4] =	vst v8  }
0x11b: {  	[tilespmem:s18], [sflag:$0x2] =	stream.strided.gather [hbm4b:s0+s8], $0x3000, s9, s8, $0x38;
	[tilespmem:$0x1D880] =	vst v63  }
0x11c: {  	s4 =	sand.u32 $0xFFFFF80, s6;
	s0 =	sadd.s32 $0xB71E00, s0  }
0x11d: {  	[tilespmem:s19], [sflag:$0x2] =	stream.linear.gather [hbm4b:s0+s3], $0x200, $0x38;
	[tilespmem:$0x1D880] =	vst v63  }
0x11e: {  	s0 =	sadd.s32 s1, s4;
	s4 =	spop (v2sf)  }
0x11f: {  	[tilespmem:s20], [sflag:$0x2] =	stream.strided.gather [hbm4b:s0+s8], $0x3000, s9, s8, $0x38;
	[tilespmem:$0x1D880] =	vst v63  }
0x120: {  	s13 =	sand.u32 $0xFFFFF80, s4;
	s0 =	sadd.s32 $0xB71E00, s0  }
0x121: {  	[tilespmem:s21], [sflag:$0x2] =	stream.linear.gather [hbm4b:s0+s3], $0x200, $0x38;
	[tilespmem:$0x1D880] =	vst v63  }
0x122: {  	s0 =	sadd.s32 s1, s13  }
0x123: {  	[tilespmem:s22], [sflag:$0x2] =	stream.strided.gather [hbm4b:s0+s8], $0x3000, s9, s8, $0x38;
	[tilespmem:$0x1D880] =	vst v63  }
0x124: {  	s0 =	sadd.s32 $0xB71E00, s0  }
0x125: {  	[tilespmem:s23], [sflag:$0x2] =	stream.linear.gather [hbm4b:s0+s3], $0x200, $0x38;
	[tilespmem:$0x1D880] =	vst v63  }
0x126: {  	s0 =	spop (v2sf)  }
0x127: {  	s13 =	sand.u32 $0xFFFFF80, s0  }
0x128: {  	s13 =	sadd.s32 s1, s13  }
0x129: {  	[tilespmem:s24], [sflag:$0x2] =	stream.strided.gather [hbm4b:s13+s8], $0x3000, s9, s8, $0x38;
	[tilespmem:$0x1D880] =	vst v63  }
0x12a: {  	s13 =	sadd.s32 $0xB71E00, s13  }
0x12b: {  	[tilespmem:s25], [sflag:$0x2] =	stream.linear.gather [hbm4b:s13+s3], $0x200, $0x38;
	[tilespmem:$0x1D880] =	vst v63  }
0x12c: {  	_ =	swait.ge [sflag:s26], $0x3200  }
0x12d: {  	[sflag:s26] =	ssyncset.done $0x0  }
0x12e: {  	[sflag:s26] =	ssyncadd.s32 $0xFFFFCE00  }
0x12f: {  	_ =	swait.ge [sflag:s26], $0x3200  }
0x130: {  	[sflag:s26] =	ssyncset.done $0x0  }
0x131: {  	[sflag:s26] =	ssyncadd.s32 $0xFFFFCE00  }
0x132: {  	s30 =	sand.u32 $0x7F, s30;
	_ =	swait.ge [sflag:s26], $0x3200  }
0x133: {  	v7 =	vor.u32 s30, v0;
	[sflag:s26] =	ssyncset.done $0x0  }
0x134: {  	[sflag:s26] =	ssyncadd.s32 $0xFFFFCE00  }
0x135: {  	_ =	swait.ge [sflag:s26], $0x3200  }
0x136: {  	[sflag:s26] =	ssyncset.done $0x0  }
0x137: {  	[sflag:s26] =	ssyncadd.s32 $0xFFFFCE00  }
0x138: {  	v7 =	vld.idx.msk [tilespmem:v7+s10+$0x0], $0xffff  }
0x139: {  	v8 =	vor.u32 s30, v1;
	_ =	sdelay $0x3  }
0x13a: {  	[tilespmem:s31+$0x0] =	vst v7  }
0x13b: {  	v7 =	vld.idx.msk [tilespmem:v8+s10+$0x0], $0xffff  }
0x13c: {  	v8 =	vor.u32 s30, v2;
	_ =	sdelay $0x3  }
0x13d: {  	[tilespmem:s31+$0x10] =	vst v7  }
0x13e: {  	v7 =	vld.idx.msk [tilespmem:v8+s10+$0x0], $0xffff  }
0x13f: {  	v8 =	vor.u32 s30, v3;
	_ =	sdelay $0x3  }
0x140: {  	[tilespmem:s31+$0x20] =	vst v7  }
0x141: {  	v7 =	vld.idx.msk [tilespmem:v8+s10+$0x0], $0xffff  }
0x142: {  	v8 =	vor.u32 s30, v4;
	_ =	sdelay $0x3  }
0x143: {  	[tilespmem:s31+$0x30] =	vst v7  }
0x144: {  	v7 =	vld.idx.msk [tilespmem:v8+s10+$0x0], $0xffff  }
0x145: {  	v8 =	vor.u32 s30, v5;
	_ =	sdelay $0x3  }
0x146: {  	[tilespmem:s31+$0x40] =	vst v7  }
0x147: {  	v7 =	vld.idx.msk [tilespmem:v8+s10+$0x0], $0xffff  }
0x148: {  	v8 =	vor.u32 s30, v6;
	_ =	sdelay $0x3  }
0x149: {  	[tilespmem:s31+$0x50] =	vst v7  }
0x14a: {  	s7 =	sand.u32 $0x7F, s7;
	v7 =	vld.idx.msk [tilespmem:v8+s10+$0x0], $0xffff  }
0x14b: {  	v8 =	vor.u32 s7, v0;
	_ =	sdelay $0x3  }
0x14c: {  	[tilespmem:s31+$0x54] =	vst v7  }
0x14d: {  	v7 =	vld.idx.msk [tilespmem:v8+s12+$0x0], $0xffff  }
0x14e: {  	v8 =	vor.u32 s7, v1;
	_ =	sdelay $0x3  }
0x14f: {  	[tilespmem:s31+$0x80] =	vst v7  }
0x150: {  	v7 =	vld.idx.msk [tilespmem:v8+s12+$0x0], $0xffff  }
0x151: {  	v8 =	vor.u32 s7, v2;
	_ =	sdelay $0x3  }
0x152: {  	[tilespmem:s31+$0x90] =	vst v7  }
0x153: {  	v7 =	vld.idx.msk [tilespmem:v8+s12+$0x0], $0xffff  }
0x154: {  	v8 =	vor.u32 s7, v3;
	_ =	sdelay $0x3  }
0x155: {  	[tilespmem:s31+$0xA0] =	vst v7  }
0x156: {  	v7 =	vld.idx.msk [tilespmem:v8+s12+$0x0], $0xffff  }
0x157: {  	v8 =	vor.u32 s7, v4;
	_ =	sdelay $0x3  }
0x158: {  	[tilespmem:s31+$0xB0] =	vst v7  }
0x159: {  	v7 =	vld.idx.msk [tilespmem:v8+s12+$0x0], $0xffff  }
0x15a: {  	v8 =	vor.u32 s7, v5;
	_ =	sdelay $0x3  }
0x15b: {  	[tilespmem:s31+$0xC0] =	vst v7  }
0x15c: {  	v7 =	vld.idx.msk [tilespmem:v8+s12+$0x0], $0xffff  }
0x15d: {  	v8 =	vor.u32 s7, v6;
	_ =	sdelay $0x3  }
0x15e: {  	[tilespmem:s31+$0xD0] =	vst v7  }
0x15f: {  	s5 =	sand.u32 $0x7F, s5;
	v7 =	vld.idx.msk [tilespmem:v8+s12+$0x0], $0xffff  }
0x160: {  	v8 =	vor.u32 s5, v0;
	_ =	sdelay $0x3  }
0x161: {  	[tilespmem:s31+$0xD4] =	vst v7  }
0x162: {  	v7 =	vld.idx.msk [tilespmem:v8+s14+$0x0], $0xffff  }
0x163: {  	v8 =	vor.u32 s5, v1;
	_ =	sdelay $0x3  }
0x164: {  	[tilespmem:s31+$0x100] =	vst v7  }
0x165: {  	v7 =	vld.idx.msk [tilespmem:v8+s14+$0x0], $0xffff  }
0x166: {  	v8 =	vor.u32 s5, v2;
	_ =	sdelay $0x3  }
0x167: {  	[tilespmem:s31+$0x110] =	vst v7  }
0x168: {  	v7 =	vld.idx.msk [tilespmem:v8+s14+$0x0], $0xffff  }
0x169: {  	v8 =	vor.u32 s5, v3;
	_ =	sdelay $0x3  }
0x16a: {  	[tilespmem:s31+$0x120] =	vst v7  }
0x16b: {  	v7 =	vld.idx.msk [tilespmem:v8+s14+$0x0], $0xffff  }
0x16c: {  	v8 =	vor.u32 s5, v4;
	_ =	sdelay $0x3  }
0x16d: {  	[tilespmem:s31+$0x130] =	vst v7  }
0x16e: {  	v7 =	vld.idx.msk [tilespmem:v8+s14+$0x0], $0xffff  }
0x16f: {  	v8 =	vor.u32 s5, v5;
	_ =	sdelay $0x3  }
0x170: {  	[tilespmem:s31+$0x140] =	vst v7  }
0x171: {  	v7 =	vld.idx.msk [tilespmem:v8+s14+$0x0], $0xffff  }
0x172: {  	v8 =	vor.u32 s5, v6;
	_ =	sdelay $0x3  }
0x173: {  	[tilespmem:s31+$0x150] =	vst v7  }
0x174: {  	s13 =	sand.u32 $0x7F, s29;
	v7 =	vld.idx.msk [tilespmem:v8+s14+$0x0], $0xffff  }
0x175: {  	v8 =	vor.u32 s13, v0;
	_ =	sdelay $0x3  }
0x176: {  	[tilespmem:s31+$0x154] =	vst v7  }
0x177: {  	v7 =	vld.idx.msk [tilespmem:v8+s16+$0x0], $0xffff  }
0x178: {  	v8 =	vor.u32 s13, v1;
	_ =	sdelay $0x3  }
0x179: {  	[tilespmem:s31+$0x180] =	vst v7  }
0x17a: {  	v7 =	vld.idx.msk [tilespmem:v8+s16+$0x0], $0xffff  }
0x17b: {  	v8 =	vor.u32 s13, v2;
	_ =	sdelay $0x3  }
0x17c: {  	[tilespmem:s31+$0x190] =	vst v7  }
0x17d: {  	v7 =	vld.idx.msk [tilespmem:v8+s16+$0x0], $0xffff  }
0x17e: {  	v8 =	vor.u32 s13, v3;
	_ =	sdelay $0x3  }
0x17f: {  	[tilespmem:s31+$0x1A0] =	vst v7  }
0x180: {  	v7 =	vld.idx.msk [tilespmem:v8+s16+$0x0], $0xffff  }
0x181: {  	v8 =	vor.u32 s13, v4;
	_ =	sdelay $0x3  }
0x182: {  	[tilespmem:s31+$0x1B0] =	vst v7  }
0x183: {  	v7 =	vld.idx.msk [tilespmem:v8+s16+$0x0], $0xffff  }
0x184: {  	v8 =	vor.u32 s13, v5;
	_ =	sdelay $0x3  }
0x185: {  	[tilespmem:s31+$0x1C0] =	vst v7  }
0x186: {  	v7 =	vld.idx.msk [tilespmem:v8+s16+$0x0], $0xffff  }
0x187: {  	v8 =	vor.u32 s13, v6;
	_ =	sdelay $0x3  }
0x188: {  	[tilespmem:s31+$0x1D0] =	vst v7  }
0x189: {  	v7 =	vld.idx.msk [tilespmem:v8+s16+$0x0], $0xffff;
	_ =	sdelay $0x4  }
0x18a: {  	[tilespmem:s31+$0x1D4] =	vst v7  }
0x18b: {  	_ =	swait.ge [sflag:s28], $0x3200  }
0x18c: {  	[sflag:s28] =	ssyncset.done $0x0  }
0x18d: {  	[sflag:s28] =	ssyncadd.s32 $0xFFFFCE00  }
0x18e: {  	_ =	swait.ge [sflag:s28], $0x3200  }
0x18f: {  	[sflag:s28] =	ssyncset.done $0x0  }
0x190: {  	[sflag:s28] =	ssyncadd.s32 $0xFFFFCE00  }
0x191: {  	s29 =	sand.u32 $0x7F, s11;
	_ =	swait.ge [sflag:s28], $0x3200  }
0x192: {  	v7 =	vor.u32 s29, v0;
	[sflag:s28] =	ssyncset.done $0x0  }
0x193: {  	[sflag:s28] =	ssyncadd.s32 $0xFFFFCE00  }
0x194: {  	_ =	swait.ge [sflag:s28], $0x3200  }
0x195: {  	[sflag:s28] =	ssyncset.done $0x0  }
0x196: {  	[sflag:s28] =	ssyncadd.s32 $0xFFFFCE00  }
0x197: {  	v7 =	vld.idx.msk [tilespmem:v7+s18+$0x0], $0xffff  }
0x198: {  	v8 =	vor.u32 s29, v1;
	_ =	sdelay $0x3  }
0x199: {  	[tilespmem:s31+$0x200] =	vst v7  }
0x19a: {  	v7 =	vld.idx.msk [tilespmem:v8+s18+$0x0], $0xffff  }
0x19b: {  	v8 =	vor.u32 s29, v2;
	_ =	sdelay $0x3  }
0x19c: {  	[tilespmem:s31+$0x210] =	vst v7  }
0x19d: {  	v7 =	vld.idx.msk [tilespmem:v8+s18+$0x0], $0xffff  }
0x19e: {  	v8 =	vor.u32 s29, v3;
	_ =	sdelay $0x3  }
0x19f: {  	[tilespmem:s31+$0x220] =	vst v7  }
0x1a0: {  	v7 =	vld.idx.msk [tilespmem:v8+s18+$0x0], $0xffff  }
0x1a1: {  	v8 =	vor.u32 s29, v4;
	_ =	sdelay $0x3  }
0x1a2: {  	[tilespmem:s31+$0x230] =	vst v7  }
0x1a3: {  	v7 =	vld.idx.msk [tilespmem:v8+s18+$0x0], $0xffff  }
0x1a4: {  	v8 =	vor.u32 s29, v5;
	_ =	sdelay $0x3  }
0x1a5: {  	[tilespmem:s31+$0x240] =	vst v7  }
0x1a6: {  	v7 =	vld.idx.msk [tilespmem:v8+s18+$0x0], $0xffff  }
0x1a7: {  	v8 =	vor.u32 s29, v6;
	_ =	sdelay $0x3  }
0x1a8: {  	[tilespmem:s31+$0x250] =	vst v7  }
0x1a9: {  	s30 =	sand.u32 $0x7F, s6;
	v7 =	vld.idx.msk [tilespmem:v8+s18+$0x0], $0xffff  }
0x1aa: {  	v8 =	vor.u32 s30, v0;
	_ =	sdelay $0x3  }
0x1ab: {  	[tilespmem:s31+$0x254] =	vst v7  }
0x1ac: {  	v7 =	vld.idx.msk [tilespmem:v8+s20+$0x0], $0xffff  }
0x1ad: {  	v8 =	vor.u32 s30, v1;
	_ =	sdelay $0x3  }
0x1ae: {  	[tilespmem:s31+$0x280] =	vst v7  }
0x1af: {  	v7 =	vld.idx.msk [tilespmem:v8+s20+$0x0], $0xffff  }
0x1b0: {  	v8 =	vor.u32 s30, v2;
	_ =	sdelay $0x3  }
0x1b1: {  	[tilespmem:s31+$0x290] =	vst v7  }
0x1b2: {  	v7 =	vld.idx.msk [tilespmem:v8+s20+$0x0], $0xffff  }
0x1b3: {  	v8 =	vor.u32 s30, v3;
	_ =	sdelay $0x3  }
0x1b4: {  	[tilespmem:s31+$0x2A0] =	vst v7  }
0x1b5: {  	v7 =	vld.idx.msk [tilespmem:v8+s20+$0x0], $0xffff  }
0x1b6: {  	v8 =	vor.u32 s30, v4;
	_ =	sdelay $0x3  }
0x1b7: {  	[tilespmem:s31+$0x2B0] =	vst v7  }
0x1b8: {  	v7 =	vld.idx.msk [tilespmem:v8+s20+$0x0], $0xffff  }
0x1b9: {  	v8 =	vor.u32 s30, v5;
	_ =	sdelay $0x3  }
0x1ba: {  	[tilespmem:s31+$0x2C0] =	vst v7  }
0x1bb: {  	v7 =	vld.idx.msk [tilespmem:v8+s20+$0x0], $0xffff  }
0x1bc: {  	v8 =	vor.u32 s30, v6;
	_ =	sdelay $0x3  }
0x1bd: {  	[tilespmem:s31+$0x2D0] =	vst v7  }
0x1be: {  	s4 =	sand.u32 $0x7F, s4;
	v7 =	vld.idx.msk [tilespmem:v8+s20+$0x0], $0xffff  }
0x1bf: {  	v8 =	vor.u32 s4, v0;
	_ =	sdelay $0x3  }
0x1c0: {  	[tilespmem:s31+$0x2D4] =	vst v7  }
0x1c1: {  	v7 =	vld.idx.msk [tilespmem:v8+s22+$0x0], $0xffff  }
0x1c2: {  	v8 =	vor.u32 s4, v1;
	_ =	sdelay $0x3  }
0x1c3: {  	[tilespmem:s31+$0x300] =	vst v7  }
0x1c4: {  	v7 =	vld.idx.msk [tilespmem:v8+s22+$0x0], $0xffff  }
0x1c5: {  	v8 =	vor.u32 s4, v2;
	_ =	sdelay $0x3  }
0x1c6: {  	[tilespmem:s31+$0x310] =	vst v7  }
0x1c7: {  	v7 =	vld.idx.msk [tilespmem:v8+s22+$0x0], $0xffff  }
0x1c8: {  	v8 =	vor.u32 s4, v3;
	_ =	sdelay $0x3  }
0x1c9: {  	[tilespmem:s31+$0x320] =	vst v7  }
0x1ca: {  	v7 =	vld.idx.msk [tilespmem:v8+s22+$0x0], $0xffff  }
0x1cb: {  	v8 =	vor.u32 s4, v4;
	_ =	sdelay $0x3  }
0x1cc: {  	[tilespmem:s31+$0x330] =	vst v7  }
0x1cd: {  	v7 =	vld.idx.msk [tilespmem:v8+s22+$0x0], $0xffff  }
0x1ce: {  	v8 =	vor.u32 s4, v5;
	_ =	sdelay $0x3  }
0x1cf: {  	[tilespmem:s31+$0x340] =	vst v7  }
0x1d0: {  	v7 =	vld.idx.msk [tilespmem:v8+s22+$0x0], $0xffff  }
0x1d1: {  	v8 =	vor.u32 s4, v6;
	_ =	sdelay $0x3  }
0x1d2: {  	[tilespmem:s31+$0x350] =	vst v7  }
0x1d3: {  	s0 =	sand.u32 $0x7F, s0;
	v7 =	vld.idx.msk [tilespmem:v8+s22+$0x0], $0xffff  }
0x1d4: {  	v8 =	vor.u32 s0, v0;
	_ =	sdelay $0x3  }
0x1d5: {  	[tilespmem:s31+$0x354] =	vst v7  }
0x1d6: {  	v7 =	vld.idx.msk [tilespmem:v8+s24+$0x0], $0xffff  }
0x1d7: {  	v8 =	vor.u32 s0, v1;
	_ =	sdelay $0x3  }
0x1d8: {  	[tilespmem:s31+$0x380] =	vst v7  }
0x1d9: {  	v7 =	vld.idx.msk [tilespmem:v8+s24+$0x0], $0xffff  }
0x1da: {  	v8 =	vor.u32 s0, v2;
	_ =	sdelay $0x3  }
0x1db: {  	[tilespmem:s31+$0x390] =	vst v7  }
0x1dc: {  	v7 =	vld.idx.msk [tilespmem:v8+s24+$0x0], $0xffff  }
0x1dd: {  	v8 =	vor.u32 s0, v3;
	_ =	sdelay $0x3  }
0x1de: {  	[tilespmem:s31+$0x3A0] =	vst v7  }
0x1df: {  	v7 =	vld.idx.msk [tilespmem:v8+s24+$0x0], $0xffff  }
0x1e0: {  	v8 =	vor.u32 s0, v4;
	_ =	sdelay $0x3  }
0x1e1: {  	[tilespmem:s31+$0x3B0] =	vst v7  }
0x1e2: {  	v7 =	vld.idx.msk [tilespmem:v8+s24+$0x0], $0xffff  }
0x1e3: {  	v8 =	vor.u32 s0, v5;
	_ =	sdelay $0x3  }
0x1e4: {  	[tilespmem:s31+$0x3C0] =	vst v7  }
0x1e5: {  	v7 =	vld.idx.msk [tilespmem:v8+s24+$0x0], $0xffff  }
0x1e6: {  	v8 =	vor.u32 s0, v6;
	_ =	sdelay $0x3  }
0x1e7: {  	[tilespmem:s31+$0x3D0] =	vst v7  }
0x1e8: {  	p0 =	sne.s32 s2, $0x180;
	v7 =	vld.idx.msk [tilespmem:v8+s24+$0x0], $0xffff  }
.Ltmp0:
0x1e9: {  	_ = 	snop;
	(pc) =	sbr.rel @p0 .LBB2_2-.Ltmp0, $3  }
0x1ea: {  	_ =	sdelay $0x1  }
0x1eb: {  	s2 =	sadd.s32 $0x40, s2;
	s6 =	simm.s32 $0xCC80  }
0x1ec: {  	s5 =	simm.s32 $0x9880;
	s4 =	simm.s32 $0x3080;
	[tilespmem:s31+$0x3D4] =	vst v7;
	s31 =	sadd.s32 $0x800, s31  }
0x1ed: {  	s0 =	rddreg [dreg:$0x5];
	s2 =	simm.s32 $0x1A080  }
0x1ee: {  	[hbm4b:s0+s3] =	stream.linear.scatter [tilespmem:s2], [sflag:$0x3], $0x3800, $0x38;
	[tilespmem:$0x1D880] =	vst v63  }
0x1ef: {  	s2 =	simm.s32 $0x3  }
0x1f0: {  	_ =	swait.ge [sflag:s2], $0x3800  }
0x1f1: {  	s7 =	rddreg [dreg:$0x7]  }
0x1f2: {  	s31 =	rddreg [dreg:$0x6];
	s7 =	sadd.s32 $0x1, s7  }
0x1f3: {  	p0 =	sne.s32 s7, s31  }
.Ltmp1:
0x1f4: {  	_ = 	snop;
	(pc) =	sbr.rel @p0 .LBB2_1-.Ltmp1, $3  }
0x1f5: {  	_ =	sdelay $0x1  }
0x1f6: {  	[sflag:s2] =	ssyncset.done $0x0  }
0x1f7: {  	[sflag:s2] =	ssyncadd.s32 $0xFFFFC800  }
0x1f8: {  	_ =	sfence.sel $0x180000  }
0x1f9: {  	[bflag:$0x0] =	sbarrier.arrive $0xFFFF  }
0x1fa: {  	_ =	strace $0x90000047  }
0x1fb: {  	s0 =	stileid.u32;
	[bflag:$0x2] =	sbarrier.arrive $0xFFFF  }
0x1fc: {  	p0 =	sne.s32 s0, $0x0;
	s0 =	rddreg [dreg:$0x3]  }
0x1fd: {  	s0 =	sadd.s32 @!p0 $0x100000, s0  }
0x1fe: {  	[sflag:s0] =	ssyncadd.tile.s32 @!p0 $0x1;
	_ =	shalt  }
.Lfunc_end2:
_tile_overlayer_lowered:
.L_overlay_start_2:
0x1ff: {  	(tag) =	ssettag $0x2  }
0x200: {  	s0 =	rddreg [dreg:$0x0];
	s2 =	stileid.u32  }
0x201: {  	s1 =	rddreg [dreg:$0x1];
	p0 =	sne.s32 s2, $0x0  }
0x202: {  	s3 =	rddreg [dreg:$0x2];
	[bflag:$0x3] =	sbarrier.arrive $0xFFFF;
	s2 =	simm.s32 @!p0 $0x1C03  }
0x203: {  	[timem:s3], [sflag:s2] =	dma.local @!p0 [hbm:s0], s1  }
0x204: {  	s0 =	simm.s32 @!p0 $0x3  }
0x205: {  	_ =	swait.ge @!p0 [sflag:s0], s1  }
0x206: {  	s1 =	ssub.s32 @!p0 $0x0, s1;
	[sflag:s0] =	ssyncset.done @!p0 $0x0  }
0x207: {  	[sflag:s0] =	ssyncadd.s32 @!p0 s1  }
0x208: {  	[bflag:$0x3] =	sbarrier.arrive $0xFFFF  }
0x209: {  	_ =	shalt  }

</sc_bundles>
